<compile_context>
chip_gen: v7x
topology: tpu7x:2x2x1
jax: 0.10.2.dev20260603
libtpu: 0.0.44.dev20260713+nightly
codegen_flags: <defaults>
</compile_context>

<pallas_src>
import functools

import jax
import jax.numpy as jnp
from jax import lax
from jax.experimental import pallas as pl
from jax.experimental.pallas import tpu as pltpu
from jax.experimental.pallas import tpu_sc as plsc

_HIGHEST = jax.lax.Precision.HIGHEST
_DEFAULT = jax.lax.Precision.DEFAULT
_INT_MIN = -2147483648
_INT_MAX = 2147483647
_MAG = 0x7FFFFFFF


def _dot(a, b, precision=_HIGHEST):
    return jax.lax.dot_general(a, b, (((1,), (0,)), ((), ())),
                               preferred_element_type=jnp.float32,
                               precision=precision)


def _monotone_int(x):
    b = jax.lax.bitcast_convert_type(x, jnp.int32)
    return jnp.where(b < 0, -(b & _MAG), b)


def _kth_smallest_blocks(key_block_fn, nblk, tb, w, k, lo0, hi0):
    kf = jnp.float32(k)
    ones_w = jnp.ones((w, 1), jnp.float32)

    def cond(carry):
        i, lo, hi = carry
        return (i < 32) & jnp.any(lo < hi)

    def body(carry):
        i, lo, hi = carry
        mid = (lo >> 1) + (hi >> 1) + (lo & hi & 1)

        def cnt_body(j, cnt):
            blk = (key_block_fn(j) <= mid).astype(jnp.float32)
            return cnt + _dot(blk, ones_w, _DEFAULT)

        cnt = jax.lax.fori_loop(0, nblk, cnt_body,
                                jnp.zeros((tb, 1), jnp.float32))
        ge = cnt >= kf
        return i + 1, jnp.where(ge, lo, mid + 1), jnp.where(ge, mid, hi)

    _, lo, hi = jax.lax.while_loop(cond, body, (jnp.int32(0), lo0, hi0))
    return hi


def _eg(s, tau, sel):
    raw = s - tau
    g = jnp.where(raw > 0, raw, 1e-8 * jnp.exp(jnp.minimum(raw, 0.0)))
    eg = jnp.exp(g) - 1.0
    return jnp.where(sel, eg, 0.0)


def _thresholds_compact(cd_ref, cs_ref, tb, n_cand, max_k):
    dkey = _monotone_int(cd_ref[...])
    cap = dkey.shape[1]
    dlo = jnp.min(dkey, axis=1, keepdims=True)
    dhi = jnp.max(dkey, axis=1, keepdims=True)
    t64 = _kth_smallest_blocks(lambda j: dkey, 1, tb, cap, n_cand, dlo, dhi)

    cand = dkey <= t64
    skey = jnp.where(cand, -_monotone_int(cs_ref[...]), jnp.int32(_INT_MAX))
    slo = jnp.min(skey, axis=1, keepdims=True)
    shi = jnp.max(jnp.where(cand, skey, _INT_MIN), axis=1, keepdims=True)
    t16 = _kth_smallest_blocks(lambda j: skey, 1, tb, cap, max_k, slo, shi)
    return t64, t16


def _sel_of(d_blk, s_blk, t64, t16):
    return (_monotone_int(d_blk) <= t64) & (-_monotone_int(s_blk) <= t16)


def _stage_a1_body(x_ref, qkpos_ref, vpos_ref, qknt_ref, vnt_ref,
                   npqt_ref, npvt_ref,
                   sqk_ref, sv_ref, dqk_ref, dv_ref):
    x = x_ref[...]
    qkpos = qkpos_ref[...]
    vpos = vpos_ref[...]
    qknt = qknt_ref[...]
    vnt = vnt_ref[...]
    npqt = npqt_ref[...]
    npvt = npvt_ref[...]
    sqk_ref[...] = _dot(x, qknt, _HIGHEST)
    sv_ref[...] = _dot(x, vnt, _HIGHEST)
    psq_qk = jnp.sum(qkpos * qkpos, axis=1, keepdims=True)
    psq_v = jnp.sum(vpos * vpos, axis=1, keepdims=True)
    nsq_q = jnp.sum(npqt * npqt, axis=0, keepdims=True)
    nsq_v = jnp.sum(npvt * npvt, axis=0, keepdims=True)
    dqk_ref[...] = nsq_q - 2.0 * _dot(qkpos, npqt, _HIGHEST) + psq_qk
    dv_ref[...] = nsq_v - 2.0 * _dot(vpos, npvt, _HIGHEST) + psq_v


def _stage_a2qk_body(tb, nbw, nblk, n_cand, max_k,
                     s_ref, d_ref, cd_ref, cs_ref, tauq_ref, tauk_ref,
                     qkn_ref, q_ref, k_ref, pos_ref):
    t64, t16 = _thresholds_compact(cd_ref, cs_ref, tb, n_cand, max_k)
    tau_q = tauq_ref[...]
    tau_k = tauk_ref[...]
    ones_w = jnp.ones((nbw, 1), jnp.float32)

    def p3a(j, carry):
        gs_q, gm_q, gs_k, gm_k, pos_q = carry
        sl = pl.ds(j * nbw, nbw)
        s = s_ref[:, sl]
        d = d_ref[:, sl]
        sel = _sel_of(d, s, t64, t16)
        eq = _eg(s, tau_q, sel)
        ek = _eg(s, tau_k, sel)
        gs_q += _dot(eq, ones_w, _HIGHEST)
        gm_q = jnp.maximum(gm_q, jnp.max(eq, axis=1, keepdims=True))
        gs_k += _dot(ek, ones_w, _HIGHEST)
        gm_k = jnp.maximum(gm_k, jnp.max(ek, axis=1, keepdims=True))
        pos_q += _dot(eq * d, ones_w, _HIGHEST)
        return (gs_q, gm_q, gs_k, gm_k, pos_q)

    z = jnp.zeros((tb, 1), jnp.float32)
    gs_q, gm_q, gs_k, gm_k, pos_q = jax.lax.fori_loop(
        0, nblk, p3a, (z, z, z, z, z))
    sc_q = jnp.tanh(gm_q) / (gs_q + 1e-8)
    sc_k = jnp.tanh(gm_k) / (gs_k + 1e-8)

    q_ref[...] = jnp.zeros_like(q_ref)
    k_ref[...] = jnp.zeros_like(k_ref)

    def p3b(j, _):
        sl = pl.ds(j * nbw, nbw)
        s = s_ref[:, sl]
        sel = _sel_of(d_ref[:, sl], s, t64, t16)
        qkn = qkn_ref[sl, :]
        q_ref[...] += _dot(s * _eg(s, tau_q, sel), qkn, _DEFAULT)
        k_ref[...] += _dot(s * _eg(s, tau_k, sel), qkn, _DEFAULT)
        return 0

    jax.lax.fori_loop(0, nblk, p3b, 0)
    q_ref[...] *= sc_q
    k_ref[...] *= sc_k
    pos_ref[...] = jnp.sum(sc_q * pos_q)[None, None, None]


def _stage_a2v_body(tb, nbw, nblk, n_cand, max_k,
                    s_ref, d_ref, cd_ref, cs_ref, tauv_ref, vn_ref,
                    v_ref, pos_ref):
    t64, t16 = _thresholds_compact(cd_ref, cs_ref, tb, n_cand, max_k)
    tau_v = tauv_ref[...]

    ones_w = jnp.ones((nbw, 1), jnp.float32)

    def p3a(j, carry):
        gs_v, gm_v, pos_v = carry
        sl = pl.ds(j * nbw, nbw)
        s = s_ref[:, sl]
        d = d_ref[:, sl]
        sel = _sel_of(d, s, t64, t16)
        ev = _eg(s, tau_v, sel)
        gs_v += _dot(ev, ones_w, _HIGHEST)
        gm_v = jnp.maximum(gm_v, jnp.max(ev, axis=1, keepdims=True))
        pos_v += _dot(ev * d, ones_w, _HIGHEST)
        return (gs_v, gm_v, pos_v)

    z = jnp.zeros((tb, 1), jnp.float32)
    gs_v, gm_v, pos_v = jax.lax.fori_loop(0, nblk, p3a, (z, z, z))
    sc_v = jnp.tanh(gm_v) / (gs_v + 1e-8)

    v_ref[...] = jnp.zeros_like(v_ref)

    def p3b(j, _):
        sl = pl.ds(j * nbw, nbw)
        s = s_ref[:, sl]
        sel = _sel_of(d_ref[:, sl], s, t64, t16)
        v_ref[...] += _dot(s * _eg(s, tau_v, sel), vn_ref[sl, :], _DEFAULT)
        return 0

    jax.lax.fori_loop(0, nblk, p3b, 0)
    v_ref[...] *= sc_v
    pos_ref[...] = jnp.sum(sc_v * pos_v)[None, None, None]


_SC_INF = 3.0e38
_SC_CAP = 512


def _make_sc_collect(S, N, cap):
    NW = 32
    t_per_w = S // NW
    mesh = plsc.VectorSubcoreMesh(core_axis_name="c", subcore_axis_name="s")

    @functools.partial(
        pl.kernel, mesh=mesh,
        compiler_params=pltpu.CompilerParams(needs_layout_passes=False),
        out_type=[
            jax.ShapeDtypeStruct((S, cap), jnp.float32),
            jax.ShapeDtypeStruct((S, cap), jnp.float32),
            jax.ShapeDtypeStruct((S, cap), jnp.float32),
            jax.ShapeDtypeStruct((S, cap), jnp.float32),
        ],
        scratch_types=[
            pltpu.VMEM((N,), jnp.float32),
            pltpu.VMEM((N,), jnp.float32),
            pltpu.VMEM((N,), jnp.float32),
            pltpu.VMEM((N,), jnp.float32),
            pltpu.VMEM((cap,), jnp.float32),
            pltpu.VMEM((cap,), jnp.float32),
            pltpu.SemaphoreType.DMA,
            pltpu.SemaphoreType.DMA,
        ],
    )
    def sc_collect(dq_hbm, sq_hbm, dv_hbm, sv_hbm,
                   cdq_hbm, csq_hbm, cdv_hbm, csv_hbm,
                   drow, srow, drow2, srow2, cdrow, csrow, sem1, sem2):
        wid = lax.axis_index("s") * 2 + lax.axis_index("c")

        def one_pool(tok, dr, sr, cd_hbm, cs_hbm):
            def fold_group(g, bnd):
                m = jnp.full((16,), _SC_INF, jnp.float32)
                for i in range(16):
                    m = jnp.minimum(m, dr[pl.ds(g * 256 + i * 16, 16)])
                mn1 = jnp.min(m)
                m = jnp.where(m == mn1, jnp.float32(_SC_INF), m)
                mn2 = jnp.min(m)
                m = jnp.where(m == mn2, jnp.float32(_SC_INF), m)
                mn3 = jnp.min(m)
                m = jnp.where(m == mn3, jnp.float32(_SC_INF), m)
                return jnp.maximum(bnd, jnp.min(m))

            b = lax.fori_loop(0, 16, fold_group, jnp.float32(-_SC_INF))

            for i in range(cap // 16):
                cdrow[pl.ds(i * 16, 16)] = jnp.full((16,), _SC_INF,
                                                    jnp.float32)

            def collect(i8, ptr):
                for di in range(8):
                    off = i8 * 128 + di * 16
                    d = dr[pl.ds(off, 16)]
                    m = d <= b
                    cum = plsc.cumsum(m.astype(jnp.int32))
                    idx = ptr + cum - 1
                    m = m & (idx < cap)
                    s = sr[pl.ds(off, 16)]
                    plsc.store_scatter(cdrow, [idx], d, mask=m)
                    plsc.store_scatter(csrow, [idx], s, mask=m)
                    ptr = ptr + plsc.all_reduce_population_count(m)
                return ptr

            lax.fori_loop(0, N // 128, collect, jnp.zeros((16,), jnp.int32))
            pltpu.sync_copy(cdrow, cd_hbm.at[tok])
            pltpu.sync_copy(csrow, cs_hbm.at[tok])

        def per_token(t, _):
            tok = wid * t_per_w + t
            cp1 = pltpu.async_copy(dq_hbm.at[tok], drow, sem1)
            cp2 = pltpu.async_copy(sq_hbm.at[tok], srow, sem1)
            cp3 = pltpu.async_copy(dv_hbm.at[tok], drow2, sem2)
            cp4 = pltpu.async_copy(sv_hbm.at[tok], srow2, sem2)
            cp1.wait()
            cp2.wait()
            one_pool(tok, drow, srow, cdq_hbm, csq_hbm)
            cp3.wait()
            cp4.wait()
            one_pool(tok, drow2, srow2, cdv_hbm, csv_hbm)
            return 0

        lax.fori_loop(0, t_per_w, per_token, 0)

    return sc_collect


def _stage_b_body(scale, tbq, x_ref, k_ref, v_ref, o_ref):
    i = pl.program_id(1)
    q = x_ref[0]
    kt = k_ref[0]
    v = v_ref[0]
    s = _dot(q, kt, _DEFAULT) * (1.0 / scale)
    row = jax.lax.broadcasted_iota(jnp.int32, s.shape, 0) + i * tbq
    col = jax.lax.broadcasted_iota(jnp.int32, s.shape, 1)
    s = jnp.where(col <= row, s, jnp.finfo(jnp.float32).min)
    m = jnp.max(s, axis=1, keepdims=True)
    p = jnp.exp(s - m)
    l = _dot(p, jnp.ones((p.shape[1], 1), jnp.float32), _HIGHEST)
    o_ref[...] = (_dot(p, v, _DEFAULT) / l)[None]


def _stage_c_body(a_ref, w_ref, o_ref):
    o_ref[...] = _dot(a_ref[...], w_ref[...], _DEFAULT)


def kernel(x, qk_pos, v_pos, tau_Q, tau_K, tau_V, qk_neurons, v_neurons,
           npos_qk, npos_v, expand_O_kernel):
    B, S, D = x.shape
    N, _ = qk_neurons.shape
    P = qk_pos.shape[-1]
    n_heads = 16
    dh = D // n_heads
    max_k = 16
    n_cand = max_k * 4

    x2 = x.reshape(S, D)
    qkp = qk_pos.reshape(S, P)
    vp = v_pos.reshape(S, P)
    tq = tau_Q.reshape(S, 1)
    tk = tau_K.reshape(S, 1)
    tv = tau_V.reshape(S, 1)

    tb = 128
    nb = S // tb
    nbw = 512
    nblk = N // nbw

    tok = lambda i: (i, 0)
    full = lambda i: (0, 0)

    qknt = qk_neurons.T
    vnt = v_neurons.T
    npqt = npos_qk.T
    npvt = npos_v.T
    sqk, sv, dqk, dv = pl.pallas_call(
        _stage_a1_body,
        grid=(nblk, nb),
        in_specs=[
            pl.BlockSpec((tb, D), lambda j, i: (i, 0)),
            pl.BlockSpec((tb, P), lambda j, i: (i, 0)),
            pl.BlockSpec((tb, P), lambda j, i: (i, 0)),
            pl.BlockSpec((D, nbw), lambda j, i: (0, j)),
            pl.BlockSpec((D, nbw), lambda j, i: (0, j)),
            pl.BlockSpec((P, nbw), lambda j, i: (0, j)),
            pl.BlockSpec((P, nbw), lambda j, i: (0, j)),
        ],
        out_specs=[
            pl.BlockSpec((tb, nbw), lambda j, i: (i, j)),
            pl.BlockSpec((tb, nbw), lambda j, i: (i, j)),
            pl.BlockSpec((tb, nbw), lambda j, i: (i, j)),
            pl.BlockSpec((tb, nbw), lambda j, i: (i, j)),
        ],
        out_shape=[
            jax.ShapeDtypeStruct((S, N), jnp.float32),
            jax.ShapeDtypeStruct((S, N), jnp.float32),
            jax.ShapeDtypeStruct((S, N), jnp.float32),
            jax.ShapeDtypeStruct((S, N), jnp.float32),
        ],
    )(x2, qkp, vp, qknt, vnt, npqt, npvt)

    cap = _SC_CAP
    cdq, csq, cdv_c, csv_c = _make_sc_collect(S, N, cap)(dqk, sqk, dv, sv)

    q_buf, k_buf, pos_qk = pl.pallas_call(
        functools.partial(_stage_a2qk_body, tb, nbw, nblk, n_cand, max_k),
        grid=(nb,),
        in_specs=[
            pl.BlockSpec((tb, N), tok),
            pl.BlockSpec((tb, N), tok),
            pl.BlockSpec((tb, cap), tok),
            pl.BlockSpec((tb, cap), tok),
            pl.BlockSpec((tb, 1), tok),
            pl.BlockSpec((tb, 1), tok),
            pl.BlockSpec((N, D), full),
        ],
        out_specs=[
            pl.BlockSpec((tb, D), tok),
            pl.BlockSpec((tb, D), tok),
            pl.BlockSpec((1, 1, 1), lambda i: (i, 0, 0)),
        ],
        out_shape=[
            jax.ShapeDtypeStruct((S, D), jnp.float32),
            jax.ShapeDtypeStruct((S, D), jnp.float32),
            jax.ShapeDtypeStruct((nb, 1, 1), jnp.float32),
        ],
    )(sqk, dqk, cdq, csq, tq, tk, qk_neurons)

    v_buf, pos_v = pl.pallas_call(
        functools.partial(_stage_a2v_body, tb, nbw, nblk, n_cand, max_k),
        grid=(nb,),
        in_specs=[
            pl.BlockSpec((tb, N), tok),
            pl.BlockSpec((tb, N), tok),
            pl.BlockSpec((tb, cap), tok),
            pl.BlockSpec((tb, cap), tok),
            pl.BlockSpec((tb, 1), tok),
            pl.BlockSpec((N, D), full),
        ],
        out_specs=[
            pl.BlockSpec((tb, D), tok),
            pl.BlockSpec((1, 1, 1), lambda i: (i, 0, 0)),
        ],
        out_shape=[
            jax.ShapeDtypeStruct((S, D), jnp.float32),
            jax.ShapeDtypeStruct((nb, 1, 1), jnp.float32),
        ],
    )(sv, dv, cdv_c, csv_c, tv, v_neurons)

    tbq = 256
    nbq = S // tbq
    scale = float(dh) ** 0.5
    q3 = q_buf.reshape(S, n_heads, dh).transpose(1, 0, 2)
    k3 = k_buf.reshape(S, n_heads, dh).transpose(1, 2, 0)
    v3 = v_buf.reshape(S, n_heads, dh).transpose(1, 0, 2)
    attn = pl.pallas_call(
        functools.partial(_stage_b_body, scale, tbq),
        grid=(n_heads, nbq),
        in_specs=[
            pl.BlockSpec((1, tbq, dh), lambda h, i: (h, i, 0)),
            pl.BlockSpec((1, dh, S), lambda h, i: (h, 0, 0)),
            pl.BlockSpec((1, S, dh), lambda h, i: (h, 0, 0)),
        ],
        out_specs=pl.BlockSpec((1, tbq, dh), lambda h, i: (h, i, 0)),
        out_shape=jax.ShapeDtypeStruct((n_heads, S, dh), jnp.float32),
    )(q3, k3, v3)
    attn = attn.transpose(1, 0, 2).reshape(S, D)

    out = pl.pallas_call(
        _stage_c_body,
        grid=(nb,),
        in_specs=[
            pl.BlockSpec((tb, D), tok),
            pl.BlockSpec((D, D), full),
        ],
        out_specs=pl.BlockSpec((tb, D), tok),
        out_shape=jax.ShapeDtypeStruct((S, D), jnp.float32),
    )(attn, expand_O_kernel)

    pos_loss = (jnp.sum(pos_qk) + jnp.sum(pos_v)) / jnp.float32(S * n_cand)
    return out.reshape(B, S, D), pos_loss

# --- scband reference (transcript-rebuilt; emitter-appended) ---
"""Pipeline reference for scband-dawn-74526272520648 (READ-ONLY COPY).

The authoritative reference and input builder live on the scoring server;
editing this copy changes nothing except your own understanding.
"""

import jax, jax.numpy as jnp
import numpy as np

D_MODEL = 1024
N_HEADS = 16
N_NEURONS = 4096
POS_DIM = 16
MAX_K_QK = 16
MAX_K_V = 16
CAND_MULT = 4
CHUNK = 128
B = 1
S = 2048

def threshold_gate(scores, tau, max_k=None):
    raw_gate = scores - tau
    gate = jnp.where(raw_gate > 0, raw_gate, 1e-08 * jnp.exp(raw_gate))
    exp_gate = jnp.exp(gate) - 1.0
    if max_k is not None:
        topk_vals, _ = jax.lax.top_k(exp_gate, max_k)
        threshold = topk_vals[..., -1:]
        exp_gate = jnp.where(exp_gate >= threshold, exp_gate, 0.0)
    gate_sum = exp_gate.sum(axis=-1, keepdims=True) + 1e-08
    gate_strength = jnp.tanh(exp_gate.max(axis=-1, keepdims=True))
    return exp_gate / gate_sum * gate_strength

def setup_inputs(seed: int = 0):
    key = jax.random.key(seed)
    ks = jax.random.split(key, 11)
    x = jax.random.normal(ks[0], (B, S, D_MODEL), jnp.float32)
    qk_pos = jax.random.normal(ks[1], (B, S, POS_DIM), jnp.float32)
    v_pos = jax.random.normal(ks[2], (B, S, POS_DIM), jnp.float32)
    tau_Q = jax.random.normal(ks[3], (B, S, 1), jnp.float32)
    tau_K = jax.random.normal(ks[4], (B, S, 1), jnp.float32)
    tau_V = jax.random.normal(ks[5], (B, S, 1), jnp.float32)
    qk_neurons = jax.random.normal(ks[6], (N_NEURONS, D_MODEL), jnp.float32)
    qk_neurons = qk_neurons / (jnp.linalg.norm(qk_neurons, axis=-1, keepdims=True) + 1e-08)
    v_neurons = jax.random.normal(ks[7], (N_NEURONS, D_MODEL), jnp.float32)
    v_neurons = v_neurons / (jnp.linalg.norm(v_neurons, axis=-1, keepdims=True) + 1e-08)
    npos_qk = jax.random.normal(ks[8], (N_NEURONS, POS_DIM), jnp.float32)
    npos_v = jax.random.normal(ks[9], (N_NEURONS, POS_DIM), jnp.float32)
    expand_O_kernel = jax.random.normal(ks[10], (D_MODEL, D_MODEL), jnp.float32) * 0.02
    return {'x': x, 'qk_pos': qk_pos, 'v_pos': v_pos, 'tau_Q': tau_Q, 'tau_K': tau_K, 'tau_V': tau_V, 'qk_neurons': qk_neurons, 'v_neurons': v_neurons, 'npos_qk': npos_qk, 'npos_v': npos_v, 'expand_O_kernel': expand_O_kernel}

def _attn_pipeline(x, qk_pos, v_pos, tau_Q, tau_K, tau_V, qk_neurons, v_neurons, npos_qk, npos_v, expand_O_kernel):
    Bs, Ss, D = x.shape
    n_cand_qk = MAX_K_QK * CAND_MULT
    n_cand_v = MAX_K_V * CAND_MULT
    pos_dim = qk_pos.shape[-1]
    n_chunks = Ss // CHUNK
    Q_buf = jnp.zeros((Bs, Ss, D), jnp.float32)
    K_buf = jnp.zeros((Bs, Ss, D), jnp.float32)
    V_buf = jnp.zeros((Bs, Ss, D), jnp.float32)

    def process_chunk(carry, chunk_idx):
        Q_buf, K_buf, V_buf, total_pos_loss = carry
        start = chunk_idx * CHUNK
        x_c = jax.lax.dynamic_slice(x, (0, start, 0), (Bs, CHUNK, D))
        qk_pos_c = jax.lax.dynamic_slice(qk_pos, (0, start, 0), (Bs, CHUNK, pos_dim))
        v_pos_c = jax.lax.dynamic_slice(v_pos, (0, start, 0), (Bs, CHUNK, pos_dim))
        tau_Q_c = jax.lax.dynamic_slice(tau_Q, (0, start, 0), (Bs, CHUNK, 1))
        tau_K_c = jax.lax.dynamic_slice(tau_K, (0, start, 0), (Bs, CHUNK, 1))
        tau_V_c = jax.lax.dynamic_slice(tau_V, (0, start, 0), (Bs, CHUNK, 1))
        dist_qk = jnp.sum((qk_pos_c[:, :, None, :] - npos_qk[None, None, :, :]) ** 2, axis=-1)
        _, cand_idx_qk = jax.lax.top_k(-dist_qk, n_cand_qk)
        cand_idx_qk = jax.lax.stop_gradient(cand_idx_qk)
        cand_qk = qk_neurons[cand_idx_qk]
        dist_v = jnp.sum((v_pos_c[:, :, None, :] - npos_v[None, None, :, :]) ** 2, axis=-1)
        _, cand_idx_v = jax.lax.top_k(-dist_v, n_cand_v)
        cand_idx_v = jax.lax.stop_gradient(cand_idx_v)
        cand_v = v_neurons[cand_idx_v]
        scores_Q = jnp.einsum('bsd,bsnd->bsn', x_c, cand_qk)
        scores_K = jnp.einsum('bsd,bsnd->bsn', x_c, cand_qk)
        scores_V = jnp.einsum('bsd,bsnd->bsn', x_c, cand_v)
        gate_Q = threshold_gate(scores_Q, tau_Q_c, MAX_K_QK)
        gate_K = threshold_gate(scores_K, tau_K_c, MAX_K_QK)
        gate_V = threshold_gate(scores_V, tau_V_c, MAX_K_V)
        act_Q = jnp.einsum('bsd,bsnd->bsn', x_c, cand_qk)
        Q_chunk = jnp.einsum('bsn,bsnd->bsd', act_Q * gate_Q, cand_qk)
        act_K = jnp.einsum('bsd,bsnd->bsn', x_c, cand_qk)
        K_chunk = jnp.einsum('bsn,bsnd->bsd', act_K * gate_K, cand_qk)
        act_V = jnp.einsum('bsd,bsnd->bsn', x_c, cand_v)
        V_chunk = jnp.einsum('bsn,bsnd->bsd', act_V * gate_V, cand_v)
        pos_dist_qk = jnp.sum((qk_pos_c[:, :, None, :] - npos_qk[cand_idx_qk]) ** 2, axis=-1)
        pos_loss_qk = (jax.lax.stop_gradient(gate_Q) * pos_dist_qk).mean()
        pos_dist_v = jnp.sum((v_pos_c[:, :, None, :] - npos_v[cand_idx_v]) ** 2, axis=-1)
        pos_loss_v = (jax.lax.stop_gradient(gate_V) * pos_dist_v).mean()
        Q_buf = jax.lax.dynamic_update_slice(Q_buf, Q_chunk, (0, start, 0))
        K_buf = jax.lax.dynamic_update_slice(K_buf, K_chunk, (0, start, 0))
        V_buf = jax.lax.dynamic_update_slice(V_buf, V_chunk, (0, start, 0))
        total_pos_loss = total_pos_loss + pos_loss_qk + pos_loss_v
        return ((Q_buf, K_buf, V_buf, total_pos_loss), None)

    (Q_buf, K_buf, V_buf, total_pos_loss), _ = jax.lax.scan(process_chunk, (Q_buf, K_buf, V_buf, jnp.float32(0.0)), jnp.arange(n_chunks))
    pos_loss = total_pos_loss / n_chunks
    d_head = D // N_HEADS
    Q = Q_buf.reshape(Bs, Ss, N_HEADS, d_head).transpose(0, 2, 1, 3)
    K = K_buf.reshape(Bs, Ss, N_HEADS, d_head).transpose(0, 2, 1, 3)
    V = V_buf.reshape(Bs, Ss, N_HEADS, d_head).transpose(0, 2, 1, 3)
    scale = jnp.sqrt(jnp.float32(d_head))
    attn_scores = jnp.einsum('bhsd,bhtd->bhst', Q, K) / scale
    causal = jnp.tril(jnp.ones((Ss, Ss), dtype=jnp.bool_))
    attn_scores = jnp.where(causal, attn_scores, jnp.finfo(attn_scores.dtype).min)
    attn_w = jax.nn.softmax(attn_scores, axis=-1)
    out = jnp.einsum('bhst,bhtd->bhsd', attn_w, V)
    out = out.transpose(0, 2, 1, 3).reshape(Bs, Ss, D)
    out = out @ expand_O_kernel
    return (out, pos_loss)

def reference(x, qk_pos, v_pos, tau_Q, tau_K, tau_V, qk_neurons, v_neurons, npos_qk, npos_v, expand_O_kernel):
    return _attn_pipeline(x, qk_pos, v_pos, tau_Q, tau_K, tau_V, qk_neurons, v_neurons, npos_qk, npos_v, expand_O_kernel)

if __name__ == "__main__":
    import jax
    _d = setup_inputs()
    print(jax.jit(kernel)(*tuple(_d.values())))

</pallas_src>

<mosaic_0001>
#map = affine_map<(d0, d1) -> (0, 0)>
module attributes {stable_mosaic.version = 14 : i64} {
  func.func @sc_collect(%arg0: i32, %arg1: i32, %arg2: memref<2048x4096xf32, #tpu.memory_space<hbm>>, %arg3: memref<2048x4096xf32, #tpu.memory_space<hbm>>, %arg4: memref<2048x4096xf32, #tpu.memory_space<hbm>>, %arg5: memref<2048x4096xf32, #tpu.memory_space<hbm>>, %arg6: memref<2048x512xf32, #tpu.memory_space<hbm>>, %arg7: memref<2048x512xf32, #tpu.memory_space<hbm>>, %arg8: memref<2048x512xf32, #tpu.memory_space<hbm>>, %arg9: memref<2048x512xf32, #tpu.memory_space<hbm>>, %arg10: memref<4096xf32, #tpu.memory_space<vmem>>, %arg11: memref<4096xf32, #tpu.memory_space<vmem>>, %arg12: memref<4096xf32, #tpu.memory_space<vmem>>, %arg13: memref<4096xf32, #tpu.memory_space<vmem>>, %arg14: memref<512xf32, #tpu.memory_space<vmem>>, %arg15: memref<512xf32, #tpu.memory_space<vmem>>, %arg16: memref<!tpu.dma_semaphore, #tpu.memory_space<semaphore_mem>>, %arg17: memref<!tpu.dma_semaphore, #tpu.memory_space<semaphore_mem>>) attributes {dimension_semantics = [#tpu.dimension_semantics<core_parallel>, #tpu.dimension_semantics<subcore_parallel>], iteration_bounds = array<i64: 2, 16>, scalar_prefetch = 0 : i64, scratch_operands = 8 : i64, tpu.core_type = #tpu.core_type<sc_vector_subcore>, window_params = [{transform_indices = #map}, {transform_indices = #map}, {transform_indices = #map}, {transform_indices = #map}, {transform_indices = #map}, {transform_indices = #map}, {transform_indices = #map}, {transform_indices = #map}]} {
    %mul3A = arith.constant 2 : i32
    %mul3A_0 = arith.muli %arg1, %mul3A : i32
    %add3A = arith.addi %mul3A_0, %arg0 : i32
    %scan3A = arith.constant 0 : i32
    %scan3A_1 = arith.constant 0 : i32
    %scan3A_2 = arith.constant 64 : i32
    %scan3A_3 = arith.addi %scan3A_1, %scan3A_2 : i32
    %scan3A_4 = arith.constant 1 : i32
    %scan3A_5 = scf.for %scan3A_7 = %scan3A_1 to %scan3A_3 step %scan3A_4 iter_args(%scan3A_8 = %scan3A) -> (i32)  : i32 {
      %mul3A_9 = arith.constant 64 : i32
      %mul3A_10 = arith.muli %add3A, %mul3A_9 : i32
      %add3A_11 = arith.addi %mul3A_10, %scan3A_7 : i32
      %dma_start3A = arith.constant 0 : i32
      %dma_start3A_12 = tpu.memref_slice %arg2[%add3A_11, %dma_start3A] : memref<2048x4096xf32, #tpu.memory_space<hbm>> -> memref<1x4096xf32, #tpu.memory_space<hbm>>
      %dma_start3A_13 = tpu.memref_squeeze %dma_start3A_12 : memref<1x4096xf32, #tpu.memory_space<hbm>> -> memref<4096xf32, #tpu.memory_space<hbm>>
      %dma_start3A_14 = arith.constant 0 : i32
      %dma_start3A_15 = tpu.memref_slice %arg2[%add3A_11, %dma_start3A_14] : memref<2048x4096xf32, #tpu.memory_space<hbm>> -> memref<1x4096xf32, #tpu.memory_space<hbm>>
      %dma_start3A_16 = tpu.memref_squeeze %dma_start3A_15 : memref<1x4096xf32, #tpu.memory_space<hbm>> -> memref<4096xf32, #tpu.memory_space<hbm>>
      tpu.enqueue_dma source(%dma_start3A_16 : memref<4096xf32, #tpu.memory_space<hbm>>) target(%arg10 : memref<4096xf32, #tpu.memory_space<vmem>>) target_semaphore(%arg16 : memref<!tpu.dma_semaphore, #tpu.memory_space<semaphore_mem>>)
      %dma_start3A_17 = arith.constant 0 : i32
      %dma_start3A_18 = tpu.memref_slice %arg3[%add3A_11, %dma_start3A_17] : memref<2048x4096xf32, #tpu.memory_space<hbm>> -> memref<1x4096xf32, #tpu.memory_space<hbm>>
      %dma_start3A_19 = tpu.memref_squeeze %dma_start3A_18 : memref<1x4096xf32, #tpu.memory_space<hbm>> -> memref<4096xf32, #tpu.memory_space<hbm>>
      %dma_start3A_20 = arith.constant 0 : i32
      %dma_start3A_21 = tpu.memref_slice %arg3[%add3A_11, %dma_start3A_20] : memref<2048x4096xf32, #tpu.memory_space<hbm>> -> memref<1x4096xf32, #tpu.memory_space<hbm>>
      %dma_start3A_22 = tpu.memref_squeeze %dma_start3A_21 : memref<1x4096xf32, #tpu.memory_space<hbm>> -> memref<4096xf32, #tpu.memory_space<hbm>>
      tpu.enqueue_dma source(%dma_start3A_22 : memref<4096xf32, #tpu.memory_space<hbm>>) target(%arg11 : memref<4096xf32, #tpu.memory_space<vmem>>) target_semaphore(%arg16 : memref<!tpu.dma_semaphore, #tpu.memory_space<semaphore_mem>>)
      %dma_start3A_23 = arith.constant 0 : i32
      %dma_start3A_24 = tpu.memref_slice %arg4[%add3A_11, %dma_start3A_23] : memref<2048x4096xf32, #tpu.memory_space<hbm>> -> memref<1x4096xf32, #tpu.memory_space<hbm>>
      %dma_start3A_25 = tpu.memref_squeeze %dma_start3A_24 : memref<1x4096xf32, #tpu.memory_space<hbm>> -> memref<4096xf32, #tpu.memory_space<hbm>>
      %dma_start3A_26 = arith.constant 0 : i32
      %dma_start3A_27 = tpu.memref_slice %arg4[%add3A_11, %dma_start3A_26] : memref<2048x4096xf32, #tpu.memory_space<hbm>> -> memref<1x4096xf32, #tpu.memory_space<hbm>>
      %dma_start3A_28 = tpu.memref_squeeze %dma_start3A_27 : memref<1x4096xf32, #tpu.memory_space<hbm>> -> memref<4096xf32, #tpu.memory_space<hbm>>
      tpu.enqueue_dma source(%dma_start3A_28 : memref<4096xf32, #tpu.memory_space<hbm>>) target(%arg12 : memref<4096xf32, #tpu.memory_space<vmem>>) target_semaphore(%arg17 : memref<!tpu.dma_semaphore, #tpu.memory_space<semaphore_mem>>)
      %dma_start3A_29 = arith.constant 0 : i32
      %dma_start3A_30 = tpu.memref_slice %arg5[%add3A_11, %dma_start3A_29] : memref<2048x4096xf32, #tpu.memory_space<hbm>> -> memref<1x4096xf32, #tpu.memory_space<hbm>>
      %dma_start3A_31 = tpu.memref_squeeze %dma_start3A_30 : memref<1x4096xf32, #tpu.memory_space<hbm>> -> memref<4096xf32, #tpu.memory_space<hbm>>
      %dma_start3A_32 = arith.constant 0 : i32
      %dma_start3A_33 = tpu.memref_slice %arg5[%add3A_11, %dma_start3A_32] : memref<2048x4096xf32, #tpu.memory_space<hbm>> -> memref<1x4096xf32, #tpu.memory_space<hbm>>
      %dma_start3A_34 = tpu.memref_squeeze %dma_start3A_33 : memref<1x4096xf32, #tpu.memory_space<hbm>> -> memref<4096xf32, #tpu.memory_space<hbm>>
      tpu.enqueue_dma source(%dma_start3A_34 : memref<4096xf32, #tpu.memory_space<hbm>>) target(%arg13 : memref<4096xf32, #tpu.memory_space<vmem>>) target_semaphore(%arg17 : memref<!tpu.dma_semaphore, #tpu.memory_space<semaphore_mem>>)
      %dma_wait3A = arith.constant 0 : i32
      %dma_wait3A_35 = tpu.memref_slice %arg2[%add3A_11, %dma_wait3A] : memref<2048x4096xf32, #tpu.memory_space<hbm>> -> memref<1x4096xf32, #tpu.memory_space<hbm>>
      %dma_wait3A_36 = tpu.memref_squeeze %dma_wait3A_35 : memref<1x4096xf32, #tpu.memory_space<hbm>> -> memref<4096xf32, #tpu.memory_space<hbm>>
      %dma_wait3A_37 = arith.constant 0 : i32
      %dma_wait3A_38 = tpu.memref_slice %arg2[%add3A_11, %dma_wait3A_37] : memref<2048x4096xf32, #tpu.memory_space<hbm>> -> memref<1x4096xf32, #tpu.memory_space<hbm>>
      %dma_wait3A_39 = tpu.memref_squeeze %dma_wait3A_38 : memref<1x4096xf32, #tpu.memory_space<hbm>> -> memref<4096xf32, #tpu.memory_space<hbm>>
      tpu.wait_dma2 semaphore(%arg16 : memref<!tpu.dma_semaphore, #tpu.memory_space<semaphore_mem>>) src(%dma_wait3A_39 : memref<4096xf32, #tpu.memory_space<hbm>>) dst(%arg10 : memref<4096xf32, #tpu.memory_space<vmem>>)
      %dma_wait3A_40 = arith.constant 0 : i32
      %dma_wait3A_41 = tpu.memref_slice %arg3[%add3A_11, %dma_wait3A_40] : memref<2048x4096xf32, #tpu.memory_space<hbm>> -> memref<1x4096xf32, #tpu.memory_space<hbm>>
      %dma_wait3A_42 = tpu.memref_squeeze %dma_wait3A_41 : memref<1x4096xf32, #tpu.memory_space<hbm>> -> memref<4096xf32, #tpu.memory_space<hbm>>
      %dma_wait3A_43 = arith.constant 0 : i32
      %dma_wait3A_44 = tpu.memref_slice %arg3[%add3A_11, %dma_wait3A_43] : memref<2048x4096xf32, #tpu.memory_space<hbm>> -> memref<1x4096xf32, #tpu.memory_space<hbm>>
      %dma_wait3A_45 = tpu.memref_squeeze %dma_wait3A_44 : memref<1x4096xf32, #tpu.memory_space<hbm>> -> memref<4096xf32, #tpu.memory_space<hbm>>
      tpu.wait_dma2 semaphore(%arg16 : memref<!tpu.dma_semaphore, #tpu.memory_space<semaphore_mem>>) src(%dma_wait3A_45 : memref<4096xf32, #tpu.memory_space<hbm>>) dst(%arg11 : memref<4096xf32, #tpu.memory_space<vmem>>)
      %scan3A_46 = arith.constant -3.000000e+38 : f32
      %scan3A_47 = arith.constant 0 : i32
      %scan3A_48 = arith.constant 16 : i32
      %scan3A_49 = arith.addi %scan3A_47, %scan3A_48 : i32
      %scan3A_50 = arith.constant 1 : i32
      %scan3A_51 = scf.for %scan3A_343 = %scan3A_47 to %scan3A_49 step %scan3A_50 iter_args(%scan3A_344 = %scan3A_46) -> (f32)  : i32 {
        %broadcast_in_dim3A_345 = arith.constant 3.000000e+38 : f32
        %broadcast_in_dim3A_346 = vector.broadcast %broadcast_in_dim3A_345 : f32 to vector<16xf32>
        %mul3A_347 = arith.constant 256 : i32
        %mul3A_348 = arith.muli %scan3A_343, %mul3A_347 : i32
        %add3A_349 = arith.constant 0 : i32
        %add3A_350 = arith.addi %mul3A_348, %add3A_349 : i32
        %get3A = arith.index_cast %add3A_350 : i32 to index
        %get3A_351 = tpu.vector_load %arg10[%get3A] {strides = array<i32>} : memref<4096xf32, #tpu.memory_space<vmem>>, vector<16xf32>,
        %min3A = arith.minimumf %broadcast_in_dim3A_346, %get3A_351 : vector<16xf32>
        %mul3A_352 = arith.constant 256 : i32
        %mul3A_353 = arith.muli %scan3A_343, %mul3A_352 : i32
        %add3A_354 = arith.constant 16 : i32
        %add3A_355 = arith.addi %mul3A_353, %add3A_354 : i32
        %get3A_356 = arith.index_cast %add3A_355 : i32 to index
        %get3A_357 = tpu.vector_load %arg10[%get3A_356] {strides = array<i32>} : memref<4096xf32, #tpu.memory_space<vmem>>, vector<16xf32>,
        %min3A_358 = arith.minimumf %min3A, %get3A_357 : vector<16xf32>
        %mul3A_359 = arith.constant 256 : i32
        %mul3A_360 = arith.muli %scan3A_343, %mul3A_359 : i32
        %add3A_361 = arith.constant 32 : i32
        %add3A_362 = arith.addi %mul3A_360, %add3A_361 : i32
        %get3A_363 = arith.index_cast %add3A_362 : i32 to index
        %get3A_364 = tpu.vector_load %arg10[%get3A_363] {strides = array<i32>} : memref<4096xf32, #tpu.memory_space<vmem>>, vector<16xf32>,
        %min3A_365 = arith.minimumf %min3A_358, %get3A_364 : vector<16xf32>
        %mul3A_366 = arith.constant 256 : i32
        %mul3A_367 = arith.muli %scan3A_343, %mul3A_366 : i32
        %add3A_368 = arith.constant 48 : i32
        %add3A_369 = arith.addi %mul3A_367, %add3A_368 : i32
        %get3A_370 = arith.index_cast %add3A_369 : i32 to index
        %get3A_371 = tpu.vector_load %arg10[%get3A_370] {strides = array<i32>} : memref<4096xf32, #tpu.memory_space<vmem>>, vector<16xf32>,
        %min3A_372 = arith.minimumf %min3A_365, %get3A_371 : vector<16xf32>
        %mul3A_373 = arith.constant 256 : i32
        %mul3A_374 = arith.muli %scan3A_343, %mul3A_373 : i32
        %add3A_375 = arith.constant 64 : i32
        %add3A_376 = arith.addi %mul3A_374, %add3A_375 : i32
        %get3A_377 = arith.index_cast %add3A_376 : i32 to index
        %get3A_378 = tpu.vector_load %arg10[%get3A_377] {strides = array<i32>} : memref<4096xf32, #tpu.memory_space<vmem>>, vector<16xf32>,
        %min3A_379 = arith.minimumf %min3A_372, %get3A_378 : vector<16xf32>
        %mul3A_380 = arith.constant 256 : i32
        %mul3A_381 = arith.muli %scan3A_343, %mul3A_380 : i32
        %add3A_382 = arith.constant 80 : i32
        %add3A_383 = arith.addi %mul3A_381, %add3A_382 : i32
        %get3A_384 = arith.index_cast %add3A_383 : i32 to index
        %get3A_385 = tpu.vector_load %arg10[%get3A_384] {strides = array<i32>} : memref<4096xf32, #tpu.memory_space<vmem>>, vector<16xf32>,
        %min3A_386 = arith.minimumf %min3A_379, %get3A_385 : vector<16xf32>
        %mul3A_387 = arith.constant 256 : i32
        %mul3A_388 = arith.muli %scan3A_343, %mul3A_387 : i32
        %add3A_389 = arith.constant 96 : i32
        %add3A_390 = arith.addi %mul3A_388, %add3A_389 : i32
        %get3A_391 = arith.index_cast %add3A_390 : i32 to index
        %get3A_392 = tpu.vector_load %arg10[%get3A_391] {strides = array<i32>} : memref<4096xf32, #tpu.memory_space<vmem>>, vector<16xf32>,
        %min3A_393 = arith.minimumf %min3A_386, %get3A_392 : vector<16xf32>
        %mul3A_394 = arith.constant 256 : i32
        %mul3A_395 = arith.muli %scan3A_343, %mul3A_394 : i32
        %add3A_396 = arith.constant 112 : i32
        %add3A_397 = arith.addi %mul3A_395, %add3A_396 : i32
        %get3A_398 = arith.index_cast %add3A_397 : i32 to index
        %get3A_399 = tpu.vector_load %arg10[%get3A_398] {strides = array<i32>} : memref<4096xf32, #tpu.memory_space<vmem>>, vector<16xf32>,
        %min3A_400 = arith.minimumf %min3A_393, %get3A_399 : vector<16xf32>
        %mul3A_401 = arith.constant 256 : i32
        %mul3A_402 = arith.muli %scan3A_343, %mul3A_401 : i32
        %add3A_403 = arith.constant 128 : i32
        %add3A_404 = arith.addi %mul3A_402, %add3A_403 : i32
        %get3A_405 = arith.index_cast %add3A_404 : i32 to index
        %get3A_406 = tpu.vector_load %arg10[%get3A_405] {strides = array<i32>} : memref<4096xf32, #tpu.memory_space<vmem>>, vector<16xf32>,
        %min3A_407 = arith.minimumf %min3A_400, %get3A_406 : vector<16xf32>
        %mul3A_408 = arith.constant 256 : i32
        %mul3A_409 = arith.muli %scan3A_343, %mul3A_408 : i32
        %add3A_410 = arith.constant 144 : i32
        %add3A_411 = arith.addi %mul3A_409, %add3A_410 : i32
        %get3A_412 = arith.index_cast %add3A_411 : i32 to index
        %get3A_413 = tpu.vector_load %arg10[%get3A_412] {strides = array<i32>} : memref<4096xf32, #tpu.memory_space<vmem>>, vector<16xf32>,
        %min3A_414 = arith.minimumf %min3A_407, %get3A_413 : vector<16xf32>
        %mul3A_415 = arith.constant 256 : i32
        %mul3A_416 = arith.muli %scan3A_343, %mul3A_415 : i32
        %add3A_417 = arith.constant 160 : i32
        %add3A_418 = arith.addi %mul3A_416, %add3A_417 : i32
        %get3A_419 = arith.index_cast %add3A_418 : i32 to index
        %get3A_420 = tpu.vector_load %arg10[%get3A_419] {strides = array<i32>} : memref<4096xf32, #tpu.memory_space<vmem>>, vector<16xf32>,
        %min3A_421 = arith.minimumf %min3A_414, %get3A_420 : vector<16xf32>
        %mul3A_422 = arith.constant 256 : i32
        %mul3A_423 = arith.muli %scan3A_343, %mul3A_422 : i32
        %add3A_424 = arith.constant 176 : i32
        %add3A_425 = arith.addi %mul3A_423, %add3A_424 : i32
        %get3A_426 = arith.index_cast %add3A_425 : i32 to index
        %get3A_427 = tpu.vector_load %arg10[%get3A_426] {strides = array<i32>} : memref<4096xf32, #tpu.memory_space<vmem>>, vector<16xf32>,
        %min3A_428 = arith.minimumf %min3A_421, %get3A_427 : vector<16xf32>
        %mul3A_429 = arith.constant 256 : i32
        %mul3A_430 = arith.muli %scan3A_343, %mul3A_429 : i32
        %add3A_431 = arith.constant 192 : i32
        %add3A_432 = arith.addi %mul3A_430, %add3A_431 : i32
        %get3A_433 = arith.index_cast %add3A_432 : i32 to index
        %get3A_434 = tpu.vector_load %arg10[%get3A_433] {strides = array<i32>} : memref<4096xf32, #tpu.memory_space<vmem>>, vector<16xf32>,
        %min3A_435 = arith.minimumf %min3A_428, %get3A_434 : vector<16xf32>
        %mul3A_436 = arith.constant 256 : i32
        %mul3A_437 = arith.muli %scan3A_343, %mul3A_436 : i32
        %add3A_438 = arith.constant 208 : i32
        %add3A_439 = arith.addi %mul3A_437, %add3A_438 : i32
        %get3A_440 = arith.index_cast %add3A_439 : i32 to index
        %get3A_441 = tpu.vector_load %arg10[%get3A_440] {strides = array<i32>} : memref<4096xf32, #tpu.memory_space<vmem>>, vector<16xf32>,
        %min3A_442 = arith.minimumf %min3A_435, %get3A_441 : vector<16xf32>
        %mul3A_443 = arith.constant 256 : i32
        %mul3A_444 = arith.muli %scan3A_343, %mul3A_443 : i32
        %add3A_445 = arith.constant 224 : i32
        %add3A_446 = arith.addi %mul3A_444, %add3A_445 : i32
        %get3A_447 = arith.index_cast %add3A_446 : i32 to index
        %get3A_448 = tpu.vector_load %arg10[%get3A_447] {strides = array<i32>} : memref<4096xf32, #tpu.memory_space<vmem>>, vector<16xf32>,
        %min3A_449 = arith.minimumf %min3A_442, %get3A_448 : vector<16xf32>
        %mul3A_450 = arith.constant 256 : i32
        %mul3A_451 = arith.muli %scan3A_343, %mul3A_450 : i32
        %add3A_452 = arith.constant 240 : i32
        %add3A_453 = arith.addi %mul3A_451, %add3A_452 : i32
        %get3A_454 = arith.index_cast %add3A_453 : i32 to index
        %get3A_455 = tpu.vector_load %arg10[%get3A_454] {strides = array<i32>} : memref<4096xf32, #tpu.memory_space<vmem>>, vector<16xf32>,
        %min3A_456 = arith.minimumf %min3A_449, %get3A_455 : vector<16xf32>
        %reduce_min3A = arith.constant true
        %reduce_min3A_457 = vector.broadcast %reduce_min3A : i1 to vector<16xi1>
        %reduce_min3A_458 = tpu.scan <min>, %min3A_456 masked %reduce_min3A_457 : vector<16xf32>, vector<16xi1> -> vector<16xf32>
        %reduce_min3A_459 = vector.extract %reduce_min3A_458[15] : f32 from vector<16xf32>
        %eq3A = vector.broadcast %reduce_min3A_459 : f32 to vector<16xf32>
        %eq3A_460 = arith.cmpf oeq, %min3A_456, %eq3A : vector<16xf32>
        %jit3A = arith.constant 3.000000e+38 : f32
        %broadcast_in_dim3A_461 = vector.broadcast %jit3A : f32 to vector<16xf32>
        %select_n3A = arith.select %eq3A_460, %broadcast_in_dim3A_461, %min3A_456 : vector<16xi1>, vector<16xf32>
        %reduce_min3A_462 = arith.constant true
        %reduce_min3A_463 = vector.broadcast %reduce_min3A_462 : i1 to vector<16xi1>
        %reduce_min3A_464 = tpu.scan <min>, %select_n3A masked %reduce_min3A_463 : vector<16xf32>, vector<16xi1> -> vector<16xf32>
        %reduce_min3A_465 = vector.extract %reduce_min3A_464[15] : f32 from vector<16xf32>
        %eq3A_466 = vector.broadcast %reduce_min3A_465 : f32 to vector<16xf32>
        %eq3A_467 = arith.cmpf oeq, %select_n3A, %eq3A_466 : vector<16xf32>
        %jit3A_468 = arith.constant 3.000000e+38 : f32
        %broadcast_in_dim3A_469 = vector.broadcast %jit3A_468 : f32 to vector<16xf32>
        %select_n3A_470 = arith.select %eq3A_467, %broadcast_in_dim3A_469, %select_n3A : vector<16xi1>, vector<16xf32>
        %reduce_min3A_471 = arith.constant true
        %reduce_min3A_472 = vector.broadcast %reduce_min3A_471 : i1 to vector<16xi1>
        %reduce_min3A_473 = tpu.scan <min>, %select_n3A_470 masked %reduce_min3A_472 : vector<16xf32>, vector<16xi1> -> vector<16xf32>
        %reduce_min3A_474 = vector.extract %reduce_min3A_473[15] : f32 from vector<16xf32>
        %eq3A_475 = vector.broadcast %reduce_min3A_474 : f32 to vector<16xf32>
        %eq3A_476 = arith.cmpf oeq, %select_n3A_470, %eq3A_475 : vector<16xf32>
        %jit3A_477 = arith.constant 3.000000e+38 : f32
        %broadcast_in_dim3A_478 = vector.broadcast %jit3A_477 : f32 to vector<16xf32>
        %select_n3A_479 = arith.select %eq3A_476, %broadcast_in_dim3A_478, %select_n3A_470 : vector<16xi1>, vector<16xf32>
        %reduce_min3A_480 = arith.constant true
        %reduce_min3A_481 = vector.broadcast %reduce_min3A_480 : i1 to vector<16xi1>
        %reduce_min3A_482 = tpu.scan <min>, %select_n3A_479 masked %reduce_min3A_481 : vector<16xf32>, vector<16xi1> -> vector<16xf32>
        %reduce_min3A_483 = vector.extract %reduce_min3A_482[15] : f32 from vector<16xf32>
        %max3A = arith.maximumf %scan3A_344, %reduce_min3A_483 : f32
        scf.yield %max3A : f32
      }
      %scan3A_52 = arith.constant 16 : i32
      %broadcast_in_dim3A = arith.constant 3.000000e+38 : f32
      %broadcast_in_dim3A_53 = vector.broadcast %broadcast_in_dim3A : f32 to vector<16xf32>
      %swap3A = arith.constant 0 : index
      %swap3A_54 = tpu.vector_load %arg14[%swap3A] {strides = array<i32>} : memref<512xf32, #tpu.memory_space<vmem>>, vector<16xf32>,
      tpu.vector_store %arg14[%swap3A], %broadcast_in_dim3A_53 {strides = array<i32>} : memref<512xf32, #tpu.memory_space<vmem>>, vector<16xf32>,
      %broadcast_in_dim3A_55 = arith.constant 3.000000e+38 : f32
      %broadcast_in_dim3A_56 = vector.broadcast %broadcast_in_dim3A_55 : f32 to vector<16xf32>
      %swap3A_57 = arith.constant 16 : index
      %swap3A_58 = tpu.vector_load %arg14[%swap3A_57] {strides = array<i32>} : memref<512xf32, #tpu.memory_space<vmem>>, vector<16xf32>,
      tpu.vector_store %arg14[%swap3A_57], %broadcast_in_dim3A_56 {strides = array<i32>} : memref<512xf32, #tpu.memory_space<vmem>>, vector<16xf32>,
      %broadcast_in_dim3A_59 = arith.constant 3.000000e+38 : f32
      %broadcast_in_dim3A_60 = vector.broadcast %broadcast_in_dim3A_59 : f32 to vector<16xf32>
      %swap3A_61 = arith.constant 32 : index
      %swap3A_62 = tpu.vector_load %arg14[%swap3A_61] {strides = array<i32>} : memref<512xf32, #tpu.memory_space<vmem>>, vector<16xf32>,
      tpu.vector_store %arg14[%swap3A_61], %broadcast_in_dim3A_60 {strides = array<i32>} : memref<512xf32, #tpu.memory_space<vmem>>, vector<16xf32>,
      %broadcast_in_dim3A_63 = arith.constant 3.000000e+38 : f32
      %broadcast_in_dim3A_64 = vector.broadcast %broadcast_in_dim3A_63 : f32 to vector<16xf32>
      %swap3A_65 = arith.constant 48 : index
      %swap3A_66 = tpu.vector_load %arg14[%swap3A_65] {strides = array<i32>} : memref<512xf32, #tpu.memory_space<vmem>>, vector<16xf32>,
      tpu.vector_store %arg14[%swap3A_65], %broadcast_in_dim3A_64 {strides = array<i32>} : memref<512xf32, #tpu.memory_space<vmem>>, vector<16xf32>,
      %broadcast_in_dim3A_67 = arith.constant 3.000000e+38 : f32
      %broadcast_in_dim3A_68 = vector.broadcast %broadcast_in_dim3A_67 : f32 to vector<16xf32>
      %swap3A_69 = arith.constant 64 : index
      %swap3A_70 = tpu.vector_load %arg14[%swap3A_69] {strides = array<i32>} : memref<512xf32, #tpu.memory_space<vmem>>, vector<16xf32>,
      tpu.vector_store %arg14[%swap3A_69], %broadcast_in_dim3A_68 {strides = array<i32>} : memref<512xf32, #tpu.memory_space<vmem>>, vector<16xf32>,
      %broadcast_in_dim3A_71 = arith.constant 3.000000e+38 : f32
      %broadcast_in_dim3A_72 = vector.broadcast %broadcast_in_dim3A_71 : f32 to vector<16xf32>
      %swap3A_73 = arith.constant 80 : index
      %swap3A_74 = tpu.vector_load %arg14[%swap3A_73] {strides = array<i32>} : memref<512xf32, #tpu.memory_space<vmem>>, vector<16xf32>,
      tpu.vector_store %arg14[%swap3A_73], %broadcast_in_dim3A_72 {strides = array<i32>} : memref<512xf32, #tpu.memory_space<vmem>>, vector<16xf32>,
      %broadcast_in_dim3A_75 = arith.constant 3.000000e+38 : f32
      %broadcast_in_dim3A_76 = vector.broadcast %broadcast_in_dim3A_75 : f32 to vector<16xf32>
      %swap3A_77 = arith.constant 96 : index
      %swap3A_78 = tpu.vector_load %arg14[%swap3A_77] {strides = array<i32>} : memref<512xf32, #tpu.memory_space<vmem>>, vector<16xf32>,
      tpu.vector_store %arg14[%swap3A_77], %broadcast_in_dim3A_76 {strides = array<i32>} : memref<512xf32, #tpu.memory_space<vmem>>, vector<16xf32>,
      %broadcast_in_dim3A_79 = arith.constant 3.000000e+38 : f32
      %broadcast_in_dim3A_80 = vector.broadcast %broadcast_in_dim3A_79 : f32 to vector<16xf32>
      %swap3A_81 = arith.constant 112 : index
      %swap3A_82 = tpu.vector_load %arg14[%swap3A_81] {strides = array<i32>} : memref<512xf32, #tpu.memory_space<vmem>>, vector<16xf32>,
      tpu.vector_store %arg14[%swap3A_81], %broadcast_in_dim3A_80 {strides = array<i32>} : memref<512xf32, #tpu.memory_space<vmem>>, vector<16xf32>,
      %broadcast_in_dim3A_83 = arith.constant 3.000000e+38 : f32
      %broadcast_in_dim3A_84 = vector.broadcast %broadcast_in_dim3A_83 : f32 to vector<16xf32>
      %swap3A_85 = arith.constant 128 : index
      %swap3A_86 = tpu.vector_load %arg14[%swap3A_85] {strides = array<i32>} : memref<512xf32, #tpu.memory_space<vmem>>, vector<16xf32>,
      tpu.vector_store %arg14[%swap3A_85], %broadcast_in_dim3A_84 {strides = array<i32>} : memref<512xf32, #tpu.memory_space<vmem>>, vector<16xf32>,
      %broadcast_in_dim3A_87 = arith.constant 3.000000e+38 : f32
      %broadcast_in_dim3A_88 = vector.broadcast %broadcast_in_dim3A_87 : f32 to vector<16xf32>
      %swap3A_89 = arith.constant 144 : index
      %swap3A_90 = tpu.vector_load %arg14[%swap3A_89] {strides = array<i32>} : memref<512xf32, #tpu.memory_space<vmem>>, vector<16xf32>,
      tpu.vector_store %arg14[%swap3A_89], %broadcast_in_dim3A_88 {strides = array<i32>} : memref<512xf32, #tpu.memory_space<vmem>>, vector<16xf32>,
      %broadcast_in_dim3A_91 = arith.constant 3.000000e+38 : f32
      %broadcast_in_dim3A_92 = vector.broadcast %broadcast_in_dim3A_91 : f32 to vector<16xf32>
      %swap3A_93 = arith.constant 160 : index
      %swap3A_94 = tpu.vector_load %arg14[%swap3A_93] {strides = array<i32>} : memref<512xf32, #tpu.memory_space<vmem>>, vector<16xf32>,
      tpu.vector_store %arg14[%swap3A_93], %broadcast_in_dim3A_92 {strides = array<i32>} : memref<512xf32, #tpu.memory_space<vmem>>, vector<16xf32>,
      %broadcast_in_dim3A_95 = arith.constant 3.000000e+38 : f32
      %broadcast_in_dim3A_96 = vector.broadcast %broadcast_in_dim3A_95 : f32 to vector<16xf32>
      %swap3A_97 = arith.constant 176 : index
      %swap3A_98 = tpu.vector_load %arg14[%swap3A_97] {strides = array<i32>} : memref<512xf32, #tpu.memory_space<vmem>>, vector<16xf32>,
      tpu.vector_store %arg14[%swap3A_97], %broadcast_in_dim3A_96 {strides = array<i32>} : memref<512xf32, #tpu.memory_space<vmem>>, vector<16xf32>,
      %broadcast_in_dim3A_99 = arith.constant 3.000000e+38 : f32
      %broadcast_in_dim3A_100 = vector.broadcast %broadcast_in_dim3A_99 : f32 to vector<16xf32>
      %swap3A_101 = arith.constant 192 : index
      %swap3A_102 = tpu.vector_load %arg14[%swap3A_101] {strides = array<i32>} : memref<512xf32, #tpu.memory_space<vmem>>, vector<16xf32>,
      tpu.vector_store %arg14[%swap3A_101], %broadcast_in_dim3A_100 {strides = array<i32>} : memref<512xf32, #tpu.memory_space<vmem>>, vector<16xf32>,
      %broadcast_in_dim3A_103 = arith.constant 3.000000e+38 : f32
      %broadcast_in_dim3A_104 = vector.broadcast %broadcast_in_dim3A_103 : f32 to vector<16xf32>
      %swap3A_105 = arith.constant 208 : index
      %swap3A_106 = tpu.vector_load %arg14[%swap3A_105] {strides = array<i32>} : memref<512xf32, #tpu.memory_space<vmem>>, vector<16xf32>,
      tpu.vector_store %arg14[%swap3A_105], %broadcast_in_dim3A_104 {strides = array<i32>} : memref<512xf32, #tpu.memory_space<vmem>>, vector<16xf32>,
      %broadcast_in_dim3A_107 = arith.constant 3.000000e+38 : f32
      %broadcast_in_dim3A_108 = vector.broadcast %broadcast_in_dim3A_107 : f32 to vector<16xf32>
      %swap3A_109 = arith.constant 224 : index
      %swap3A_110 = tpu.vector_load %arg14[%swap3A_109] {strides = array<i32>} : memref<512xf32, #tpu.memory_space<vmem>>, vector<16xf32>,
      tpu.vector_store %arg14[%swap3A_109], %broadcast_in_dim3A_108 {strides = array<i32>} : memref<512xf32, #tpu.memory_space<vmem>>, vector<16xf32>,
      %broadcast_in_dim3A_111 = arith.constant 3.000000e+38 : f32
      %broadcast_in_dim3A_112 = vector.broadcast %broadcast_in_dim3A_111 : f32 to vector<16xf32>
      %swap3A_113 = arith.constant 240 : index
      %swap3A_114 = tpu.vector_load %arg14[%swap3A_113] {strides = array<i32>} : memref<512xf32, #tpu.memory_space<vmem>>, vector<16xf32>,
      tpu.vector_store %arg14[%swap3A_113], %broadcast_in_dim3A_112 {strides = array<i32>} : memref<512xf32, #tpu.memory_space<vmem>>, vector<16xf32>,
      %broadcast_in_dim3A_115 = arith.constant 3.000000e+38 : f32
      %broadcast_in_dim3A_116 = vector.broadcast %broadcast_in_dim3A_115 : f32 to vector<16xf32>
      %swap3A_117 = arith.constant 256 : index
      %swap3A_118 = tpu.vector_load %arg14[%swap3A_117] {strides = array<i32>} : memref<512xf32, #tpu.memory_space<vmem>>, vector<16xf32>,
      tpu.vector_store %arg14[%swap3A_117], %broadcast_in_dim3A_116 {strides = array<i32>} : memref<512xf32, #tpu.memory_space<vmem>>, vector<16xf32>,
      %broadcast_in_dim3A_119 = arith.constant 3.000000e+38 : f32
      %broadcast_in_dim3A_120 = vector.broadcast %broadcast_in_dim3A_119 : f32 to vector<16xf32>
      %swap3A_121 = arith.constant 272 : index
      %swap3A_122 = tpu.vector_load %arg14[%swap3A_121] {strides = array<i32>} : memref<512xf32, #tpu.memory_space<vmem>>, vector<16xf32>,
      tpu.vector_store %arg14[%swap3A_121], %broadcast_in_dim3A_120 {strides = array<i32>} : memref<512xf32, #tpu.memory_space<vmem>>, vector<16xf32>,
      %broadcast_in_dim3A_123 = arith.constant 3.000000e+38 : f32
      %broadcast_in_dim3A_124 = vector.broadcast %broadcast_in_dim3A_123 : f32 to vector<16xf32>
      %swap3A_125 = arith.constant 288 : index
      %swap3A_126 = tpu.vector_load %arg14[%swap3A_125] {strides = array<i32>} : memref<512xf32, #tpu.memory_space<vmem>>, vector<16xf32>,
      tpu.vector_store %arg14[%swap3A_125], %broadcast_in_dim3A_124 {strides = array<i32>} : memref<512xf32, #tpu.memory_space<vmem>>, vector<16xf32>,
      %broadcast_in_dim3A_127 = arith.constant 3.000000e+38 : f32
      %broadcast_in_dim3A_128 = vector.broadcast %broadcast_in_dim3A_127 : f32 to vector<16xf32>
      %swap3A_129 = arith.constant 304 : index
      %swap3A_130 = tpu.vector_load %arg14[%swap3A_129] {strides = array<i32>} : memref<512xf32, #tpu.memory_space<vmem>>, vector<16xf32>,
      tpu.vector_store %arg14[%swap3A_129], %broadcast_in_dim3A_128 {strides = array<i32>} : memref<512xf32, #tpu.memory_space<vmem>>, vector<16xf32>,
      %broadcast_in_dim3A_131 = arith.constant 3.000000e+38 : f32
      %broadcast_in_dim3A_132 = vector.broadcast %broadcast_in_dim3A_131 : f32 to vector<16xf32>
      %swap3A_133 = arith.constant 320 : index
      %swap3A_134 = tpu.vector_load %arg14[%swap3A_133] {strides = array<i32>} : memref<512xf32, #tpu.memory_space<vmem>>, vector<16xf32>,
      tpu.vector_store %arg14[%swap3A_133], %broadcast_in_dim3A_132 {strides = array<i32>} : memref<512xf32, #tpu.memory_space<vmem>>, vector<16xf32>,
      %broadcast_in_dim3A_135 = arith.constant 3.000000e+38 : f32
      %broadcast_in_dim3A_136 = vector.broadcast %broadcast_in_dim3A_135 : f32 to vector<16xf32>
      %swap3A_137 = arith.constant 336 : index
      %swap3A_138 = tpu.vector_load %arg14[%swap3A_137] {strides = array<i32>} : memref<512xf32, #tpu.memory_space<vmem>>, vector<16xf32>,
      tpu.vector_store %arg14[%swap3A_137], %broadcast_in_dim3A_136 {strides = array<i32>} : memref<512xf32, #tpu.memory_space<vmem>>, vector<16xf32>,
      %broadcast_in_dim3A_139 = arith.constant 3.000000e+38 : f32
      %broadcast_in_dim3A_140 = vector.broadcast %broadcast_in_dim3A_139 : f32 to vector<16xf32>
      %swap3A_141 = arith.constant 352 : index
      %swap3A_142 = tpu.vector_load %arg14[%swap3A_141] {strides = array<i32>} : memref<512xf32, #tpu.memory_space<vmem>>, vector<16xf32>,
      tpu.vector_store %arg14[%swap3A_141], %broadcast_in_dim3A_140 {strides = array<i32>} : memref<512xf32, #tpu.memory_space<vmem>>, vector<16xf32>,
      %broadcast_in_dim3A_143 = arith.constant 3.000000e+38 : f32
      %broadcast_in_dim3A_144 = vector.broadcast %broadcast_in_dim3A_143 : f32 to vector<16xf32>
      %swap3A_145 = arith.constant 368 : index
      %swap3A_146 = tpu.vector_load %arg14[%swap3A_145] {strides = array<i32>} : memref<512xf32, #tpu.memory_space<vmem>>, vector<16xf32>,
      tpu.vector_store %arg14[%swap3A_145], %broadcast_in_dim3A_144 {strides = array<i32>} : memref<512xf32, #tpu.memory_space<vmem>>, vector<16xf32>,
      %broadcast_in_dim3A_147 = arith.constant 3.000000e+38 : f32
      %broadcast_in_dim3A_148 = vector.broadcast %broadcast_in_dim3A_147 : f32 to vector<16xf32>
      %swap3A_149 = arith.constant 384 : index
      %swap3A_150 = tpu.vector_load %arg14[%swap3A_149] {strides = array<i32>} : memref<512xf32, #tpu.memory_space<vmem>>, vector<16xf32>,
      tpu.vector_store %arg14[%swap3A_149], %broadcast_in_dim3A_148 {strides = array<i32>} : memref<512xf32, #tpu.memory_space<vmem>>, vector<16xf32>,
      %broadcast_in_dim3A_151 = arith.constant 3.000000e+38 : f32
      %broadcast_in_dim3A_152 = vector.broadcast %broadcast_in_dim3A_151 : f32 to vector<16xf32>
      %swap3A_153 = arith.constant 400 : index
      %swap3A_154 = tpu.vector_load %arg14[%swap3A_153] {strides = array<i32>} : memref<512xf32, #tpu.memory_space<vmem>>, vector<16xf32>,
      tpu.vector_store %arg14[%swap3A_153], %broadcast_in_dim3A_152 {strides = array<i32>} : memref<512xf32, #tpu.memory_space<vmem>>, vector<16xf32>,
      %broadcast_in_dim3A_155 = arith.constant 3.000000e+38 : f32
      %broadcast_in_dim3A_156 = vector.broadcast %broadcast_in_dim3A_155 : f32 to vector<16xf32>
      %swap3A_157 = arith.constant 416 : index
      %swap3A_158 = tpu.vector_load %arg14[%swap3A_157] {strides = array<i32>} : memref<512xf32, #tpu.memory_space<vmem>>, vector<16xf32>,
      tpu.vector_store %arg14[%swap3A_157], %broadcast_in_dim3A_156 {strides = array<i32>} : memref<512xf32, #tpu.memory_space<vmem>>, vector<16xf32>,
      %broadcast_in_dim3A_159 = arith.constant 3.000000e+38 : f32
      %broadcast_in_dim3A_160 = vector.broadcast %broadcast_in_dim3A_159 : f32 to vector<16xf32>
      %swap3A_161 = arith.constant 432 : index
      %swap3A_162 = tpu.vector_load %arg14[%swap3A_161] {strides = array<i32>} : memref<512xf32, #tpu.memory_space<vmem>>, vector<16xf32>,
      tpu.vector_store %arg14[%swap3A_161], %broadcast_in_dim3A_160 {strides = array<i32>} : memref<512xf32, #tpu.memory_space<vmem>>, vector<16xf32>,
      %broadcast_in_dim3A_163 = arith.constant 3.000000e+38 : f32
      %broadcast_in_dim3A_164 = vector.broadcast %broadcast_in_dim3A_163 : f32 to vector<16xf32>
      %swap3A_165 = arith.constant 448 : index
      %swap3A_166 = tpu.vector_load %arg14[%swap3A_165] {strides = array<i32>} : memref<512xf32, #tpu.memory_space<vmem>>, vector<16xf32>,
      tpu.vector_store %arg14[%swap3A_165], %broadcast_in_dim3A_164 {strides = array<i32>} : memref<512xf32, #tpu.memory_space<vmem>>, vector<16xf32>,
      %broadcast_in_dim3A_167 = arith.constant 3.000000e+38 : f32
      %broadcast_in_dim3A_168 = vector.broadcast %broadcast_in_dim3A_167 : f32 to vector<16xf32>
      %swap3A_169 = arith.constant 464 : index
      %swap3A_170 = tpu.vector_load %arg14[%swap3A_169] {strides = array<i32>} : memref<512xf32, #tpu.memory_space<vmem>>, vector<16xf32>,
      tpu.vector_store %arg14[%swap3A_169], %broadcast_in_dim3A_168 {strides = array<i32>} : memref<512xf32, #tpu.memory_space<vmem>>, vector<16xf32>,
      %broadcast_in_dim3A_171 = arith.constant 3.000000e+38 : f32
      %broadcast_in_dim3A_172 = vector.broadcast %broadcast_in_dim3A_171 : f32 to vector<16xf32>
      %swap3A_173 = arith.constant 480 : index
      %swap3A_174 = tpu.vector_load %arg14[%swap3A_173] {strides = array<i32>} : memref<512xf32, #tpu.memory_space<vmem>>, vector<16xf32>,
      tpu.vector_store %arg14[%swap3A_173], %broadcast_in_dim3A_172 {strides = array<i32>} : memref<512xf32, #tpu.memory_space<vmem>>, vector<16xf32>,
      %broadcast_in_dim3A_175 = arith.constant 3.000000e+38 : f32
      %broadcast_in_dim3A_176 = vector.broadcast %broadcast_in_dim3A_175 : f32 to vector<16xf32>
      %swap3A_177 = arith.constant 496 : index
      %swap3A_178 = tpu.vector_load %arg14[%swap3A_177] {strides = array<i32>} : memref<512xf32, #tpu.memory_space<vmem>>, vector<16xf32>,
      tpu.vector_store %arg14[%swap3A_177], %broadcast_in_dim3A_176 {strides = array<i32>} : memref<512xf32, #tpu.memory_space<vmem>>, vector<16xf32>,
      %broadcast_in_dim3A_179 = arith.constant 0 : i32
      %broadcast_in_dim3A_180 = vector.broadcast %broadcast_in_dim3A_179 : i32 to vector<16xi32>
      %scan3A_181 = arith.constant 0 : i32
      %scan3A_182 = arith.constant 32 : i32
      %scan3A_183 = arith.addi %scan3A_181, %scan3A_182 : i32
      %scan3A_184 = arith.constant 1 : i32
      %scan3A_185 = scf.for %scan3A_343 = %scan3A_181 to %scan3A_183 step %scan3A_184 iter_args(%scan3A_344 = %broadcast_in_dim3A_180) -> (vector<16xi32>)  : i32 {
        %mul3A_345 = arith.constant 128 : i32
        %mul3A_346 = arith.muli %scan3A_343, %mul3A_345 : i32
        %add3A_347 = arith.constant 0 : i32
        %add3A_348 = arith.addi %mul3A_346, %add3A_347 : i32
        %get3A = arith.index_cast %add3A_348 : i32 to index
        %get3A_349 = tpu.vector_load %arg10[%get3A] {strides = array<i32>} : memref<4096xf32, #tpu.memory_space<vmem>>, vector<16xf32>,
        %le3A = vector.broadcast %scan3A_51 : f32 to vector<16xf32>
        %le3A_350 = arith.cmpf ole, %get3A_349, %le3A : vector<16xf32>
        %convert_element_type3A = arith.extui %le3A_350 : vector<16xi1> to vector<16xi32>
        %broadcast_in_dim3A_351 = arith.constant true
        %broadcast_in_dim3A_352 = vector.broadcast %broadcast_in_dim3A_351 : i1 to vector<16xi1>
        %masked_cumsum3A = tpu.scan <sum>, %convert_element_type3A masked %broadcast_in_dim3A_352 : vector<16xi32>, vector<16xi1> -> vector<16xi32>
        %add3A_353 = arith.addi %scan3A_344, %masked_cumsum3A : vector<16xi32>
        %sub3A = arith.constant 1 : i32
        %sub3A_354 = vector.broadcast %sub3A : i32 to vector<16xi32>
        %sub3A_355 = arith.subi %add3A_353, %sub3A_354 : vector<16xi32>
        %lt3A = arith.constant 512 : i32
        %lt3A_356 = vector.broadcast %lt3A : i32 to vector<16xi32>
        %lt3A_357 = arith.cmpi slt, %sub3A_355, %lt3A_356 : vector<16xi32>
        %and3A = arith.andi %le3A_350, %lt3A_357 : vector<16xi1>
        %get3A_358 = arith.index_cast %add3A_348 : i32 to index
        %get3A_359 = tpu.vector_load %arg11[%get3A_358] {strides = array<i32>} : memref<4096xf32, #tpu.memory_space<vmem>>, vector<16xf32>,
        tpu.vector_store_idx %arg14[%sub3A_355], %get3A_349 masked %and3A : memref<512xf32, #tpu.memory_space<vmem>>[vector<16xi32>], vector<16xf32>, vector<16xi1>
        tpu.vector_store_idx %arg15[%sub3A_355], %get3A_359 masked %and3A : memref<512xf32, #tpu.memory_space<vmem>>[vector<16xi32>], vector<16xf32>, vector<16xi1>
        %all_reduce_population_count3A = tpu.all_reduce %and3A {dim = 0 : i64, kind = #tpu.reduction_kind<sum>} : vector<16xi1> -> vector<16xi32>
        %add3A_360 = arith.addi %scan3A_344, %all_reduce_population_count3A : vector<16xi32>
        %mul3A_361 = arith.constant 128 : i32
        %mul3A_362 = arith.muli %scan3A_343, %mul3A_361 : i32
        %add3A_363 = arith.constant 16 : i32
        %add3A_364 = arith.addi %mul3A_362, %add3A_363 : i32
        %get3A_365 = arith.index_cast %add3A_364 : i32 to index
        %get3A_366 = tpu.vector_load %arg10[%get3A_365] {strides = array<i32>} : memref<4096xf32, #tpu.memory_space<vmem>>, vector<16xf32>,
        %le3A_367 = vector.broadcast %scan3A_51 : f32 to vector<16xf32>
        %le3A_368 = arith.cmpf ole, %get3A_366, %le3A_367 : vector<16xf32>
        %convert_element_type3A_369 = arith.extui %le3A_368 : vector<16xi1> to vector<16xi32>
        %broadcast_in_dim3A_370 = arith.constant true
        %broadcast_in_dim3A_371 = vector.broadcast %broadcast_in_dim3A_370 : i1 to vector<16xi1>
        %masked_cumsum3A_372 = tpu.scan <sum>, %convert_element_type3A_369 masked %broadcast_in_dim3A_371 : vector<16xi32>, vector<16xi1> -> vector<16xi32>
        %add3A_373 = arith.addi %add3A_360, %masked_cumsum3A_372 : vector<16xi32>
        %sub3A_374 = arith.constant 1 : i32
        %sub3A_375 = vector.broadcast %sub3A_374 : i32 to vector<16xi32>
        %sub3A_376 = arith.subi %add3A_373, %sub3A_375 : vector<16xi32>
        %lt3A_377 = arith.constant 512 : i32
        %lt3A_378 = vector.broadcast %lt3A_377 : i32 to vector<16xi32>
        %lt3A_379 = arith.cmpi slt, %sub3A_376, %lt3A_378 : vector<16xi32>
        %and3A_380 = arith.andi %le3A_368, %lt3A_379 : vector<16xi1>
        %get3A_381 = arith.index_cast %add3A_364 : i32 to index
        %get3A_382 = tpu.vector_load %arg11[%get3A_381] {strides = array<i32>} : memref<4096xf32, #tpu.memory_space<vmem>>, vector<16xf32>,
        tpu.vector_store_idx %arg14[%sub3A_376], %get3A_366 masked %and3A_380 : memref<512xf32, #tpu.memory_space<vmem>>[vector<16xi32>], vector<16xf32>, vector<16xi1>
        tpu.vector_store_idx %arg15[%sub3A_376], %get3A_382 masked %and3A_380 : memref<512xf32, #tpu.memory_space<vmem>>[vector<16xi32>], vector<16xf32>, vector<16xi1>
        %all_reduce_population_count3A_383 = tpu.all_reduce %and3A_380 {dim = 0 : i64, kind = #tpu.reduction_kind<sum>} : vector<16xi1> -> vector<16xi32>
        %add3A_384 = arith.addi %add3A_360, %all_reduce_population_count3A_383 : vector<16xi32>
        %mul3A_385 = arith.constant 128 : i32
        %mul3A_386 = arith.muli %scan3A_343, %mul3A_385 : i32
        %add3A_387 = arith.constant 32 : i32
        %add3A_388 = arith.addi %mul3A_386, %add3A_387 : i32
        %get3A_389 = arith.index_cast %add3A_388 : i32 to index
        %get3A_390 = tpu.vector_load %arg10[%get3A_389] {strides = array<i32>} : memref<4096xf32, #tpu.memory_space<vmem>>, vector<16xf32>,
        %le3A_391 = vector.broadcast %scan3A_51 : f32 to vector<16xf32>
        %le3A_392 = arith.cmpf ole, %get3A_390, %le3A_391 : vector<16xf32>
        %convert_element_type3A_393 = arith.extui %le3A_392 : vector<16xi1> to vector<16xi32>
        %broadcast_in_dim3A_394 = arith.constant true
        %broadcast_in_dim3A_395 = vector.broadcast %broadcast_in_dim3A_394 : i1 to vector<16xi1>
        %masked_cumsum3A_396 = tpu.scan <sum>, %convert_element_type3A_393 masked %broadcast_in_dim3A_395 : vector<16xi32>, vector<16xi1> -> vector<16xi32>
        %add3A_397 = arith.addi %add3A_384, %masked_cumsum3A_396 : vector<16xi32>
        %sub3A_398 = arith.constant 1 : i32
        %sub3A_399 = vector.broadcast %sub3A_398 : i32 to vector<16xi32>
        %sub3A_400 = arith.subi %add3A_397, %sub3A_399 : vector<16xi32>
        %lt3A_401 = arith.constant 512 : i32
        %lt3A_402 = vector.broadcast %lt3A_401 : i32 to vector<16xi32>
        %lt3A_403 = arith.cmpi slt, %sub3A_400, %lt3A_402 : vector<16xi32>
        %and3A_404 = arith.andi %le3A_392, %lt3A_403 : vector<16xi1>
        %get3A_405 = arith.index_cast %add3A_388 : i32 to index
        %get3A_406 = tpu.vector_load %arg11[%get3A_405] {strides = array<i32>} : memref<4096xf32, #tpu.memory_space<vmem>>, vector<16xf32>,
        tpu.vector_store_idx %arg14[%sub3A_400], %get3A_390 masked %and3A_404 : memref<512xf32, #tpu.memory_space<vmem>>[vector<16xi32>], vector<16xf32>, vector<16xi1>
        tpu.vector_store_idx %arg15[%sub3A_400], %get3A_406 masked %and3A_404 : memref<512xf32, #tpu.memory_space<vmem>>[vector<16xi32>], vector<16xf32>, vector<16xi1>
        %all_reduce_population_count3A_407 = tpu.all_reduce %and3A_404 {dim = 0 : i64, kind = #tpu.reduction_kind<sum>} : vector<16xi1> -> vector<16xi32>
        %add3A_408 = arith.addi %add3A_384, %all_reduce_population_count3A_407 : vector<16xi32>
        %mul3A_409 = arith.constant 128 : i32
        %mul3A_410 = arith.muli %scan3A_343, %mul3A_409 : i32
        %add3A_411 = arith.constant 48 : i32
        %add3A_412 = arith.addi %mul3A_410, %add3A_411 : i32
        %get3A_413 = arith.index_cast %add3A_412 : i32 to index
        %get3A_414 = tpu.vector_load %arg10[%get3A_413] {strides = array<i32>} : memref<4096xf32, #tpu.memory_space<vmem>>, vector<16xf32>,
        %le3A_415 = vector.broadcast %scan3A_51 : f32 to vector<16xf32>
        %le3A_416 = arith.cmpf ole, %get3A_414, %le3A_415 : vector<16xf32>
        %convert_element_type3A_417 = arith.extui %le3A_416 : vector<16xi1> to vector<16xi32>
        %broadcast_in_dim3A_418 = arith.constant true
        %broadcast_in_dim3A_419 = vector.broadcast %broadcast_in_dim3A_418 : i1 to vector<16xi1>
        %masked_cumsum3A_420 = tpu.scan <sum>, %convert_element_type3A_417 masked %broadcast_in_dim3A_419 : vector<16xi32>, vector<16xi1> -> vector<16xi32>
        %add3A_421 = arith.addi %add3A_408, %masked_cumsum3A_420 : vector<16xi32>
        %sub3A_422 = arith.constant 1 : i32
        %sub3A_423 = vector.broadcast %sub3A_422 : i32 to vector<16xi32>
        %sub3A_424 = arith.subi %add3A_421, %sub3A_423 : vector<16xi32>
        %lt3A_425 = arith.constant 512 : i32
        %lt3A_426 = vector.broadcast %lt3A_425 : i32 to vector<16xi32>
        %lt3A_427 = arith.cmpi slt, %sub3A_424, %lt3A_426 : vector<16xi32>
        %and3A_428 = arith.andi %le3A_416, %lt3A_427 : vector<16xi1>
        %get3A_429 = arith.index_cast %add3A_412 : i32 to index
        %get3A_430 = tpu.vector_load %arg11[%get3A_429] {strides = array<i32>} : memref<4096xf32, #tpu.memory_space<vmem>>, vector<16xf32>,
        tpu.vector_store_idx %arg14[%sub3A_424], %get3A_414 masked %and3A_428 : memref<512xf32, #tpu.memory_space<vmem>>[vector<16xi32>], vector<16xf32>, vector<16xi1>
        tpu.vector_store_idx %arg15[%sub3A_424], %get3A_430 masked %and3A_428 : memref<512xf32, #tpu.memory_space<vmem>>[vector<16xi32>], vector<16xf32>, vector<16xi1>
        %all_reduce_population_count3A_431 = tpu.all_reduce %and3A_428 {dim = 0 : i64, kind = #tpu.reduction_kind<sum>} : vector<16xi1> -> vector<16xi32>
        %add3A_432 = arith.addi %add3A_408, %all_reduce_population_count3A_431 : vector<16xi32>
        %mul3A_433 = arith.constant 128 : i32
        %mul3A_434 = arith.muli %scan3A_343, %mul3A_433 : i32
        %add3A_435 = arith.constant 64 : i32
        %add3A_436 = arith.addi %mul3A_434, %add3A_435 : i32
        %get3A_437 = arith.index_cast %add3A_436 : i32 to index
        %get3A_438 = tpu.vector_load %arg10[%get3A_437] {strides = array<i32>} : memref<4096xf32, #tpu.memory_space<vmem>>, vector<16xf32>,
        %le3A_439 = vector.broadcast %scan3A_51 : f32 to vector<16xf32>
        %le3A_440 = arith.cmpf ole, %get3A_438, %le3A_439 : vector<16xf32>
        %convert_element_type3A_441 = arith.extui %le3A_440 : vector<16xi1> to vector<16xi32>
        %broadcast_in_dim3A_442 = arith.constant true
        %broadcast_in_dim3A_443 = vector.broadcast %broadcast_in_dim3A_442 : i1 to vector<16xi1>
        %masked_cumsum3A_444 = tpu.scan <sum>, %convert_element_type3A_441 masked %broadcast_in_dim3A_443 : vector<16xi32>, vector<16xi1> -> vector<16xi32>
        %add3A_445 = arith.addi %add3A_432, %masked_cumsum3A_444 : vector<16xi32>
        %sub3A_446 = arith.constant 1 : i32
        %sub3A_447 = vector.broadcast %sub3A_446 : i32 to vector<16xi32>
        %sub3A_448 = arith.subi %add3A_445, %sub3A_447 : vector<16xi32>
        %lt3A_449 = arith.constant 512 : i32
        %lt3A_450 = vector.broadcast %lt3A_449 : i32 to vector<16xi32>
        %lt3A_451 = arith.cmpi slt, %sub3A_448, %lt3A_450 : vector<16xi32>
        %and3A_452 = arith.andi %le3A_440, %lt3A_451 : vector<16xi1>
        %get3A_453 = arith.index_cast %add3A_436 : i32 to index
        %get3A_454 = tpu.vector_load %arg11[%get3A_453] {strides = array<i32>} : memref<4096xf32, #tpu.memory_space<vmem>>, vector<16xf32>,
        tpu.vector_store_idx %arg14[%sub3A_448], %get3A_438 masked %and3A_452 : memref<512xf32, #tpu.memory_space<vmem>>[vector<16xi32>], vector<16xf32>, vector<16xi1>
        tpu.vector_store_idx %arg15[%sub3A_448], %get3A_454 masked %and3A_452 : memref<512xf32, #tpu.memory_space<vmem>>[vector<16xi32>], vector<16xf32>, vector<16xi1>
        %all_reduce_population_count3A_455 = tpu.all_reduce %and3A_452 {dim = 0 : i64, kind = #tpu.reduction_kind<sum>} : vector<16xi1> -> vector<16xi32>
        %add3A_456 = arith.addi %add3A_432, %all_reduce_population_count3A_455 : vector<16xi32>
        %mul3A_457 = arith.constant 128 : i32
        %mul3A_458 = arith.muli %scan3A_343, %mul3A_457 : i32
        %add3A_459 = arith.constant 80 : i32
        %add3A_460 = arith.addi %mul3A_458, %add3A_459 : i32
        %get3A_461 = arith.index_cast %add3A_460 : i32 to index
        %get3A_462 = tpu.vector_load %arg10[%get3A_461] {strides = array<i32>} : memref<4096xf32, #tpu.memory_space<vmem>>, vector<16xf32>,
        %le3A_463 = vector.broadcast %scan3A_51 : f32 to vector<16xf32>
        %le3A_464 = arith.cmpf ole, %get3A_462, %le3A_463 : vector<16xf32>
        %convert_element_type3A_465 = arith.extui %le3A_464 : vector<16xi1> to vector<16xi32>
        %broadcast_in_dim3A_466 = arith.constant true
        %broadcast_in_dim3A_467 = vector.broadcast %broadcast_in_dim3A_466 : i1 to vector<16xi1>
        %masked_cumsum3A_468 = tpu.scan <sum>, %convert_element_type3A_465 masked %broadcast_in_dim3A_467 : vector<16xi32>, vector<16xi1> -> vector<16xi32>
        %add3A_469 = arith.addi %add3A_456, %masked_cumsum3A_468 : vector<16xi32>
        %sub3A_470 = arith.constant 1 : i32
        %sub3A_471 = vector.broadcast %sub3A_470 : i32 to vector<16xi32>
        %sub3A_472 = arith.subi %add3A_469, %sub3A_471 : vector<16xi32>
        %lt3A_473 = arith.constant 512 : i32
        %lt3A_474 = vector.broadcast %lt3A_473 : i32 to vector<16xi32>
        %lt3A_475 = arith.cmpi slt, %sub3A_472, %lt3A_474 : vector<16xi32>
        %and3A_476 = arith.andi %le3A_464, %lt3A_475 : vector<16xi1>
        %get3A_477 = arith.index_cast %add3A_460 : i32 to index
        %get3A_478 = tpu.vector_load %arg11[%get3A_477] {strides = array<i32>} : memref<4096xf32, #tpu.memory_space<vmem>>, vector<16xf32>,
        tpu.vector_store_idx %arg14[%sub3A_472], %get3A_462 masked %and3A_476 : memref<512xf32, #tpu.memory_space<vmem>>[vector<16xi32>], vector<16xf32>, vector<16xi1>
        tpu.vector_store_idx %arg15[%sub3A_472], %get3A_478 masked %and3A_476 : memref<512xf32, #tpu.memory_space<vmem>>[vector<16xi32>], vector<16xf32>, vector<16xi1>
        %all_reduce_population_count3A_479 = tpu.all_reduce %and3A_476 {dim = 0 : i64, kind = #tpu.reduction_kind<sum>} : vector<16xi1> -> vector<16xi32>
        %add3A_480 = arith.addi %add3A_456, %all_reduce_population_count3A_479 : vector<16xi32>
        %mul3A_481 = arith.constant 128 : i32
        %mul3A_482 = arith.muli %scan3A_343, %mul3A_481 : i32
        %add3A_483 = arith.constant 96 : i32
        %add3A_484 = arith.addi %mul3A_482, %add3A_483 : i32
        %get3A_485 = arith.index_cast %add3A_484 : i32 to index
        %get3A_486 = tpu.vector_load %arg10[%get3A_485] {strides = array<i32>} : memref<4096xf32, #tpu.memory_space<vmem>>, vector<16xf32>,
        %le3A_487 = vector.broadcast %scan3A_51 : f32 to vector<16xf32>
        %le3A_488 = arith.cmpf ole, %get3A_486, %le3A_487 : vector<16xf32>
        %convert_element_type3A_489 = arith.extui %le3A_488 : vector<16xi1> to vector<16xi32>
        %broadcast_in_dim3A_490 = arith.constant true
        %broadcast_in_dim3A_491 = vector.broadcast %broadcast_in_dim3A_490 : i1 to vector<16xi1>
        %masked_cumsum3A_492 = tpu.scan <sum>, %convert_element_type3A_489 masked %broadcast_in_dim3A_491 : vector<16xi32>, vector<16xi1> -> vector<16xi32>
        %add3A_493 = arith.addi %add3A_480, %masked_cumsum3A_492 : vector<16xi32>
        %sub3A_494 = arith.constant 1 : i32
        %sub3A_495 = vector.broadcast %sub3A_494 : i32 to vector<16xi32>
        %sub3A_496 = arith.subi %add3A_493, %sub3A_495 : vector<16xi32>
        %lt3A_497 = arith.constant 512 : i32
        %lt3A_498 = vector.broadcast %lt3A_497 : i32 to vector<16xi32>
        %lt3A_499 = arith.cmpi slt, %sub3A_496, %lt3A_498 : vector<16xi32>
        %and3A_500 = arith.andi %le3A_488, %lt3A_499 : vector<16xi1>
        %get3A_501 = arith.index_cast %add3A_484 : i32 to index
        %get3A_502 = tpu.vector_load %arg11[%get3A_501] {strides = array<i32>} : memref<4096xf32, #tpu.memory_space<vmem>>, vector<16xf32>,
        tpu.vector_store_idx %arg14[%sub3A_496], %get3A_486 masked %and3A_500 : memref<512xf32, #tpu.memory_space<vmem>>[vector<16xi32>], vector<16xf32>, vector<16xi1>
        tpu.vector_store_idx %arg15[%sub3A_496], %get3A_502 masked %and3A_500 : memref<512xf32, #tpu.memory_space<vmem>>[vector<16xi32>], vector<16xf32>, vector<16xi1>
        %all_reduce_population_count3A_503 = tpu.all_reduce %and3A_500 {dim = 0 : i64, kind = #tpu.reduction_kind<sum>} : vector<16xi1> -> vector<16xi32>
        %add3A_504 = arith.addi %add3A_480, %all_reduce_population_count3A_503 : vector<16xi32>
        %mul3A_505 = arith.constant 128 : i32
        %mul3A_506 = arith.muli %scan3A_343, %mul3A_505 : i32
        %add3A_507 = arith.constant 112 : i32
        %add3A_508 = arith.addi %mul3A_506, %add3A_507 : i32
        %get3A_509 = arith.index_cast %add3A_508 : i32 to index
        %get3A_510 = tpu.vector_load %arg10[%get3A_509] {strides = array<i32>} : memref<4096xf32, #tpu.memory_space<vmem>>, vector<16xf32>,
        %le3A_511 = vector.broadcast %scan3A_51 : f32 to vector<16xf32>
        %le3A_512 = arith.cmpf ole, %get3A_510, %le3A_511 : vector<16xf32>
        %convert_element_type3A_513 = arith.extui %le3A_512 : vector<16xi1> to vector<16xi32>
        %broadcast_in_dim3A_514 = arith.constant true
        %broadcast_in_dim3A_515 = vector.broadcast %broadcast_in_dim3A_514 : i1 to vector<16xi1>
        %masked_cumsum3A_516 = tpu.scan <sum>, %convert_element_type3A_513 masked %broadcast_in_dim3A_515 : vector<16xi32>, vector<16xi1> -> vector<16xi32>
        %add3A_517 = arith.addi %add3A_504, %masked_cumsum3A_516 : vector<16xi32>
        %sub3A_518 = arith.constant 1 : i32
        %sub3A_519 = vector.broadcast %sub3A_518 : i32 to vector<16xi32>
        %sub3A_520 = arith.subi %add3A_517, %sub3A_519 : vector<16xi32>
        %lt3A_521 = arith.constant 512 : i32
        %lt3A_522 = vector.broadcast %lt3A_521 : i32 to vector<16xi32>
        %lt3A_523 = arith.cmpi slt, %sub3A_520, %lt3A_522 : vector<16xi32>
        %and3A_524 = arith.andi %le3A_512, %lt3A_523 : vector<16xi1>
        %get3A_525 = arith.index_cast %add3A_508 : i32 to index
        %get3A_526 = tpu.vector_load %arg11[%get3A_525] {strides = array<i32>} : memref<4096xf32, #tpu.memory_space<vmem>>, vector<16xf32>,
        tpu.vector_store_idx %arg14[%sub3A_520], %get3A_510 masked %and3A_524 : memref<512xf32, #tpu.memory_space<vmem>>[vector<16xi32>], vector<16xf32>, vector<16xi1>
        tpu.vector_store_idx %arg15[%sub3A_520], %get3A_526 masked %and3A_524 : memref<512xf32, #tpu.memory_space<vmem>>[vector<16xi32>], vector<16xf32>, vector<16xi1>
        %all_reduce_population_count3A_527 = tpu.all_reduce %and3A_524 {dim = 0 : i64, kind = #tpu.reduction_kind<sum>} : vector<16xi1> -> vector<16xi32>
        %add3A_528 = arith.addi %add3A_504, %all_reduce_population_count3A_527 : vector<16xi32>
        scf.yield %add3A_528 : vector<16xi32>
      }
      %scan3A_186 = arith.constant 32 : i32
      "tpu.region"() ({
        %run_scoped3A = tpu.sem_alloc : memref<!tpu.dma_semaphore, #tpu.memory_space<semaphore_mem>>
        %dma_start3A_343 = arith.constant 0 : i32
        %dma_start3A_344 = tpu.memref_slice %arg6[%add3A_11, %dma_start3A_343] : memref<2048x512xf32, #tpu.memory_space<hbm>> -> memref<1x512xf32, #tpu.memory_space<hbm>>
        %dma_start3A_345 = tpu.memref_squeeze %dma_start3A_344 : memref<1x512xf32, #tpu.memory_space<hbm>> -> memref<512xf32, #tpu.memory_space<hbm>>
        %dma_start3A_346 = arith.constant 0 : i32
        %dma_start3A_347 = tpu.memref_slice %arg6[%add3A_11, %dma_start3A_346] : memref<2048x512xf32, #tpu.memory_space<hbm>> -> memref<1x512xf32, #tpu.memory_space<hbm>>
        %dma_start3A_348 = tpu.memref_squeeze %dma_start3A_347 : memref<1x512xf32, #tpu.memory_space<hbm>> -> memref<512xf32, #tpu.memory_space<hbm>>
        tpu.enqueue_dma source(%arg14 : memref<512xf32, #tpu.memory_space<vmem>>) target(%dma_start3A_348 : memref<512xf32, #tpu.memory_space<hbm>>) target_semaphore(%run_scoped3A : memref<!tpu.dma_semaphore, #tpu.memory_space<semaphore_mem>>)
        %dma_wait3A_349 = arith.constant 0 : i32
        %dma_wait3A_350 = tpu.memref_slice %arg6[%add3A_11, %dma_wait3A_349] : memref<2048x512xf32, #tpu.memory_space<hbm>> -> memref<1x512xf32, #tpu.memory_space<hbm>>
        %dma_wait3A_351 = tpu.memref_squeeze %dma_wait3A_350 : memref<1x512xf32, #tpu.memory_space<hbm>> -> memref<512xf32, #tpu.memory_space<hbm>>
        %dma_wait3A_352 = arith.constant 0 : i32
        %dma_wait3A_353 = tpu.memref_slice %arg6[%add3A_11, %dma_wait3A_352] : memref<2048x512xf32, #tpu.memory_space<hbm>> -> memref<1x512xf32, #tpu.memory_space<hbm>>
        %dma_wait3A_354 = tpu.memref_squeeze %dma_wait3A_353 : memref<1x512xf32, #tpu.memory_space<hbm>> -> memref<512xf32, #tpu.memory_space<hbm>>
        tpu.wait_dma2 semaphore(%run_scoped3A : memref<!tpu.dma_semaphore, #tpu.memory_space<semaphore_mem>>) src(%arg14 : memref<512xf32, #tpu.memory_space<vmem>>) dst(%dma_wait3A_354 : memref<512xf32, #tpu.memory_space<hbm>>)
        tpu.yield
      }) : () -> ()
      "tpu.region"() ({
        %run_scoped3A = tpu.sem_alloc : memref<!tpu.dma_semaphore, #tpu.memory_space<semaphore_mem>>
        %dma_start3A_343 = arith.constant 0 : i32
        %dma_start3A_344 = tpu.memref_slice %arg7[%add3A_11, %dma_start3A_343] : memref<2048x512xf32, #tpu.memory_space<hbm>> -> memref<1x512xf32, #tpu.memory_space<hbm>>
        %dma_start3A_345 = tpu.memref_squeeze %dma_start3A_344 : memref<1x512xf32, #tpu.memory_space<hbm>> -> memref<512xf32, #tpu.memory_space<hbm>>
        %dma_start3A_346 = arith.constant 0 : i32
        %dma_start3A_347 = tpu.memref_slice %arg7[%add3A_11, %dma_start3A_346] : memref<2048x512xf32, #tpu.memory_space<hbm>> -> memref<1x512xf32, #tpu.memory_space<hbm>>
        %dma_start3A_348 = tpu.memref_squeeze %dma_start3A_347 : memref<1x512xf32, #tpu.memory_space<hbm>> -> memref<512xf32, #tpu.memory_space<hbm>>
        tpu.enqueue_dma source(%arg15 : memref<512xf32, #tpu.memory_space<vmem>>) target(%dma_start3A_348 : memref<512xf32, #tpu.memory_space<hbm>>) target_semaphore(%run_scoped3A : memref<!tpu.dma_semaphore, #tpu.memory_space<semaphore_mem>>)
        %dma_wait3A_349 = arith.constant 0 : i32
        %dma_wait3A_350 = tpu.memref_slice %arg7[%add3A_11, %dma_wait3A_349] : memref<2048x512xf32, #tpu.memory_space<hbm>> -> memref<1x512xf32, #tpu.memory_space<hbm>>
        %dma_wait3A_351 = tpu.memref_squeeze %dma_wait3A_350 : memref<1x512xf32, #tpu.memory_space<hbm>> -> memref<512xf32, #tpu.memory_space<hbm>>
        %dma_wait3A_352 = arith.constant 0 : i32
        %dma_wait3A_353 = tpu.memref_slice %arg7[%add3A_11, %dma_wait3A_352] : memref<2048x512xf32, #tpu.memory_space<hbm>> -> memref<1x512xf32, #tpu.memory_space<hbm>>
        %dma_wait3A_354 = tpu.memref_squeeze %dma_wait3A_353 : memref<1x512xf32, #tpu.memory_space<hbm>> -> memref<512xf32, #tpu.memory_space<hbm>>
        tpu.wait_dma2 semaphore(%run_scoped3A : memref<!tpu.dma_semaphore, #tpu.memory_space<semaphore_mem>>) src(%arg15 : memref<512xf32, #tpu.memory_space<vmem>>) dst(%dma_wait3A_354 : memref<512xf32, #tpu.memory_space<hbm>>)
        tpu.yield
      }) : () -> ()
      %dma_wait3A_187 = arith.constant 0 : i32
      %dma_wait3A_188 = tpu.memref_slice %arg4[%add3A_11, %dma_wait3A_187] : memref<2048x4096xf32, #tpu.memory_space<hbm>> -> memref<1x4096xf32, #tpu.memory_space<hbm>>
      %dma_wait3A_189 = tpu.memref_squeeze %dma_wait3A_188 : memref<1x4096xf32, #tpu.memory_space<hbm>> -> memref<4096xf32, #tpu.memory_space<hbm>>
      %dma_wait3A_190 = arith.constant 0 : i32
      %dma_wait3A_191 = tpu.memref_slice %arg4[%add3A_11, %dma_wait3A_190] : memref<2048x4096xf32, #tpu.memory_space<hbm>> -> memref<1x4096xf32, #tpu.memory_space<hbm>>
      %dma_wait3A_192 = tpu.memref_squeeze %dma_wait3A_191 : memref<1x4096xf32, #tpu.memory_space<hbm>> -> memref<4096xf32, #tpu.memory_space<hbm>>
      tpu.wait_dma2 semaphore(%arg17 : memref<!tpu.dma_semaphore, #tpu.memory_space<semaphore_mem>>) src(%dma_wait3A_192 : memref<4096xf32, #tpu.memory_space<hbm>>) dst(%arg12 : memref<4096xf32, #tpu.memory_space<vmem>>)
      %dma_wait3A_193 = arith.constant 0 : i32
      %dma_wait3A_194 = tpu.memref_slice %arg5[%add3A_11, %dma_wait3A_193] : memref<2048x4096xf32, #tpu.memory_space<hbm>> -> memref<1x4096xf32, #tpu.memory_space<hbm>>
      %dma_wait3A_195 = tpu.memref_squeeze %dma_wait3A_194 : memref<1x4096xf32, #tpu.memory_space<hbm>> -> memref<4096xf32, #tpu.memory_space<hbm>>
      %dma_wait3A_196 = arith.constant 0 : i32
      %dma_wait3A_197 = tpu.memref_slice %arg5[%add3A_11, %dma_wait3A_196] : memref<2048x4096xf32, #tpu.memory_space<hbm>> -> memref<1x4096xf32, #tpu.memory_space<hbm>>
      %dma_wait3A_198 = tpu.memref_squeeze %dma_wait3A_197 : memref<1x4096xf32, #tpu.memory_space<hbm>> -> memref<4096xf32, #tpu.memory_space<hbm>>
      tpu.wait_dma2 semaphore(%arg17 : memref<!tpu.dma_semaphore, #tpu.memory_space<semaphore_mem>>) src(%dma_wait3A_198 : memref<4096xf32, #tpu.memory_space<hbm>>) dst(%arg13 : memref<4096xf32, #tpu.memory_space<vmem>>)
      %scan3A_199 = arith.constant -3.000000e+38 : f32
      %scan3A_200 = arith.constant 0 : i32
      %scan3A_201 = arith.constant 16 : i32
      %scan3A_202 = arith.addi %scan3A_200, %scan3A_201 : i32
      %scan3A_203 = arith.constant 1 : i32
      %scan3A_204 = scf.for %scan3A_343 = %scan3A_200 to %scan3A_202 step %scan3A_203 iter_args(%scan3A_344 = %scan3A_199) -> (f32)  : i32 {
        %broadcast_in_dim3A_345 = arith.constant 3.000000e+38 : f32
        %broadcast_in_dim3A_346 = vector.broadcast %broadcast_in_dim3A_345 : f32 to vector<16xf32>
        %mul3A_347 = arith.constant 256 : i32
        %mul3A_348 = arith.muli %scan3A_343, %mul3A_347 : i32
        %add3A_349 = arith.constant 0 : i32
        %add3A_350 = arith.addi %mul3A_348, %add3A_349 : i32
        %get3A = arith.index_cast %add3A_350 : i32 to index
        %get3A_351 = tpu.vector_load %arg12[%get3A] {strides = array<i32>} : memref<4096xf32, #tpu.memory_space<vmem>>, vector<16xf32>,
        %min3A = arith.minimumf %broadcast_in_dim3A_346, %get3A_351 : vector<16xf32>
        %mul3A_352 = arith.constant 256 : i32
        %mul3A_353 = arith.muli %scan3A_343, %mul3A_352 : i32
        %add3A_354 = arith.constant 16 : i32
        %add3A_355 = arith.addi %mul3A_353, %add3A_354 : i32
        %get3A_356 = arith.index_cast %add3A_355 : i32 to index
        %get3A_357 = tpu.vector_load %arg12[%get3A_356] {strides = array<i32>} : memref<4096xf32, #tpu.memory_space<vmem>>, vector<16xf32>,
        %min3A_358 = arith.minimumf %min3A, %get3A_357 : vector<16xf32>
        %mul3A_359 = arith.constant 256 : i32
        %mul3A_360 = arith.muli %scan3A_343, %mul3A_359 : i32
        %add3A_361 = arith.constant 32 : i32
        %add3A_362 = arith.addi %mul3A_360, %add3A_361 : i32
        %get3A_363 = arith.index_cast %add3A_362 : i32 to index
        %get3A_364 = tpu.vector_load %arg12[%get3A_363] {strides = array<i32>} : memref<4096xf32, #tpu.memory_space<vmem>>, vector<16xf32>,
        %min3A_365 = arith.minimumf %min3A_358, %get3A_364 : vector<16xf32>
        %mul3A_366 = arith.constant 256 : i32
        %mul3A_367 = arith.muli %scan3A_343, %mul3A_366 : i32
        %add3A_368 = arith.constant 48 : i32
        %add3A_369 = arith.addi %mul3A_367, %add3A_368 : i32
        %get3A_370 = arith.index_cast %add3A_369 : i32 to index
        %get3A_371 = tpu.vector_load %arg12[%get3A_370] {strides = array<i32>} : memref<4096xf32, #tpu.memory_space<vmem>>, vector<16xf32>,
        %min3A_372 = arith.minimumf %min3A_365, %get3A_371 : vector<16xf32>
        %mul3A_373 = arith.constant 256 : i32
        %mul3A_374 = arith.muli %scan3A_343, %mul3A_373 : i32
        %add3A_375 = arith.constant 64 : i32
        %add3A_376 = arith.addi %mul3A_374, %add3A_375 : i32
        %get3A_377 = arith.index_cast %add3A_376 : i32 to index
        %get3A_378 = tpu.vector_load %arg12[%get3A_377] {strides = array<i32>} : memref<4096xf32, #tpu.memory_space<vmem>>, vector<16xf32>,
        %min3A_379 = arith.minimumf %min3A_372, %get3A_378 : vector<16xf32>
        %mul3A_380 = arith.constant 256 : i32
        %mul3A_381 = arith.muli %scan3A_343, %mul3A_380 : i32
        %add3A_382 = arith.constant 80 : i32
        %add3A_383 = arith.addi %mul3A_381, %add3A_382 : i32
        %get3A_384 = arith.index_cast %add3A_383 : i32 to index
        %get3A_385 = tpu.vector_load %arg12[%get3A_384] {strides = array<i32>} : memref<4096xf32, #tpu.memory_space<vmem>>, vector<16xf32>,
        %min3A_386 = arith.minimumf %min3A_379, %get3A_385 : vector<16xf32>
        %mul3A_387 = arith.constant 256 : i32
        %mul3A_388 = arith.muli %scan3A_343, %mul3A_387 : i32
        %add3A_389 = arith.constant 96 : i32
        %add3A_390 = arith.addi %mul3A_388, %add3A_389 : i32
        %get3A_391 = arith.index_cast %add3A_390 : i32 to index
        %get3A_392 = tpu.vector_load %arg12[%get3A_391] {strides = array<i32>} : memref<4096xf32, #tpu.memory_space<vmem>>, vector<16xf32>,
        %min3A_393 = arith.minimumf %min3A_386, %get3A_392 : vector<16xf32>
        %mul3A_394 = arith.constant 256 : i32
        %mul3A_395 = arith.muli %scan3A_343, %mul3A_394 : i32
        %add3A_396 = arith.constant 112 : i32
        %add3A_397 = arith.addi %mul3A_395, %add3A_396 : i32
        %get3A_398 = arith.index_cast %add3A_397 : i32 to index
        %get3A_399 = tpu.vector_load %arg12[%get3A_398] {strides = array<i32>} : memref<4096xf32, #tpu.memory_space<vmem>>, vector<16xf32>,
        %min3A_400 = arith.minimumf %min3A_393, %get3A_399 : vector<16xf32>
        %mul3A_401 = arith.constant 256 : i32
        %mul3A_402 = arith.muli %scan3A_343, %mul3A_401 : i32
        %add3A_403 = arith.constant 128 : i32
        %add3A_404 = arith.addi %mul3A_402, %add3A_403 : i32
        %get3A_405 = arith.index_cast %add3A_404 : i32 to index
        %get3A_406 = tpu.vector_load %arg12[%get3A_405] {strides = array<i32>} : memref<4096xf32, #tpu.memory_space<vmem>>, vector<16xf32>,
        %min3A_407 = arith.minimumf %min3A_400, %get3A_406 : vector<16xf32>
        %mul3A_408 = arith.constant 256 : i32
        %mul3A_409 = arith.muli %scan3A_343, %mul3A_408 : i32
        %add3A_410 = arith.constant 144 : i32
        %add3A_411 = arith.addi %mul3A_409, %add3A_410 : i32
        %get3A_412 = arith.index_cast %add3A_411 : i32 to index
        %get3A_413 = tpu.vector_load %arg12[%get3A_412] {strides = array<i32>} : memref<4096xf32, #tpu.memory_space<vmem>>, vector<16xf32>,
        %min3A_414 = arith.minimumf %min3A_407, %get3A_413 : vector<16xf32>
        %mul3A_415 = arith.constant 256 : i32
        %mul3A_416 = arith.muli %scan3A_343, %mul3A_415 : i32
        %add3A_417 = arith.constant 160 : i32
        %add3A_418 = arith.addi %mul3A_416, %add3A_417 : i32
        %get3A_419 = arith.index_cast %add3A_418 : i32 to index
        %get3A_420 = tpu.vector_load %arg12[%get3A_419] {strides = array<i32>} : memref<4096xf32, #tpu.memory_space<vmem>>, vector<16xf32>,
        %min3A_421 = arith.minimumf %min3A_414, %get3A_420 : vector<16xf32>
        %mul3A_422 = arith.constant 256 : i32
        %mul3A_423 = arith.muli %scan3A_343, %mul3A_422 : i32
        %add3A_424 = arith.constant 176 : i32
        %add3A_425 = arith.addi %mul3A_423, %add3A_424 : i32
        %get3A_426 = arith.index_cast %add3A_425 : i32 to index
        %get3A_427 = tpu.vector_load %arg12[%get3A_426] {strides = array<i32>} : memref<4096xf32, #tpu.memory_space<vmem>>, vector<16xf32>,
        %min3A_428 = arith.minimumf %min3A_421, %get3A_427 : vector<16xf32>
        %mul3A_429 = arith.constant 256 : i32
        %mul3A_430 = arith.muli %scan3A_343, %mul3A_429 : i32
        %add3A_431 = arith.constant 192 : i32
        %add3A_432 = arith.addi %mul3A_430, %add3A_431 : i32
        %get3A_433 = arith.index_cast %add3A_432 : i32 to index
        %get3A_434 = tpu.vector_load %arg12[%get3A_433] {strides = array<i32>} : memref<4096xf32, #tpu.memory_space<vmem>>, vector<16xf32>,
        %min3A_435 = arith.minimumf %min3A_428, %get3A_434 : vector<16xf32>
        %mul3A_436 = arith.constant 256 : i32
        %mul3A_437 = arith.muli %scan3A_343, %mul3A_436 : i32
        %add3A_438 = arith.constant 208 : i32
        %add3A_439 = arith.addi %mul3A_437, %add3A_438 : i32
        %get3A_440 = arith.index_cast %add3A_439 : i32 to index
        %get3A_441 = tpu.vector_load %arg12[%get3A_440] {strides = array<i32>} : memref<4096xf32, #tpu.memory_space<vmem>>, vector<16xf32>,
        %min3A_442 = arith.minimumf %min3A_435, %get3A_441 : vector<16xf32>
        %mul3A_443 = arith.constant 256 : i32
        %mul3A_444 = arith.muli %scan3A_343, %mul3A_443 : i32
        %add3A_445 = arith.constant 224 : i32
        %add3A_446 = arith.addi %mul3A_444, %add3A_445 : i32
        %get3A_447 = arith.index_cast %add3A_446 : i32 to index
        %get3A_448 = tpu.vector_load %arg12[%get3A_447] {strides = array<i32>} : memref<4096xf32, #tpu.memory_space<vmem>>, vector<16xf32>,
        %min3A_449 = arith.minimumf %min3A_442, %get3A_448 : vector<16xf32>
        %mul3A_450 = arith.constant 256 : i32
        %mul3A_451 = arith.muli %scan3A_343, %mul3A_450 : i32
        %add3A_452 = arith.constant 240 : i32
        %add3A_453 = arith.addi %mul3A_451, %add3A_452 : i32
        %get3A_454 = arith.index_cast %add3A_453 : i32 to index
        %get3A_455 = tpu.vector_load %arg12[%get3A_454] {strides = array<i32>} : memref<4096xf32, #tpu.memory_space<vmem>>, vector<16xf32>,
        %min3A_456 = arith.minimumf %min3A_449, %get3A_455 : vector<16xf32>
        %reduce_min3A = arith.constant true
        %reduce_min3A_457 = vector.broadcast %reduce_min3A : i1 to vector<16xi1>
        %reduce_min3A_458 = tpu.scan <min>, %min3A_456 masked %reduce_min3A_457 : vector<16xf32>, vector<16xi1> -> vector<16xf32>
        %reduce_min3A_459 = vector.extract %reduce_min3A_458[15] : f32 from vector<16xf32>
        %eq3A = vector.broadcast %reduce_min3A_459 : f32 to vector<16xf32>
        %eq3A_460 = arith.cmpf oeq, %min3A_456, %eq3A : vector<16xf32>
        %jit3A = arith.constant 3.000000e+38 : f32
        %broadcast_in_dim3A_461 = vector.broadcast %jit3A : f32 to vector<16xf32>
        %select_n3A = arith.select %eq3A_460, %broadcast_in_dim3A_461, %min3A_456 : vector<16xi1>, vector<16xf32>
        %reduce_min3A_462 = arith.constant true
        %reduce_min3A_463 = vector.broadcast %reduce_min3A_462 : i1 to vector<16xi1>
        %reduce_min3A_464 = tpu.scan <min>, %select_n3A masked %reduce_min3A_463 : vector<16xf32>, vector<16xi1> -> vector<16xf32>
        %reduce_min3A_465 = vector.extract %reduce_min3A_464[15] : f32 from vector<16xf32>
        %eq3A_466 = vector.broadcast %reduce_min3A_465 : f32 to vector<16xf32>
        %eq3A_467 = arith.cmpf oeq, %select_n3A, %eq3A_466 : vector<16xf32>
        %jit3A_468 = arith.constant 3.000000e+38 : f32
        %broadcast_in_dim3A_469 = vector.broadcast %jit3A_468 : f32 to vector<16xf32>
        %select_n3A_470 = arith.select %eq3A_467, %broadcast_in_dim3A_469, %select_n3A : vector<16xi1>, vector<16xf32>
        %reduce_min3A_471 = arith.constant true
        %reduce_min3A_472 = vector.broadcast %reduce_min3A_471 : i1 to vector<16xi1>
        %reduce_min3A_473 = tpu.scan <min>, %select_n3A_470 masked %reduce_min3A_472 : vector<16xf32>, vector<16xi1> -> vector<16xf32>
        %reduce_min3A_474 = vector.extract %reduce_min3A_473[15] : f32 from vector<16xf32>
        %eq3A_475 = vector.broadcast %reduce_min3A_474 : f32 to vector<16xf32>
        %eq3A_476 = arith.cmpf oeq, %select_n3A_470, %eq3A_475 : vector<16xf32>
        %jit3A_477 = arith.constant 3.000000e+38 : f32
        %broadcast_in_dim3A_478 = vector.broadcast %jit3A_477 : f32 to vector<16xf32>
        %select_n3A_479 = arith.select %eq3A_476, %broadcast_in_dim3A_478, %select_n3A_470 : vector<16xi1>, vector<16xf32>
        %reduce_min3A_480 = arith.constant true
        %reduce_min3A_481 = vector.broadcast %reduce_min3A_480 : i1 to vector<16xi1>
        %reduce_min3A_482 = tpu.scan <min>, %select_n3A_479 masked %reduce_min3A_481 : vector<16xf32>, vector<16xi1> -> vector<16xf32>
        %reduce_min3A_483 = vector.extract %reduce_min3A_482[15] : f32 from vector<16xf32>
        %max3A = arith.maximumf %scan3A_344, %reduce_min3A_483 : f32
        scf.yield %max3A : f32
      }
      %scan3A_205 = arith.constant 16 : i32
      %broadcast_in_dim3A_206 = arith.constant 3.000000e+38 : f32
      %broadcast_in_dim3A_207 = vector.broadcast %broadcast_in_dim3A_206 : f32 to vector<16xf32>
      %swap3A_208 = arith.constant 0 : index
      %swap3A_209 = tpu.vector_load %arg14[%swap3A_208] {strides = array<i32>} : memref<512xf32, #tpu.memory_space<vmem>>, vector<16xf32>,
      tpu.vector_store %arg14[%swap3A_208], %broadcast_in_dim3A_207 {strides = array<i32>} : memref<512xf32, #tpu.memory_space<vmem>>, vector<16xf32>,
      %broadcast_in_dim3A_210 = arith.constant 3.000000e+38 : f32
      %broadcast_in_dim3A_211 = vector.broadcast %broadcast_in_dim3A_210 : f32 to vector<16xf32>
      %swap3A_212 = arith.constant 16 : index
      %swap3A_213 = tpu.vector_load %arg14[%swap3A_212] {strides = array<i32>} : memref<512xf32, #tpu.memory_space<vmem>>, vector<16xf32>,
      tpu.vector_store %arg14[%swap3A_212], %broadcast_in_dim3A_211 {strides = array<i32>} : memref<512xf32, #tpu.memory_space<vmem>>, vector<16xf32>,
      %broadcast_in_dim3A_214 = arith.constant 3.000000e+38 : f32
      %broadcast_in_dim3A_215 = vector.broadcast %broadcast_in_dim3A_214 : f32 to vector<16xf32>
      %swap3A_216 = arith.constant 32 : index
      %swap3A_217 = tpu.vector_load %arg14[%swap3A_216] {strides = array<i32>} : memref<512xf32, #tpu.memory_space<vmem>>, vector<16xf32>,
      tpu.vector_store %arg14[%swap3A_216], %broadcast_in_dim3A_215 {strides = array<i32>} : memref<512xf32, #tpu.memory_space<vmem>>, vector<16xf32>,
      %broadcast_in_dim3A_218 = arith.constant 3.000000e+38 : f32
      %broadcast_in_dim3A_219 = vector.broadcast %broadcast_in_dim3A_218 : f32 to vector<16xf32>
      %swap3A_220 = arith.constant 48 : index
      %swap3A_221 = tpu.vector_load %arg14[%swap3A_220] {strides = array<i32>} : memref<512xf32, #tpu.memory_space<vmem>>, vector<16xf32>,
      tpu.vector_store %arg14[%swap3A_220], %broadcast_in_dim3A_219 {strides = array<i32>} : memref<512xf32, #tpu.memory_space<vmem>>, vector<16xf32>,
      %broadcast_in_dim3A_222 = arith.constant 3.000000e+38 : f32
      %broadcast_in_dim3A_223 = vector.broadcast %broadcast_in_dim3A_222 : f32 to vector<16xf32>
      %swap3A_224 = arith.constant 64 : index
      %swap3A_225 = tpu.vector_load %arg14[%swap3A_224] {strides = array<i32>} : memref<512xf32, #tpu.memory_space<vmem>>, vector<16xf32>,
      tpu.vector_store %arg14[%swap3A_224], %broadcast_in_dim3A_223 {strides = array<i32>} : memref<512xf32, #tpu.memory_space<vmem>>, vector<16xf32>,
      %broadcast_in_dim3A_226 = arith.constant 3.000000e+38 : f32
      %broadcast_in_dim3A_227 = vector.broadcast %broadcast_in_dim3A_226 : f32 to vector<16xf32>
      %swap3A_228 = arith.constant 80 : index
      %swap3A_229 = tpu.vector_load %arg14[%swap3A_228] {strides = array<i32>} : memref<512xf32, #tpu.memory_space<vmem>>, vector<16xf32>,
      tpu.vector_store %arg14[%swap3A_228], %broadcast_in_dim3A_227 {strides = array<i32>} : memref<512xf32, #tpu.memory_space<vmem>>, vector<16xf32>,
      %broadcast_in_dim3A_230 = arith.constant 3.000000e+38 : f32
      %broadcast_in_dim3A_231 = vector.broadcast %broadcast_in_dim3A_230 : f32 to vector<16xf32>
      %swap3A_232 = arith.constant 96 : index
      %swap3A_233 = tpu.vector_load %arg14[%swap3A_232] {strides = array<i32>} : memref<512xf32, #tpu.memory_space<vmem>>, vector<16xf32>,
      tpu.vector_store %arg14[%swap3A_232], %broadcast_in_dim3A_231 {strides = array<i32>} : memref<512xf32, #tpu.memory_space<vmem>>, vector<16xf32>,
      %broadcast_in_dim3A_234 = arith.constant 3.000000e+38 : f32
      %broadcast_in_dim3A_235 = vector.broadcast %broadcast_in_dim3A_234 : f32 to vector<16xf32>
      %swap3A_236 = arith.constant 112 : index
      %swap3A_237 = tpu.vector_load %arg14[%swap3A_236] {strides = array<i32>} : memref<512xf32, #tpu.memory_space<vmem>>, vector<16xf32>,
      tpu.vector_store %arg14[%swap3A_236], %broadcast_in_dim3A_235 {strides = array<i32>} : memref<512xf32, #tpu.memory_space<vmem>>, vector<16xf32>,
      %broadcast_in_dim3A_238 = arith.constant 3.000000e+38 : f32
      %broadcast_in_dim3A_239 = vector.broadcast %broadcast_in_dim3A_238 : f32 to vector<16xf32>
      %swap3A_240 = arith.constant 128 : index
      %swap3A_241 = tpu.vector_load %arg14[%swap3A_240] {strides = array<i32>} : memref<512xf32, #tpu.memory_space<vmem>>, vector<16xf32>,
      tpu.vector_store %arg14[%swap3A_240], %broadcast_in_dim3A_239 {strides = array<i32>} : memref<512xf32, #tpu.memory_space<vmem>>, vector<16xf32>,
      %broadcast_in_dim3A_242 = arith.constant 3.000000e+38 : f32
      %broadcast_in_dim3A_243 = vector.broadcast %broadcast_in_dim3A_242 : f32 to vector<16xf32>
      %swap3A_244 = arith.constant 144 : index
      %swap3A_245 = tpu.vector_load %arg14[%swap3A_244] {strides = array<i32>} : memref<512xf32, #tpu.memory_space<vmem>>, vector<16xf32>,
      tpu.vector_store %arg14[%swap3A_244], %broadcast_in_dim3A_243 {strides = array<i32>} : memref<512xf32, #tpu.memory_space<vmem>>, vector<16xf32>,
      %broadcast_in_dim3A_246 = arith.constant 3.000000e+38 : f32
      %broadcast_in_dim3A_247 = vector.broadcast %broadcast_in_dim3A_246 : f32 to vector<16xf32>
      %swap3A_248 = arith.constant 160 : index
      %swap3A_249 = tpu.vector_load %arg14[%swap3A_248] {strides = array<i32>} : memref<512xf32, #tpu.memory_space<vmem>>, vector<16xf32>,
      tpu.vector_store %arg14[%swap3A_248], %broadcast_in_dim3A_247 {strides = array<i32>} : memref<512xf32, #tpu.memory_space<vmem>>, vector<16xf32>,
      %broadcast_in_dim3A_250 = arith.constant 3.000000e+38 : f32
      %broadcast_in_dim3A_251 = vector.broadcast %broadcast_in_dim3A_250 : f32 to vector<16xf32>
      %swap3A_252 = arith.constant 176 : index
      %swap3A_253 = tpu.vector_load %arg14[%swap3A_252] {strides = array<i32>} : memref<512xf32, #tpu.memory_space<vmem>>, vector<16xf32>,
      tpu.vector_store %arg14[%swap3A_252], %broadcast_in_dim3A_251 {strides = array<i32>} : memref<512xf32, #tpu.memory_space<vmem>>, vector<16xf32>,
      %broadcast_in_dim3A_254 = arith.constant 3.000000e+38 : f32
      %broadcast_in_dim3A_255 = vector.broadcast %broadcast_in_dim3A_254 : f32 to vector<16xf32>
      %swap3A_256 = arith.constant 192 : index
      %swap3A_257 = tpu.vector_load %arg14[%swap3A_256] {strides = array<i32>} : memref<512xf32, #tpu.memory_space<vmem>>, vector<16xf32>,
      tpu.vector_store %arg14[%swap3A_256], %broadcast_in_dim3A_255 {strides = array<i32>} : memref<512xf32, #tpu.memory_space<vmem>>, vector<16xf32>,
      %broadcast_in_dim3A_258 = arith.constant 3.000000e+38 : f32
      %broadcast_in_dim3A_259 = vector.broadcast %broadcast_in_dim3A_258 : f32 to vector<16xf32>
      %swap3A_260 = arith.constant 208 : index
      %swap3A_261 = tpu.vector_load %arg14[%swap3A_260] {strides = array<i32>} : memref<512xf32, #tpu.memory_space<vmem>>, vector<16xf32>,
      tpu.vector_store %arg14[%swap3A_260], %broadcast_in_dim3A_259 {strides = array<i32>} : memref<512xf32, #tpu.memory_space<vmem>>, vector<16xf32>,
      %broadcast_in_dim3A_262 = arith.constant 3.000000e+38 : f32
      %broadcast_in_dim3A_263 = vector.broadcast %broadcast_in_dim3A_262 : f32 to vector<16xf32>
      %swap3A_264 = arith.constant 224 : index
      %swap3A_265 = tpu.vector_load %arg14[%swap3A_264] {strides = array<i32>} : memref<512xf32, #tpu.memory_space<vmem>>, vector<16xf32>,
      tpu.vector_store %arg14[%swap3A_264], %broadcast_in_dim3A_263 {strides = array<i32>} : memref<512xf32, #tpu.memory_space<vmem>>, vector<16xf32>,
      %broadcast_in_dim3A_266 = arith.constant 3.000000e+38 : f32
      %broadcast_in_dim3A_267 = vector.broadcast %broadcast_in_dim3A_266 : f32 to vector<16xf32>
      %swap3A_268 = arith.constant 240 : index
      %swap3A_269 = tpu.vector_load %arg14[%swap3A_268] {strides = array<i32>} : memref<512xf32, #tpu.memory_space<vmem>>, vector<16xf32>,
      tpu.vector_store %arg14[%swap3A_268], %broadcast_in_dim3A_267 {strides = array<i32>} : memref<512xf32, #tpu.memory_space<vmem>>, vector<16xf32>,
      %broadcast_in_dim3A_270 = arith.constant 3.000000e+38 : f32
      %broadcast_in_dim3A_271 = vector.broadcast %broadcast_in_dim3A_270 : f32 to vector<16xf32>
      %swap3A_272 = arith.constant 256 : index
      %swap3A_273 = tpu.vector_load %arg14[%swap3A_272] {strides = array<i32>} : memref<512xf32, #tpu.memory_space<vmem>>, vector<16xf32>,
      tpu.vector_store %arg14[%swap3A_272], %broadcast_in_dim3A_271 {strides = array<i32>} : memref<512xf32, #tpu.memory_space<vmem>>, vector<16xf32>,
      %broadcast_in_dim3A_274 = arith.constant 3.000000e+38 : f32
      %broadcast_in_dim3A_275 = vector.broadcast %broadcast_in_dim3A_274 : f32 to vector<16xf32>
      %swap3A_276 = arith.constant 272 : index
      %swap3A_277 = tpu.vector_load %arg14[%swap3A_276] {strides = array<i32>} : memref<512xf32, #tpu.memory_space<vmem>>, vector<16xf32>,
      tpu.vector_store %arg14[%swap3A_276], %broadcast_in_dim3A_275 {strides = array<i32>} : memref<512xf32, #tpu.memory_space<vmem>>, vector<16xf32>,
      %broadcast_in_dim3A_278 = arith.constant 3.000000e+38 : f32
      %broadcast_in_dim3A_279 = vector.broadcast %broadcast_in_dim3A_278 : f32 to vector<16xf32>
      %swap3A_280 = arith.constant 288 : index
      %swap3A_281 = tpu.vector_load %arg14[%swap3A_280] {strides = array<i32>} : memref<512xf32, #tpu.memory_space<vmem>>, vector<16xf32>,
      tpu.vector_store %arg14[%swap3A_280], %broadcast_in_dim3A_279 {strides = array<i32>} : memref<512xf32, #tpu.memory_space<vmem>>, vector<16xf32>,
      %broadcast_in_dim3A_282 = arith.constant 3.000000e+38 : f32
      %broadcast_in_dim3A_283 = vector.broadcast %broadcast_in_dim3A_282 : f32 to vector<16xf32>
      %swap3A_284 = arith.constant 304 : index
      %swap3A_285 = tpu.vector_load %arg14[%swap3A_284] {strides = array<i32>} : memref<512xf32, #tpu.memory_space<vmem>>, vector<16xf32>,
      tpu.vector_store %arg14[%swap3A_284], %broadcast_in_dim3A_283 {strides = array<i32>} : memref<512xf32, #tpu.memory_space<vmem>>, vector<16xf32>,
      %broadcast_in_dim3A_286 = arith.constant 3.000000e+38 : f32
      %broadcast_in_dim3A_287 = vector.broadcast %broadcast_in_dim3A_286 : f32 to vector<16xf32>
      %swap3A_288 = arith.constant 320 : index
      %swap3A_289 = tpu.vector_load %arg14[%swap3A_288] {strides = array<i32>} : memref<512xf32, #tpu.memory_space<vmem>>, vector<16xf32>,
      tpu.vector_store %arg14[%swap3A_288], %broadcast_in_dim3A_287 {strides = array<i32>} : memref<512xf32, #tpu.memory_space<vmem>>, vector<16xf32>,
      %broadcast_in_dim3A_290 = arith.constant 3.000000e+38 : f32
      %broadcast_in_dim3A_291 = vector.broadcast %broadcast_in_dim3A_290 : f32 to vector<16xf32>
      %swap3A_292 = arith.constant 336 : index
      %swap3A_293 = tpu.vector_load %arg14[%swap3A_292] {strides = array<i32>} : memref<512xf32, #tpu.memory_space<vmem>>, vector<16xf32>,
      tpu.vector_store %arg14[%swap3A_292], %broadcast_in_dim3A_291 {strides = array<i32>} : memref<512xf32, #tpu.memory_space<vmem>>, vector<16xf32>,
      %broadcast_in_dim3A_294 = arith.constant 3.000000e+38 : f32
      %broadcast_in_dim3A_295 = vector.broadcast %broadcast_in_dim3A_294 : f32 to vector<16xf32>
      %swap3A_296 = arith.constant 352 : index
      %swap3A_297 = tpu.vector_load %arg14[%swap3A_296] {strides = array<i32>} : memref<512xf32, #tpu.memory_space<vmem>>, vector<16xf32>,
      tpu.vector_store %arg14[%swap3A_296], %broadcast_in_dim3A_295 {strides = array<i32>} : memref<512xf32, #tpu.memory_space<vmem>>, vector<16xf32>,
      %broadcast_in_dim3A_298 = arith.constant 3.000000e+38 : f32
      %broadcast_in_dim3A_299 = vector.broadcast %broadcast_in_dim3A_298 : f32 to vector<16xf32>
      %swap3A_300 = arith.constant 368 : index
      %swap3A_301 = tpu.vector_load %arg14[%swap3A_300] {strides = array<i32>} : memref<512xf32, #tpu.memory_space<vmem>>, vector<16xf32>,
      tpu.vector_store %arg14[%swap3A_300], %broadcast_in_dim3A_299 {strides = array<i32>} : memref<512xf32, #tpu.memory_space<vmem>>, vector<16xf32>,
      %broadcast_in_dim3A_302 = arith.constant 3.000000e+38 : f32
      %broadcast_in_dim3A_303 = vector.broadcast %broadcast_in_dim3A_302 : f32 to vector<16xf32>
      %swap3A_304 = arith.constant 384 : index
      %swap3A_305 = tpu.vector_load %arg14[%swap3A_304] {strides = array<i32>} : memref<512xf32, #tpu.memory_space<vmem>>, vector<16xf32>,
      tpu.vector_store %arg14[%swap3A_304], %broadcast_in_dim3A_303 {strides = array<i32>} : memref<512xf32, #tpu.memory_space<vmem>>, vector<16xf32>,
      %broadcast_in_dim3A_306 = arith.constant 3.000000e+38 : f32
      %broadcast_in_dim3A_307 = vector.broadcast %broadcast_in_dim3A_306 : f32 to vector<16xf32>
      %swap3A_308 = arith.constant 400 : index
      %swap3A_309 = tpu.vector_load %arg14[%swap3A_308] {strides = array<i32>} : memref<512xf32, #tpu.memory_space<vmem>>, vector<16xf32>,
      tpu.vector_store %arg14[%swap3A_308], %broadcast_in_dim3A_307 {strides = array<i32>} : memref<512xf32, #tpu.memory_space<vmem>>, vector<16xf32>,
      %broadcast_in_dim3A_310 = arith.constant 3.000000e+38 : f32
      %broadcast_in_dim3A_311 = vector.broadcast %broadcast_in_dim3A_310 : f32 to vector<16xf32>
      %swap3A_312 = arith.constant 416 : index
      %swap3A_313 = tpu.vector_load %arg14[%swap3A_312] {strides = array<i32>} : memref<512xf32, #tpu.memory_space<vmem>>, vector<16xf32>,
      tpu.vector_store %arg14[%swap3A_312], %broadcast_in_dim3A_311 {strides = array<i32>} : memref<512xf32, #tpu.memory_space<vmem>>, vector<16xf32>,
      %broadcast_in_dim3A_314 = arith.constant 3.000000e+38 : f32
      %broadcast_in_dim3A_315 = vector.broadcast %broadcast_in_dim3A_314 : f32 to vector<16xf32>
      %swap3A_316 = arith.constant 432 : index
      %swap3A_317 = tpu.vector_load %arg14[%swap3A_316] {strides = array<i32>} : memref<512xf32, #tpu.memory_space<vmem>>, vector<16xf32>,
      tpu.vector_store %arg14[%swap3A_316], %broadcast_in_dim3A_315 {strides = array<i32>} : memref<512xf32, #tpu.memory_space<vmem>>, vector<16xf32>,
      %broadcast_in_dim3A_318 = arith.constant 3.000000e+38 : f32
      %broadcast_in_dim3A_319 = vector.broadcast %broadcast_in_dim3A_318 : f32 to vector<16xf32>
      %swap3A_320 = arith.constant 448 : index
      %swap3A_321 = tpu.vector_load %arg14[%swap3A_320] {strides = array<i32>} : memref<512xf32, #tpu.memory_space<vmem>>, vector<16xf32>,
      tpu.vector_store %arg14[%swap3A_320], %broadcast_in_dim3A_319 {strides = array<i32>} : memref<512xf32, #tpu.memory_space<vmem>>, vector<16xf32>,
      %broadcast_in_dim3A_322 = arith.constant 3.000000e+38 : f32
      %broadcast_in_dim3A_323 = vector.broadcast %broadcast_in_dim3A_322 : f32 to vector<16xf32>
      %swap3A_324 = arith.constant 464 : index
      %swap3A_325 = tpu.vector_load %arg14[%swap3A_324] {strides = array<i32>} : memref<512xf32, #tpu.memory_space<vmem>>, vector<16xf32>,
      tpu.vector_store %arg14[%swap3A_324], %broadcast_in_dim3A_323 {strides = array<i32>} : memref<512xf32, #tpu.memory_space<vmem>>, vector<16xf32>,
      %broadcast_in_dim3A_326 = arith.constant 3.000000e+38 : f32
      %broadcast_in_dim3A_327 = vector.broadcast %broadcast_in_dim3A_326 : f32 to vector<16xf32>
      %swap3A_328 = arith.constant 480 : index
      %swap3A_329 = tpu.vector_load %arg14[%swap3A_328] {strides = array<i32>} : memref<512xf32, #tpu.memory_space<vmem>>, vector<16xf32>,
      tpu.vector_store %arg14[%swap3A_328], %broadcast_in_dim3A_327 {strides = array<i32>} : memref<512xf32, #tpu.memory_space<vmem>>, vector<16xf32>,
      %broadcast_in_dim3A_330 = arith.constant 3.000000e+38 : f32
      %broadcast_in_dim3A_331 = vector.broadcast %broadcast_in_dim3A_330 : f32 to vector<16xf32>
      %swap3A_332 = arith.constant 496 : index
      %swap3A_333 = tpu.vector_load %arg14[%swap3A_332] {strides = array<i32>} : memref<512xf32, #tpu.memory_space<vmem>>, vector<16xf32>,
      tpu.vector_store %arg14[%swap3A_332], %broadcast_in_dim3A_331 {strides = array<i32>} : memref<512xf32, #tpu.memory_space<vmem>>, vector<16xf32>,
      %broadcast_in_dim3A_334 = arith.constant 0 : i32
      %broadcast_in_dim3A_335 = vector.broadcast %broadcast_in_dim3A_334 : i32 to vector<16xi32>
      %scan3A_336 = arith.constant 0 : i32
      %scan3A_337 = arith.constant 32 : i32
      %scan3A_338 = arith.addi %scan3A_336, %scan3A_337 : i32
      %scan3A_339 = arith.constant 1 : i32
      %scan3A_340 = scf.for %scan3A_343 = %scan3A_336 to %scan3A_338 step %scan3A_339 iter_args(%scan3A_344 = %broadcast_in_dim3A_335) -> (vector<16xi32>)  : i32 {
        %mul3A_345 = arith.constant 128 : i32
        %mul3A_346 = arith.muli %scan3A_343, %mul3A_345 : i32
        %add3A_347 = arith.constant 0 : i32
        %add3A_348 = arith.addi %mul3A_346, %add3A_347 : i32
        %get3A = arith.index_cast %add3A_348 : i32 to index
        %get3A_349 = tpu.vector_load %arg12[%get3A] {strides = array<i32>} : memref<4096xf32, #tpu.memory_space<vmem>>, vector<16xf32>,
        %le3A = vector.broadcast %scan3A_204 : f32 to vector<16xf32>
        %le3A_350 = arith.cmpf ole, %get3A_349, %le3A : vector<16xf32>
        %convert_element_type3A = arith.extui %le3A_350 : vector<16xi1> to vector<16xi32>
        %broadcast_in_dim3A_351 = arith.constant true
        %broadcast_in_dim3A_352 = vector.broadcast %broadcast_in_dim3A_351 : i1 to vector<16xi1>
        %masked_cumsum3A = tpu.scan <sum>, %convert_element_type3A masked %broadcast_in_dim3A_352 : vector<16xi32>, vector<16xi1> -> vector<16xi32>
        %add3A_353 = arith.addi %scan3A_344, %masked_cumsum3A : vector<16xi32>
        %sub3A = arith.constant 1 : i32
        %sub3A_354 = vector.broadcast %sub3A : i32 to vector<16xi32>
        %sub3A_355 = arith.subi %add3A_353, %sub3A_354 : vector<16xi32>
        %lt3A = arith.constant 512 : i32
        %lt3A_356 = vector.broadcast %lt3A : i32 to vector<16xi32>
        %lt3A_357 = arith.cmpi slt, %sub3A_355, %lt3A_356 : vector<16xi32>
        %and3A = arith.andi %le3A_350, %lt3A_357 : vector<16xi1>
        %get3A_358 = arith.index_cast %add3A_348 : i32 to index
        %get3A_359 = tpu.vector_load %arg13[%get3A_358] {strides = array<i32>} : memref<4096xf32, #tpu.memory_space<vmem>>, vector<16xf32>,
        tpu.vector_store_idx %arg14[%sub3A_355], %get3A_349 masked %and3A : memref<512xf32, #tpu.memory_space<vmem>>[vector<16xi32>], vector<16xf32>, vector<16xi1>
        tpu.vector_store_idx %arg15[%sub3A_355], %get3A_359 masked %and3A : memref<512xf32, #tpu.memory_space<vmem>>[vector<16xi32>], vector<16xf32>, vector<16xi1>
        %all_reduce_population_count3A = tpu.all_reduce %and3A {dim = 0 : i64, kind = #tpu.reduction_kind<sum>} : vector<16xi1> -> vector<16xi32>
        %add3A_360 = arith.addi %scan3A_344, %all_reduce_population_count3A : vector<16xi32>
        %mul3A_361 = arith.constant 128 : i32
        %mul3A_362 = arith.muli %scan3A_343, %mul3A_361 : i32
        %add3A_363 = arith.constant 16 : i32
        %add3A_364 = arith.addi %mul3A_362, %add3A_363 : i32
        %get3A_365 = arith.index_cast %add3A_364 : i32 to index
        %get3A_366 = tpu.vector_load %arg12[%get3A_365] {strides = array<i32>} : memref<4096xf32, #tpu.memory_space<vmem>>, vector<16xf32>,
        %le3A_367 = vector.broadcast %scan3A_204 : f32 to vector<16xf32>
        %le3A_368 = arith.cmpf ole, %get3A_366, %le3A_367 : vector<16xf32>
        %convert_element_type3A_369 = arith.extui %le3A_368 : vector<16xi1> to vector<16xi32>
        %broadcast_in_dim3A_370 = arith.constant true
        %broadcast_in_dim3A_371 = vector.broadcast %broadcast_in_dim3A_370 : i1 to vector<16xi1>
        %masked_cumsum3A_372 = tpu.scan <sum>, %convert_element_type3A_369 masked %broadcast_in_dim3A_371 : vector<16xi32>, vector<16xi1> -> vector<16xi32>
        %add3A_373 = arith.addi %add3A_360, %masked_cumsum3A_372 : vector<16xi32>
        %sub3A_374 = arith.constant 1 : i32
        %sub3A_375 = vector.broadcast %sub3A_374 : i32 to vector<16xi32>
        %sub3A_376 = arith.subi %add3A_373, %sub3A_375 : vector<16xi32>
        %lt3A_377 = arith.constant 512 : i32
        %lt3A_378 = vector.broadcast %lt3A_377 : i32 to vector<16xi32>
        %lt3A_379 = arith.cmpi slt, %sub3A_376, %lt3A_378 : vector<16xi32>
        %and3A_380 = arith.andi %le3A_368, %lt3A_379 : vector<16xi1>
        %get3A_381 = arith.index_cast %add3A_364 : i32 to index
        %get3A_382 = tpu.vector_load %arg13[%get3A_381] {strides = array<i32>} : memref<4096xf32, #tpu.memory_space<vmem>>, vector<16xf32>,
        tpu.vector_store_idx %arg14[%sub3A_376], %get3A_366 masked %and3A_380 : memref<512xf32, #tpu.memory_space<vmem>>[vector<16xi32>], vector<16xf32>, vector<16xi1>
        tpu.vector_store_idx %arg15[%sub3A_376], %get3A_382 masked %and3A_380 : memref<512xf32, #tpu.memory_space<vmem>>[vector<16xi32>], vector<16xf32>, vector<16xi1>
        %all_reduce_population_count3A_383 = tpu.all_reduce %and3A_380 {dim = 0 : i64, kind = #tpu.reduction_kind<sum>} : vector<16xi1> -> vector<16xi32>
        %add3A_384 = arith.addi %add3A_360, %all_reduce_population_count3A_383 : vector<16xi32>
        %mul3A_385 = arith.constant 128 : i32
        %mul3A_386 = arith.muli %scan3A_343, %mul3A_385 : i32
        %add3A_387 = arith.constant 32 : i32
        %add3A_388 = arith.addi %mul3A_386, %add3A_387 : i32
        %get3A_389 = arith.index_cast %add3A_388 : i32 to index
        %get3A_390 = tpu.vector_load %arg12[%get3A_389] {strides = array<i32>} : memref<4096xf32, #tpu.memory_space<vmem>>, vector<16xf32>,
        %le3A_391 = vector.broadcast %scan3A_204 : f32 to vector<16xf32>
        %le3A_392 = arith.cmpf ole, %get3A_390, %le3A_391 : vector<16xf32>
        %convert_element_type3A_393 = arith.extui %le3A_392 : vector<16xi1> to vector<16xi32>
        %broadcast_in_dim3A_394 = arith.constant true
        %broadcast_in_dim3A_395 = vector.broadcast %broadcast_in_dim3A_394 : i1 to vector<16xi1>
        %masked_cumsum3A_396 = tpu.scan <sum>, %convert_element_type3A_393 masked %broadcast_in_dim3A_395 : vector<16xi32>, vector<16xi1> -> vector<16xi32>
        %add3A_397 = arith.addi %add3A_384, %masked_cumsum3A_396 : vector<16xi32>
        %sub3A_398 = arith.constant 1 : i32
        %sub3A_399 = vector.broadcast %sub3A_398 : i32 to vector<16xi32>
        %sub3A_400 = arith.subi %add3A_397, %sub3A_399 : vector<16xi32>
        %lt3A_401 = arith.constant 512 : i32
        %lt3A_402 = vector.broadcast %lt3A_401 : i32 to vector<16xi32>
        %lt3A_403 = arith.cmpi slt, %sub3A_400, %lt3A_402 : vector<16xi32>
        %and3A_404 = arith.andi %le3A_392, %lt3A_403 : vector<16xi1>
        %get3A_405 = arith.index_cast %add3A_388 : i32 to index
        %get3A_406 = tpu.vector_load %arg13[%get3A_405] {strides = array<i32>} : memref<4096xf32, #tpu.memory_space<vmem>>, vector<16xf32>,
        tpu.vector_store_idx %arg14[%sub3A_400], %get3A_390 masked %and3A_404 : memref<512xf32, #tpu.memory_space<vmem>>[vector<16xi32>], vector<16xf32>, vector<16xi1>
        tpu.vector_store_idx %arg15[%sub3A_400], %get3A_406 masked %and3A_404 : memref<512xf32, #tpu.memory_space<vmem>>[vector<16xi32>], vector<16xf32>, vector<16xi1>
        %all_reduce_population_count3A_407 = tpu.all_reduce %and3A_404 {dim = 0 : i64, kind = #tpu.reduction_kind<sum>} : vector<16xi1> -> vector<16xi32>
        %add3A_408 = arith.addi %add3A_384, %all_reduce_population_count3A_407 : vector<16xi32>
        %mul3A_409 = arith.constant 128 : i32
        %mul3A_410 = arith.muli %scan3A_343, %mul3A_409 : i32
        %add3A_411 = arith.constant 48 : i32
        %add3A_412 = arith.addi %mul3A_410, %add3A_411 : i32
        %get3A_413 = arith.index_cast %add3A_412 : i32 to index
        %get3A_414 = tpu.vector_load %arg12[%get3A_413] {strides = array<i32>} : memref<4096xf32, #tpu.memory_space<vmem>>, vector<16xf32>,
        %le3A_415 = vector.broadcast %scan3A_204 : f32 to vector<16xf32>
        %le3A_416 = arith.cmpf ole, %get3A_414, %le3A_415 : vector<16xf32>
        %convert_element_type3A_417 = arith.extui %le3A_416 : vector<16xi1> to vector<16xi32>
        %broadcast_in_dim3A_418 = arith.constant true
        %broadcast_in_dim3A_419 = vector.broadcast %broadcast_in_dim3A_418 : i1 to vector<16xi1>
        %masked_cumsum3A_420 = tpu.scan <sum>, %convert_element_type3A_417 masked %broadcast_in_dim3A_419 : vector<16xi32>, vector<16xi1> -> vector<16xi32>
        %add3A_421 = arith.addi %add3A_408, %masked_cumsum3A_420 : vector<16xi32>
        %sub3A_422 = arith.constant 1 : i32
        %sub3A_423 = vector.broadcast %sub3A_422 : i32 to vector<16xi32>
        %sub3A_424 = arith.subi %add3A_421, %sub3A_423 : vector<16xi32>
        %lt3A_425 = arith.constant 512 : i32
        %lt3A_426 = vector.broadcast %lt3A_425 : i32 to vector<16xi32>
        %lt3A_427 = arith.cmpi slt, %sub3A_424, %lt3A_426 : vector<16xi32>
        %and3A_428 = arith.andi %le3A_416, %lt3A_427 : vector<16xi1>
        %get3A_429 = arith.index_cast %add3A_412 : i32 to index
        %get3A_430 = tpu.vector_load %arg13[%get3A_429] {strides = array<i32>} : memref<4096xf32, #tpu.memory_space<vmem>>, vector<16xf32>,
        tpu.vector_store_idx %arg14[%sub3A_424], %get3A_414 masked %and3A_428 : memref<512xf32, #tpu.memory_space<vmem>>[vector<16xi32>], vector<16xf32>, vector<16xi1>
        tpu.vector_store_idx %arg15[%sub3A_424], %get3A_430 masked %and3A_428 : memref<512xf32, #tpu.memory_space<vmem>>[vector<16xi32>], vector<16xf32>, vector<16xi1>
        %all_reduce_population_count3A_431 = tpu.all_reduce %and3A_428 {dim = 0 : i64, kind = #tpu.reduction_kind<sum>} : vector<16xi1> -> vector<16xi32>
        %add3A_432 = arith.addi %add3A_408, %all_reduce_population_count3A_431 : vector<16xi32>
        %mul3A_433 = arith.constant 128 : i32
        %mul3A_434 = arith.muli %scan3A_343, %mul3A_433 : i32
        %add3A_435 = arith.constant 64 : i32
        %add3A_436 = arith.addi %mul3A_434, %add3A_435 : i32
        %get3A_437 = arith.index_cast %add3A_436 : i32 to index
        %get3A_438 = tpu.vector_load %arg12[%get3A_437] {strides = array<i32>} : memref<4096xf32, #tpu.memory_space<vmem>>, vector<16xf32>,
        %le3A_439 = vector.broadcast %scan3A_204 : f32 to vector<16xf32>
        %le3A_440 = arith.cmpf ole, %get3A_438, %le3A_439 : vector<16xf32>
        %convert_element_type3A_441 = arith.extui %le3A_440 : vector<16xi1> to vector<16xi32>
        %broadcast_in_dim3A_442 = arith.constant true
        %broadcast_in_dim3A_443 = vector.broadcast %broadcast_in_dim3A_442 : i1 to vector<16xi1>
        %masked_cumsum3A_444 = tpu.scan <sum>, %convert_element_type3A_441 masked %broadcast_in_dim3A_443 : vector<16xi32>, vector<16xi1> -> vector<16xi32>
        %add3A_445 = arith.addi %add3A_432, %masked_cumsum3A_444 : vector<16xi32>
        %sub3A_446 = arith.constant 1 : i32
        %sub3A_447 = vector.broadcast %sub3A_446 : i32 to vector<16xi32>
        %sub3A_448 = arith.subi %add3A_445, %sub3A_447 : vector<16xi32>
        %lt3A_449 = arith.constant 512 : i32
        %lt3A_450 = vector.broadcast %lt3A_449 : i32 to vector<16xi32>
        %lt3A_451 = arith.cmpi slt, %sub3A_448, %lt3A_450 : vector<16xi32>
        %and3A_452 = arith.andi %le3A_440, %lt3A_451 : vector<16xi1>
        %get3A_453 = arith.index_cast %add3A_436 : i32 to index
        %get3A_454 = tpu.vector_load %arg13[%get3A_453] {strides = array<i32>} : memref<4096xf32, #tpu.memory_space<vmem>>, vector<16xf32>,
        tpu.vector_store_idx %arg14[%sub3A_448], %get3A_438 masked %and3A_452 : memref<512xf32, #tpu.memory_space<vmem>>[vector<16xi32>], vector<16xf32>, vector<16xi1>
        tpu.vector_store_idx %arg15[%sub3A_448], %get3A_454 masked %and3A_452 : memref<512xf32, #tpu.memory_space<vmem>>[vector<16xi32>], vector<16xf32>, vector<16xi1>
        %all_reduce_population_count3A_455 = tpu.all_reduce %and3A_452 {dim = 0 : i64, kind = #tpu.reduction_kind<sum>} : vector<16xi1> -> vector<16xi32>
        %add3A_456 = arith.addi %add3A_432, %all_reduce_population_count3A_455 : vector<16xi32>
        %mul3A_457 = arith.constant 128 : i32
        %mul3A_458 = arith.muli %scan3A_343, %mul3A_457 : i32
        %add3A_459 = arith.constant 80 : i32
        %add3A_460 = arith.addi %mul3A_458, %add3A_459 : i32
        %get3A_461 = arith.index_cast %add3A_460 : i32 to index
        %get3A_462 = tpu.vector_load %arg12[%get3A_461] {strides = array<i32>} : memref<4096xf32, #tpu.memory_space<vmem>>, vector<16xf32>,
        %le3A_463 = vector.broadcast %scan3A_204 : f32 to vector<16xf32>
        %le3A_464 = arith.cmpf ole, %get3A_462, %le3A_463 : vector<16xf32>
        %convert_element_type3A_465 = arith.extui %le3A_464 : vector<16xi1> to vector<16xi32>
        %broadcast_in_dim3A_466 = arith.constant true
        %broadcast_in_dim3A_467 = vector.broadcast %broadcast_in_dim3A_466 : i1 to vector<16xi1>
        %masked_cumsum3A_468 = tpu.scan <sum>, %convert_element_type3A_465 masked %broadcast_in_dim3A_467 : vector<16xi32>, vector<16xi1> -> vector<16xi32>
        %add3A_469 = arith.addi %add3A_456, %masked_cumsum3A_468 : vector<16xi32>
        %sub3A_470 = arith.constant 1 : i32
        %sub3A_471 = vector.broadcast %sub3A_470 : i32 to vector<16xi32>
        %sub3A_472 = arith.subi %add3A_469, %sub3A_471 : vector<16xi32>
        %lt3A_473 = arith.constant 512 : i32
        %lt3A_474 = vector.broadcast %lt3A_473 : i32 to vector<16xi32>
        %lt3A_475 = arith.cmpi slt, %sub3A_472, %lt3A_474 : vector<16xi32>
        %and3A_476 = arith.andi %le3A_464, %lt3A_475 : vector<16xi1>
        %get3A_477 = arith.index_cast %add3A_460 : i32 to index
        %get3A_478 = tpu.vector_load %arg13[%get3A_477] {strides = array<i32>} : memref<4096xf32, #tpu.memory_space<vmem>>, vector<16xf32>,
        tpu.vector_store_idx %arg14[%sub3A_472], %get3A_462 masked %and3A_476 : memref<512xf32, #tpu.memory_space<vmem>>[vector<16xi32>], vector<16xf32>, vector<16xi1>
        tpu.vector_store_idx %arg15[%sub3A_472], %get3A_478 masked %and3A_476 : memref<512xf32, #tpu.memory_space<vmem>>[vector<16xi32>], vector<16xf32>, vector<16xi1>
        %all_reduce_population_count3A_479 = tpu.all_reduce %and3A_476 {dim = 0 : i64, kind = #tpu.reduction_kind<sum>} : vector<16xi1> -> vector<16xi32>
        %add3A_480 = arith.addi %add3A_456, %all_reduce_population_count3A_479 : vector<16xi32>
        %mul3A_481 = arith.constant 128 : i32
        %mul3A_482 = arith.muli %scan3A_343, %mul3A_481 : i32
        %add3A_483 = arith.constant 96 : i32
        %add3A_484 = arith.addi %mul3A_482, %add3A_483 : i32
        %get3A_485 = arith.index_cast %add3A_484 : i32 to index
        %get3A_486 = tpu.vector_load %arg12[%get3A_485] {strides = array<i32>} : memref<4096xf32, #tpu.memory_space<vmem>>, vector<16xf32>,
        %le3A_487 = vector.broadcast %scan3A_204 : f32 to vector<16xf32>
        %le3A_488 = arith.cmpf ole, %get3A_486, %le3A_487 : vector<16xf32>
        %convert_element_type3A_489 = arith.extui %le3A_488 : vector<16xi1> to vector<16xi32>
        %broadcast_in_dim3A_490 = arith.constant true
        %broadcast_in_dim3A_491 = vector.broadcast %broadcast_in_dim3A_490 : i1 to vector<16xi1>
        %masked_cumsum3A_492 = tpu.scan <sum>, %convert_element_type3A_489 masked %broadcast_in_dim3A_491 : vector<16xi32>, vector<16xi1> -> vector<16xi32>
        %add3A_493 = arith.addi %add3A_480, %masked_cumsum3A_492 : vector<16xi32>
        %sub3A_494 = arith.constant 1 : i32
        %sub3A_495 = vector.broadcast %sub3A_494 : i32 to vector<16xi32>
        %sub3A_496 = arith.subi %add3A_493, %sub3A_495 : vector<16xi32>
        %lt3A_497 = arith.constant 512 : i32
        %lt3A_498 = vector.broadcast %lt3A_497 : i32 to vector<16xi32>
        %lt3A_499 = arith.cmpi slt, %sub3A_496, %lt3A_498 : vector<16xi32>
        %and3A_500 = arith.andi %le3A_488, %lt3A_499 : vector<16xi1>
        %get3A_501 = arith.index_cast %add3A_484 : i32 to index
        %get3A_502 = tpu.vector_load %arg13[%get3A_501] {strides = array<i32>} : memref<4096xf32, #tpu.memory_space<vmem>>, vector<16xf32>,
        tpu.vector_store_idx %arg14[%sub3A_496], %get3A_486 masked %and3A_500 : memref<512xf32, #tpu.memory_space<vmem>>[vector<16xi32>], vector<16xf32>, vector<16xi1>
        tpu.vector_store_idx %arg15[%sub3A_496], %get3A_502 masked %and3A_500 : memref<512xf32, #tpu.memory_space<vmem>>[vector<16xi32>], vector<16xf32>, vector<16xi1>
        %all_reduce_population_count3A_503 = tpu.all_reduce %and3A_500 {dim = 0 : i64, kind = #tpu.reduction_kind<sum>} : vector<16xi1> -> vector<16xi32>
        %add3A_504 = arith.addi %add3A_480, %all_reduce_population_count3A_503 : vector<16xi32>
        %mul3A_505 = arith.constant 128 : i32
        %mul3A_506 = arith.muli %scan3A_343, %mul3A_505 : i32
        %add3A_507 = arith.constant 112 : i32
        %add3A_508 = arith.addi %mul3A_506, %add3A_507 : i32
        %get3A_509 = arith.index_cast %add3A_508 : i32 to index
        %get3A_510 = tpu.vector_load %arg12[%get3A_509] {strides = array<i32>} : memref<4096xf32, #tpu.memory_space<vmem>>, vector<16xf32>,
        %le3A_511 = vector.broadcast %scan3A_204 : f32 to vector<16xf32>
        %le3A_512 = arith.cmpf ole, %get3A_510, %le3A_511 : vector<16xf32>
        %convert_element_type3A_513 = arith.extui %le3A_512 : vector<16xi1> to vector<16xi32>
        %broadcast_in_dim3A_514 = arith.constant true
        %broadcast_in_dim3A_515 = vector.broadcast %broadcast_in_dim3A_514 : i1 to vector<16xi1>
        %masked_cumsum3A_516 = tpu.scan <sum>, %convert_element_type3A_513 masked %broadcast_in_dim3A_515 : vector<16xi32>, vector<16xi1> -> vector<16xi32>
        %add3A_517 = arith.addi %add3A_504, %masked_cumsum3A_516 : vector<16xi32>
        %sub3A_518 = arith.constant 1 : i32
        %sub3A_519 = vector.broadcast %sub3A_518 : i32 to vector<16xi32>
        %sub3A_520 = arith.subi %add3A_517, %sub3A_519 : vector<16xi32>
        %lt3A_521 = arith.constant 512 : i32
        %lt3A_522 = vector.broadcast %lt3A_521 : i32 to vector<16xi32>
        %lt3A_523 = arith.cmpi slt, %sub3A_520, %lt3A_522 : vector<16xi32>
        %and3A_524 = arith.andi %le3A_512, %lt3A_523 : vector<16xi1>
        %get3A_525 = arith.index_cast %add3A_508 : i32 to index
        %get3A_526 = tpu.vector_load %arg13[%get3A_525] {strides = array<i32>} : memref<4096xf32, #tpu.memory_space<vmem>>, vector<16xf32>,
        tpu.vector_store_idx %arg14[%sub3A_520], %get3A_510 masked %and3A_524 : memref<512xf32, #tpu.memory_space<vmem>>[vector<16xi32>], vector<16xf32>, vector<16xi1>
        tpu.vector_store_idx %arg15[%sub3A_520], %get3A_526 masked %and3A_524 : memref<512xf32, #tpu.memory_space<vmem>>[vector<16xi32>], vector<16xf32>, vector<16xi1>
        %all_reduce_population_count3A_527 = tpu.all_reduce %and3A_524 {dim = 0 : i64, kind = #tpu.reduction_kind<sum>} : vector<16xi1> -> vector<16xi32>
        %add3A_528 = arith.addi %add3A_504, %all_reduce_population_count3A_527 : vector<16xi32>
        scf.yield %add3A_528 : vector<16xi32>
      }
      %scan3A_341 = arith.constant 32 : i32
      "tpu.region"() ({
        %run_scoped3A = tpu.sem_alloc : memref<!tpu.dma_semaphore, #tpu.memory_space<semaphore_mem>>
        %dma_start3A_343 = arith.constant 0 : i32
        %dma_start3A_344 = tpu.memref_slice %arg8[%add3A_11, %dma_start3A_343] : memref<2048x512xf32, #tpu.memory_space<hbm>> -> memref<1x512xf32, #tpu.memory_space<hbm>>
        %dma_start3A_345 = tpu.memref_squeeze %dma_start3A_344 : memref<1x512xf32, #tpu.memory_space<hbm>> -> memref<512xf32, #tpu.memory_space<hbm>>
        %dma_start3A_346 = arith.constant 0 : i32
        %dma_start3A_347 = tpu.memref_slice %arg8[%add3A_11, %dma_start3A_346] : memref<2048x512xf32, #tpu.memory_space<hbm>> -> memref<1x512xf32, #tpu.memory_space<hbm>>
        %dma_start3A_348 = tpu.memref_squeeze %dma_start3A_347 : memref<1x512xf32, #tpu.memory_space<hbm>> -> memref<512xf32, #tpu.memory_space<hbm>>
        tpu.enqueue_dma source(%arg14 : memref<512xf32, #tpu.memory_space<vmem>>) target(%dma_start3A_348 : memref<512xf32, #tpu.memory_space<hbm>>) target_semaphore(%run_scoped3A : memref<!tpu.dma_semaphore, #tpu.memory_space<semaphore_mem>>)
        %dma_wait3A_349 = arith.constant 0 : i32
        %dma_wait3A_350 = tpu.memref_slice %arg8[%add3A_11, %dma_wait3A_349] : memref<2048x512xf32, #tpu.memory_space<hbm>> -> memref<1x512xf32, #tpu.memory_space<hbm>>
        %dma_wait3A_351 = tpu.memref_squeeze %dma_wait3A_350 : memref<1x512xf32, #tpu.memory_space<hbm>> -> memref<512xf32, #tpu.memory_space<hbm>>
        %dma_wait3A_352 = arith.constant 0 : i32
        %dma_wait3A_353 = tpu.memref_slice %arg8[%add3A_11, %dma_wait3A_352] : memref<2048x512xf32, #tpu.memory_space<hbm>> -> memref<1x512xf32, #tpu.memory_space<hbm>>
        %dma_wait3A_354 = tpu.memref_squeeze %dma_wait3A_353 : memref<1x512xf32, #tpu.memory_space<hbm>> -> memref<512xf32, #tpu.memory_space<hbm>>
        tpu.wait_dma2 semaphore(%run_scoped3A : memref<!tpu.dma_semaphore, #tpu.memory_space<semaphore_mem>>) src(%arg14 : memref<512xf32, #tpu.memory_space<vmem>>) dst(%dma_wait3A_354 : memref<512xf32, #tpu.memory_space<hbm>>)
        tpu.yield
      }) : () -> ()
      "tpu.region"() ({
        %run_scoped3A = tpu.sem_alloc : memref<!tpu.dma_semaphore, #tpu.memory_space<semaphore_mem>>
        %dma_start3A_343 = arith.constant 0 : i32
        %dma_start3A_344 = tpu.memref_slice %arg9[%add3A_11, %dma_start3A_343] : memref<2048x512xf32, #tpu.memory_space<hbm>> -> memref<1x512xf32, #tpu.memory_space<hbm>>
        %dma_start3A_345 = tpu.memref_squeeze %dma_start3A_344 : memref<1x512xf32, #tpu.memory_space<hbm>> -> memref<512xf32, #tpu.memory_space<hbm>>
        %dma_start3A_346 = arith.constant 0 : i32
        %dma_start3A_347 = tpu.memref_slice %arg9[%add3A_11, %dma_start3A_346] : memref<2048x512xf32, #tpu.memory_space<hbm>> -> memref<1x512xf32, #tpu.memory_space<hbm>>
        %dma_start3A_348 = tpu.memref_squeeze %dma_start3A_347 : memref<1x512xf32, #tpu.memory_space<hbm>> -> memref<512xf32, #tpu.memory_space<hbm>>
        tpu.enqueue_dma source(%arg15 : memref<512xf32, #tpu.memory_space<vmem>>) target(%dma_start3A_348 : memref<512xf32, #tpu.memory_space<hbm>>) target_semaphore(%run_scoped3A : memref<!tpu.dma_semaphore, #tpu.memory_space<semaphore_mem>>)
        %dma_wait3A_349 = arith.constant 0 : i32
        %dma_wait3A_350 = tpu.memref_slice %arg9[%add3A_11, %dma_wait3A_349] : memref<2048x512xf32, #tpu.memory_space<hbm>> -> memref<1x512xf32, #tpu.memory_space<hbm>>
        %dma_wait3A_351 = tpu.memref_squeeze %dma_wait3A_350 : memref<1x512xf32, #tpu.memory_space<hbm>> -> memref<512xf32, #tpu.memory_space<hbm>>
        %dma_wait3A_352 = arith.constant 0 : i32
        %dma_wait3A_353 = tpu.memref_slice %arg9[%add3A_11, %dma_wait3A_352] : memref<2048x512xf32, #tpu.memory_space<hbm>> -> memref<1x512xf32, #tpu.memory_space<hbm>>
        %dma_wait3A_354 = tpu.memref_squeeze %dma_wait3A_353 : memref<1x512xf32, #tpu.memory_space<hbm>> -> memref<512xf32, #tpu.memory_space<hbm>>
        tpu.wait_dma2 semaphore(%run_scoped3A : memref<!tpu.dma_semaphore, #tpu.memory_space<semaphore_mem>>) src(%arg15 : memref<512xf32, #tpu.memory_space<vmem>>) dst(%dma_wait3A_354 : memref<512xf32, #tpu.memory_space<hbm>>)
        tpu.yield
      }) : () -> ()
      %scan3A_342 = arith.constant 0 : i32
      scf.yield %scan3A_342 : i32
    }
    %scan3A_6 = arith.constant 64 : i32
    return
  }
}

module attributes {stable_mosaic.version = 14 : i64} {
  func.func @_stage_a1_body(%arg0: i32, %arg1: i32, %arg2: memref<128x1024xf32, #tpu.memory_space<vmem>>, %arg3: memref<128x16xf32, #tpu.memory_space<vmem>>, %arg4: memref<128x16xf32, #tpu.memory_space<vmem>>, %arg5: memref<1024x512xf32, #tpu.memory_space<vmem>>, %arg6: memref<1024x512xf32, #tpu.memory_space<vmem>>, %arg7: memref<16x512xf32, #tpu.memory_space<vmem>>, %arg8: memref<16x512xf32, #tpu.memory_space<vmem>>, %arg9: memref<128x512xf32, #tpu.memory_space<vmem>>, %arg10: memref<128x512xf32, #tpu.memory_space<vmem>>, %arg11: memref<128x512xf32, #tpu.memory_space<vmem>>, %arg12: memref<128x512xf32, #tpu.memory_space<vmem>>) attributes {dimension_semantics = [#tpu.dimension_semantics<arbitrary>, #tpu.dimension_semantics<arbitrary>], iteration_bounds = array<i64: 8, 16>, scalar_prefetch = 0 : i64, scratch_operands = 0 : i64, tpu.core_type = #tpu.core_type<tc>, window_params = [{transform_indices = @transform_0, window_bounds = array<i64: 128, 1024>}, {transform_indices = @transform_1, window_bounds = array<i64: 128, 16>}, {transform_indices = @transform_2, window_bounds = array<i64: 128, 16>}, {transform_indices = @transform_3, window_bounds = array<i64: 1024, 512>}, {transform_indices = @transform_4, window_bounds = array<i64: 1024, 512>}, {transform_indices = @transform_5, window_bounds = array<i64: 16, 512>}, {transform_indices = @transform_6, window_bounds = array<i64: 16, 512>}, {transform_indices = @transform_7, window_bounds = array<i64: 128, 512>}, {transform_indices = @transform_8, window_bounds = array<i64: 128, 512>}, {transform_indices = @transform_9, window_bounds = array<i64: 128, 512>}, {transform_indices = @transform_10, window_bounds = array<i64: 128, 512>}]} {
    %get3A = arith.constant 0 : index
    %get3A_0 = arith.constant 0 : index
    %get3A_1 = vector.load %arg2[%get3A, %get3A_0] : memref<128x1024xf32, #tpu.memory_space<vmem>>, vector<128x1024xf32>
    %get3A_2 = arith.constant 0 : index
    %get3A_3 = arith.constant 0 : index
    %get3A_4 = vector.load %arg3[%get3A_2, %get3A_3] : memref<128x16xf32, #tpu.memory_space<vmem>>, vector<128x16xf32>
    %get3A_5 = arith.constant 0 : index
    %get3A_6 = arith.constant 0 : index
    %get3A_7 = vector.load %arg4[%get3A_5, %get3A_6] : memref<128x16xf32, #tpu.memory_space<vmem>>, vector<128x16xf32>
    %get3A_8 = arith.constant 0 : index
    %get3A_9 = arith.constant 0 : index
    %get3A_10 = vector.load %arg5[%get3A_8, %get3A_9] : memref<1024x512xf32, #tpu.memory_space<vmem>>, vector<1024x512xf32>
    %get3A_11 = arith.constant 0 : index
    %get3A_12 = arith.constant 0 : index
    %get3A_13 = vector.load %arg6[%get3A_11, %get3A_12] : memref<1024x512xf32, #tpu.memory_space<vmem>>, vector<1024x512xf32>
    %get3A_14 = arith.constant 0 : index
    %get3A_15 = arith.constant 0 : index
    %get3A_16 = vector.load %arg7[%get3A_14, %get3A_15] : memref<16x512xf32, #tpu.memory_space<vmem>>, vector<16x512xf32>
    %get3A_17 = arith.constant 0 : index
    %get3A_18 = arith.constant 0 : index
    %get3A_19 = vector.load %arg8[%get3A_17, %get3A_18] : memref<16x512xf32, #tpu.memory_space<vmem>>, vector<16x512xf32>
    %dot_general3A = arith.constant dense<0.000000e+00> : vector<128x512xf32>
    %dot_general3A_20 = tpu.matmul %get3A_1, %get3A_10, %dot_general3A {dimension_numbers = #tpu.dot_dimension_numbers<[1], [0], [0], [1], [0, 0, 1, 1], [], []>, precision = #tpu.contract_precision<fp32>, transpose_lhs_hint = false} : vector<128x1024xf32>, vector<1024x512xf32>, vector<128x512xf32> -> vector<128x512xf32>
    %swap3A = arith.constant 0 : index
    %swap3A_21 = arith.constant 0 : index
    %swap3A_22 = vector.load %arg9[%swap3A, %swap3A_21] : memref<128x512xf32, #tpu.memory_space<vmem>>, vector<128x512xf32>
    tpu.vector_store %arg9[%swap3A, %swap3A_21], %dot_general3A_20 {strides = array<i32>} : memref<128x512xf32, #tpu.memory_space<vmem>>, vector<128x512xf32>,
    %dot_general3A_23 = arith.constant dense<0.000000e+00> : vector<128x512xf32>
    %dot_general3A_24 = tpu.matmul %get3A_1, %get3A_13, %dot_general3A_23 {dimension_numbers = #tpu.dot_dimension_numbers<[1], [0], [0], [1], [0, 0, 1, 1], [], []>, precision = #tpu.contract_precision<fp32>, transpose_lhs_hint = false} : vector<128x1024xf32>, vector<1024x512xf32>, vector<128x512xf32> -> vector<128x512xf32>
    %swap3A_25 = arith.constant 0 : index
    %swap3A_26 = arith.constant 0 : index
    %swap3A_27 = vector.load %arg10[%swap3A_25, %swap3A_26] : memref<128x512xf32, #tpu.memory_space<vmem>>, vector<128x512xf32>
    tpu.vector_store %arg10[%swap3A_25, %swap3A_26], %dot_general3A_24 {strides = array<i32>} : memref<128x512xf32, #tpu.memory_space<vmem>>, vector<128x512xf32>,
    %mul3A = arith.mulf %get3A_4, %get3A_4 : vector<128x16xf32>
    %reduce_sum3A = arith.constant dense<0.000000e+00> : vector<128xf32>
    %reduce_sum3A_28 = vector.multi_reduction <add>, %mul3A, %reduce_sum3A [1] : vector<128x16xf32> to vector<128xf32>
    %broadcast_in_dim3A = vector.shape_cast %reduce_sum3A_28 : vector<128xf32> to vector<128x1xf32>
    %mul3A_29 = arith.mulf %get3A_7, %get3A_7 : vector<128x16xf32>
    %reduce_sum3A_30 = arith.constant dense<0.000000e+00> : vector<128xf32>
    %reduce_sum3A_31 = vector.multi_reduction <add>, %mul3A_29, %reduce_sum3A_30 [1] : vector<128x16xf32> to vector<128xf32>
    %broadcast_in_dim3A_32 = vector.shape_cast %reduce_sum3A_31 : vector<128xf32> to vector<128x1xf32>
    %mul3A_33 = arith.mulf %get3A_16, %get3A_16 : vector<16x512xf32>
    %reduce_sum3A_34 = arith.constant dense<0.000000e+00> : vector<512xf32>
    %reduce_sum3A_35 = vector.multi_reduction <add>, %mul3A_33, %reduce_sum3A_34 [0] : vector<16x512xf32> to vector<512xf32>
    %broadcast_in_dim3A_36 = vector.shape_cast %reduce_sum3A_35 : vector<512xf32> to vector<1x512xf32>
    %mul3A_37 = arith.mulf %get3A_19, %get3A_19 : vector<16x512xf32>
    %reduce_sum3A_38 = arith.constant dense<0.000000e+00> : vector<512xf32>
    %reduce_sum3A_39 = vector.multi_reduction <add>, %mul3A_37, %reduce_sum3A_38 [0] : vector<16x512xf32> to vector<512xf32>
    %broadcast_in_dim3A_40 = vector.shape_cast %reduce_sum3A_39 : vector<512xf32> to vector<1x512xf32>
    %dot_general3A_41 = arith.constant dense<0.000000e+00> : vector<128x512xf32>
    %dot_general3A_42 = tpu.matmul %get3A_4, %get3A_16, %dot_general3A_41 {dimension_numbers = #tpu.dot_dimension_numbers<[1], [0], [0], [1], [0, 0, 1, 1], [], []>, precision = #tpu.contract_precision<fp32>, transpose_lhs_hint = false} : vector<128x16xf32>, vector<16x512xf32>, vector<128x512xf32> -> vector<128x512xf32>
    %mul3A_43 = arith.constant 2.000000e+00 : f32
    %mul3A_44 = vector.broadcast %mul3A_43 : f32 to vector<128x512xf32>
    %mul3A_45 = arith.mulf %mul3A_44, %dot_general3A_42 : vector<128x512xf32>
    %sub3A = vector.broadcast %broadcast_in_dim3A_36 : vector<1x512xf32> to vector<128x512xf32>
    %sub3A_46 = arith.subf %sub3A, %mul3A_45 : vector<128x512xf32>
    %add3A = vector.broadcast %broadcast_in_dim3A : vector<128x1xf32> to vector<128x512xf32>
    %add3A_47 = arith.addf %sub3A_46, %add3A : vector<128x512xf32>
    %swap3A_48 = arith.constant 0 : index
    %swap3A_49 = arith.constant 0 : index
    %swap3A_50 = vector.load %arg11[%swap3A_48, %swap3A_49] : memref<128x512xf32, #tpu.memory_space<vmem>>, vector<128x512xf32>
    tpu.vector_store %arg11[%swap3A_48, %swap3A_49], %add3A_47 {strides = array<i32>} : memref<128x512xf32, #tpu.memory_space<vmem>>, vector<128x512xf32>,
    %dot_general3A_51 = arith.constant dense<0.000000e+00> : vector<128x512xf32>
    %dot_general3A_52 = tpu.matmul %get3A_7, %get3A_19, %dot_general3A_51 {dimension_numbers = #tpu.dot_dimension_numbers<[1], [0], [0], [1], [0, 0, 1, 1], [], []>, precision = #tpu.contract_precision<fp32>, transpose_lhs_hint = false} : vector<128x16xf32>, vector<16x512xf32>, vector<128x512xf32> -> vector<128x512xf32>
    %mul3A_53 = arith.constant 2.000000e+00 : f32
    %mul3A_54 = vector.broadcast %mul3A_53 : f32 to vector<128x512xf32>
    %mul3A_55 = arith.mulf %mul3A_54, %dot_general3A_52 : vector<128x512xf32>
    %sub3A_56 = vector.broadcast %broadcast_in_dim3A_40 : vector<1x512xf32> to vector<128x512xf32>
    %sub3A_57 = arith.subf %sub3A_56, %mul3A_55 : vector<128x512xf32>
    %add3A_58 = vector.broadcast %broadcast_in_dim3A_32 : vector<128x1xf32> to vector<128x512xf32>
    %add3A_59 = arith.addf %sub3A_57, %add3A_58 : vector<128x512xf32>
    %swap3A_60 = arith.constant 0 : index
    %swap3A_61 = arith.constant 0 : index
    %swap3A_62 = vector.load %arg12[%swap3A_60, %swap3A_61] : memref<128x512xf32, #tpu.memory_space<vmem>>, vector<128x512xf32>
    tpu.vector_store %arg12[%swap3A_60, %swap3A_61], %add3A_59 {strides = array<i32>} : memref<128x512xf32, #tpu.memory_space<vmem>>, vector<128x512xf32>,
    return
  }
  func.func @transform_0(%arg0: i32, %arg1: i32) -> (i32, i32) {
    %c0_i32 = arith.constant 0 : i32
    %c0_i32_0 = arith.constant 0 : i32
    return %arg1, %c0_i32 : i32, i32
  }
  func.func @transform_1(%arg0: i32, %arg1: i32) -> (i32, i32) {
    %c0_i32 = arith.constant 0 : i32
    %c0_i32_0 = arith.constant 0 : i32
    return %arg1, %c0_i32 : i32, i32
  }
  func.func @transform_2(%arg0: i32, %arg1: i32) -> (i32, i32) {
    %c0_i32 = arith.constant 0 : i32
    %c0_i32_0 = arith.constant 0 : i32
    return %arg1, %c0_i32 : i32, i32
  }
  func.func @transform_3(%arg0: i32, %arg1: i32) -> (i32, i32) {
    %c0_i32 = arith.constant 0 : i32
    %c0_i32_0 = arith.constant 0 : i32
    return %c0_i32, %arg0 : i32, i32
  }
  func.func @transform_4(%arg0: i32, %arg1: i32) -> (i32, i32) {
    %c0_i32 = arith.constant 0 : i32
    %c0_i32_0 = arith.constant 0 : i32
    return %c0_i32, %arg0 : i32, i32
  }
  func.func @transform_5(%arg0: i32, %arg1: i32) -> (i32, i32) {
    %c0_i32 = arith.constant 0 : i32
    %c0_i32_0 = arith.constant 0 : i32
    return %c0_i32, %arg0 : i32, i32
  }
  func.func @transform_6(%arg0: i32, %arg1: i32) -> (i32, i32) {
    %c0_i32 = arith.constant 0 : i32
    %c0_i32_0 = arith.constant 0 : i32
    return %c0_i32, %arg0 : i32, i32
  }
  func.func @transform_7(%arg0: i32, %arg1: i32) -> (i32, i32) {
    %c0_i32 = arith.constant 0 : i32
    return %arg1, %arg0 : i32, i32
  }
  func.func @transform_8(%arg0: i32, %arg1: i32) -> (i32, i32) {
    %c0_i32 = arith.constant 0 : i32
    return %arg1, %arg0 : i32, i32
  }
  func.func @transform_9(%arg0: i32, %arg1: i32) -> (i32, i32) {
    %c0_i32 = arith.constant 0 : i32
    return %arg1, %arg0 : i32, i32
  }
  func.func @transform_10(%arg0: i32, %arg1: i32) -> (i32, i32) {
    %c0_i32 = arith.constant 0 : i32
    return %arg1, %arg0 : i32, i32
  }
}

module attributes {stable_mosaic.version = 14 : i64} {
  func.func @_stage_a2qk_body(%arg0: i32, %arg1: memref<128x4096xf32, #tpu.memory_space<vmem>>, %arg2: memref<128x4096xf32, #tpu.memory_space<vmem>>, %arg3: memref<128x512xf32, #tpu.memory_space<vmem>>, %arg4: memref<128x512xf32, #tpu.memory_space<vmem>>, %arg5: memref<128x1xf32, #tpu.memory_space<vmem>>, %arg6: memref<128x1xf32, #tpu.memory_space<vmem>>, %arg7: memref<4096x1024xf32, #tpu.memory_space<vmem>>, %arg8: memref<128x1024xf32, #tpu.memory_space<vmem>>, %arg9: memref<128x1024xf32, #tpu.memory_space<vmem>>, %arg10: memref<1x1x1xf32, #tpu.memory_space<vmem>>) attributes {dimension_semantics = [#tpu.dimension_semantics<arbitrary>], iteration_bounds = array<i64: 16>, scalar_prefetch = 0 : i64, scratch_operands = 0 : i64, tpu.core_type = #tpu.core_type<tc>, window_params = [{transform_indices = @transform_0, window_bounds = array<i64: 128, 4096>}, {transform_indices = @transform_1, window_bounds = array<i64: 128, 4096>}, {transform_indices = @transform_2, window_bounds = array<i64: 128, 512>}, {transform_indices = @transform_3, window_bounds = array<i64: 128, 512>}, {transform_indices = @transform_4, window_bounds = array<i64: 128, 1>}, {transform_indices = @transform_5, window_bounds = array<i64: 128, 1>}, {pipeline_mode = #tpu.pipeline_mode<synchronous>, transform_indices = @transform_6, window_bounds = array<i64: 4096, 1024>}, {transform_indices = @transform_7, window_bounds = array<i64: 128, 1024>}, {transform_indices = @transform_8, window_bounds = array<i64: 128, 1024>}, {transform_indices = @transform_9, window_bounds = array<i64: 1, 1, 1>}]} {
    %get3A = arith.constant 0 : index
    %get3A_0 = arith.constant 0 : index
    %get3A_1 = vector.load %arg3[%get3A, %get3A_0] : memref<128x512xf32, #tpu.memory_space<vmem>>, vector<128x512xf32>
    %bitcast_convert_type3A = tpu.bitcast %get3A_1 : vector<128x512xf32> -> vector<128x512xi32>
    %lt3A = arith.constant 0 : i32
    %lt3A_2 = vector.broadcast %lt3A : i32 to vector<128x512xi32>
    %lt3A_3 = arith.cmpi slt, %bitcast_convert_type3A, %lt3A_2 : vector<128x512xi32>
    %and3A = arith.constant 2147483647 : i32
    %and3A_4 = vector.broadcast %and3A : i32 to vector<128x512xi32>
    %and3A_5 = arith.andi %bitcast_convert_type3A, %and3A_4 : vector<128x512xi32>
    %neg3A = arith.constant 0 : i32
    %neg3A_6 = vector.broadcast %neg3A : i32 to vector<128x512xi32>
    %neg3A_7 = arith.subi %neg3A_6, %and3A_5 : vector<128x512xi32>
    %select_n3A = arith.select %lt3A_3, %neg3A_7, %bitcast_convert_type3A : vector<128x512xi1>, vector<128x512xi32>
    %reduce_min3A = arith.constant dense<2147483647> : vector<128xi32>
    %reduce_min3A_8 = vector.multi_reduction <minsi>, %select_n3A, %reduce_min3A [1] : vector<128x512xi32> to vector<128xi32>
    %broadcast_in_dim3A = vector.shape_cast %reduce_min3A_8 : vector<128xi32> to vector<128x1xi32>
    %reduce_max3A = arith.constant dense<-2147483648> : vector<128xi32>
    %reduce_max3A_9 = vector.multi_reduction <maxsi>, %select_n3A, %reduce_max3A [1] : vector<128x512xi32> to vector<128xi32>
    %broadcast_in_dim3A_10 = vector.shape_cast %reduce_max3A_9 : vector<128xi32> to vector<128x1xi32>
    %broadcast_in_dim3A_11 = arith.constant 1.000000e+00 : f32
    %broadcast_in_dim3A_12 = vector.broadcast %broadcast_in_dim3A_11 : f32 to vector<512x1xf32>
    %while3A = arith.constant 6.400000e+01 : f32
    %while3A_13 = arith.constant 0 : i32
    %while3A_14:3 = scf.while (%while3A_110 = %while3A_13, %while3A_111 = %broadcast_in_dim3A, %while3A_112 = %broadcast_in_dim3A_10) : (i32, vector<128x1xi32>, vector<128x1xi32>) -> (i32, vector<128x1xi32>, vector<128x1xi32>) {
      %lt3A_113 = arith.constant 32 : i32
      %lt3A_114 = arith.cmpi slt, %while3A_110, %lt3A_113 : i32
      %lt3A_115 = arith.cmpi slt, %while3A_111, %while3A_112 : vector<128x1xi32>
      %reduce_or3A = arith.constant 1.000000e+00 : f32
      %reduce_or3A_116 = arith.constant 0.000000e+00 : f32
      %reduce_or3A_117 = vector.broadcast %reduce_or3A : f32 to vector<128x1xf32>
      %reduce_or3A_118 = vector.broadcast %reduce_or3A_116 : f32 to vector<128x1xf32>
      %reduce_or3A_119 = arith.select %lt3A_115, %reduce_or3A_117, %reduce_or3A_118 : vector<128x1xi1>, vector<128x1xf32>
      %reduce_or3A_120 = vector.shape_cast %reduce_or3A_119 : vector<128x1xf32> to vector<1x128x1xf32>
      %reduce_or3A_121 = arith.constant dense<0xFF800000> : vector<1xf32>
      %reduce_or3A_122 = vector.multi_reduction <maximumf>, %reduce_or3A_120, %reduce_or3A_121 [1, 2] : vector<1x128x1xf32> to vector<1xf32>
      %reduce_or3A_123 = vector.shape_cast %reduce_or3A_122 : vector<1xf32> to vector<1x1x1xf32>
      %reduce_or3A_124 = vector.extract %reduce_or3A_123[0, 0, 0] : f32 from vector<1x1x1xf32>
      %reduce_or3A_125 = arith.constant 0.000000e+00 : f32
      %reduce_or3A_126 = arith.cmpf ogt, %reduce_or3A_124, %reduce_or3A_125 : f32
      %and3A_127 = arith.andi %lt3A_114, %reduce_or3A_126 : i1
      scf.condition(%and3A_127) %while3A_110, %while3A_111, %while3A_112 : i32, vector<128x1xi32>, vector<128x1xi32>
    } do {
    ^bb0(%while3A_110: i32, %while3A_111: vector<128x1xi32>, %while3A_112: vector<128x1xi32>):
      %shift_right_arithmetic3A = arith.constant 1 : i32
      %shift_right_arithmetic3A_113 = vector.broadcast %shift_right_arithmetic3A : i32 to vector<128x1xi32>
      %shift_right_arithmetic3A_114 = arith.shrsi %while3A_111, %shift_right_arithmetic3A_113 : vector<128x1xi32>
      %shift_right_arithmetic3A_115 = arith.constant 1 : i32
      %shift_right_arithmetic3A_116 = vector.broadcast %shift_right_arithmetic3A_115 : i32 to vector<128x1xi32>
      %shift_right_arithmetic3A_117 = arith.shrsi %while3A_112, %shift_right_arithmetic3A_116 : vector<128x1xi32>
      %add3A_118 = arith.addi %shift_right_arithmetic3A_114, %shift_right_arithmetic3A_117 : vector<128x1xi32>
      %and3A_119 = arith.andi %while3A_111, %while3A_112 : vector<128x1xi32>
      %and3A_120 = arith.constant 1 : i32
      %and3A_121 = vector.broadcast %and3A_120 : i32 to vector<128x1xi32>
      %and3A_122 = arith.andi %and3A_119, %and3A_121 : vector<128x1xi32>
      %add3A_123 = arith.addi %add3A_118, %and3A_122 : vector<128x1xi32>
      %broadcast_in_dim3A_124 = arith.constant 0.000000e+00 : f32
      %broadcast_in_dim3A_125 = vector.broadcast %broadcast_in_dim3A_124 : f32 to vector<128x1xf32>
      %scan3A_126 = arith.constant 0 : i32
      %le3A_127 = vector.broadcast %add3A_123 : vector<128x1xi32> to vector<128x512xi32>
      %le3A_128 = arith.cmpi sle, %select_n3A, %le3A_127 : vector<128x512xi32>
      %convert_element_type3A = arith.extui %le3A_128 : vector<128x512xi1> to vector<128x512xi32>
      %convert_element_type3A_129 = arith.sitofp %convert_element_type3A : vector<128x512xi32> to vector<128x512xf32>
      %dot_general3A = arith.constant dense<0.000000e+00> : vector<128x1xf32>
      %dot_general3A_130 = tpu.matmul %convert_element_type3A_129, %broadcast_in_dim3A_12, %dot_general3A {dimension_numbers = #tpu.dot_dimension_numbers<[1], [0], [0], [1], [0, 0, 1, 1], [], []>, transpose_lhs_hint = false} : vector<128x512xf32>, vector<512x1xf32>, vector<128x1xf32> -> vector<128x1xf32>
      %add3A_131 = arith.addf %broadcast_in_dim3A_125, %dot_general3A_130 : vector<128x1xf32>
      %scan3A_132 = arith.constant 1 : i32
      %ge3A = vector.broadcast %while3A : f32 to vector<128x1xf32>
      %ge3A_133 = arith.cmpf oge, %add3A_131, %ge3A : vector<128x1xf32>
      %add3A_134 = arith.constant 1 : i32
      %add3A_135 = arith.addi %while3A_110, %add3A_134 : i32
      %add3A_136 = arith.constant 1 : i32
      %add3A_137 = vector.broadcast %add3A_136 : i32 to vector<128x1xi32>
      %add3A_138 = arith.addi %add3A_123, %add3A_137 : vector<128x1xi32>
      %select_n3A_139 = arith.select %ge3A_133, %while3A_111, %add3A_138 : vector<128x1xi1>, vector<128x1xi32>
      %select_n3A_140 = arith.select %ge3A_133, %add3A_123, %while3A_112 : vector<128x1xi1>, vector<128x1xi32>
      scf.yield %add3A_135, %select_n3A_139, %select_n3A_140 : i32, vector<128x1xi32>, vector<128x1xi32>
    }
    %le3A = vector.broadcast %while3A_14#2 : vector<128x1xi32> to vector<128x512xi32>
    %le3A_15 = arith.cmpi sle, %select_n3A, %le3A : vector<128x512xi32>
    %get3A_16 = arith.constant 0 : index
    %get3A_17 = arith.constant 0 : index
    %get3A_18 = vector.load %arg4[%get3A_16, %get3A_17] : memref<128x512xf32, #tpu.memory_space<vmem>>, vector<128x512xf32>
    %bitcast_convert_type3A_19 = tpu.bitcast %get3A_18 : vector<128x512xf32> -> vector<128x512xi32>
    %lt3A_20 = arith.constant 0 : i32
    %lt3A_21 = vector.broadcast %lt3A_20 : i32 to vector<128x512xi32>
    %lt3A_22 = arith.cmpi slt, %bitcast_convert_type3A_19, %lt3A_21 : vector<128x512xi32>
    %and3A_23 = arith.constant 2147483647 : i32
    %and3A_24 = vector.broadcast %and3A_23 : i32 to vector<128x512xi32>
    %and3A_25 = arith.andi %bitcast_convert_type3A_19, %and3A_24 : vector<128x512xi32>
    %neg3A_26 = arith.constant 0 : i32
    %neg3A_27 = vector.broadcast %neg3A_26 : i32 to vector<128x512xi32>
    %neg3A_28 = arith.subi %neg3A_27, %and3A_25 : vector<128x512xi32>
    %select_n3A_29 = arith.select %lt3A_22, %neg3A_28, %bitcast_convert_type3A_19 : vector<128x512xi1>, vector<128x512xi32>
    %neg3A_30 = arith.constant 0 : i32
    %neg3A_31 = vector.broadcast %neg3A_30 : i32 to vector<128x512xi32>
    %neg3A_32 = arith.subi %neg3A_31, %select_n3A_29 : vector<128x512xi32>
    %jit3A = arith.constant 2147483647 : i32
    %broadcast_in_dim3A_33 = vector.broadcast %jit3A : i32 to vector<128x512xi32>
    %select_n3A_34 = arith.select %le3A_15, %neg3A_32, %broadcast_in_dim3A_33 : vector<128x512xi1>, vector<128x512xi32>
    %reduce_min3A_35 = arith.constant dense<2147483647> : vector<128xi32>
    %reduce_min3A_36 = vector.multi_reduction <minsi>, %select_n3A_34, %reduce_min3A_35 [1] : vector<128x512xi32> to vector<128xi32>
    %broadcast_in_dim3A_37 = vector.shape_cast %reduce_min3A_36 : vector<128xi32> to vector<128x1xi32>
    %jit3A_38 = arith.constant -2147483648 : i32
    %broadcast_in_dim3A_39 = vector.broadcast %jit3A_38 : i32 to vector<128x512xi32>
    %select_n3A_40 = arith.select %le3A_15, %select_n3A_34, %broadcast_in_dim3A_39 : vector<128x512xi1>, vector<128x512xi32>
    %reduce_max3A_41 = arith.constant dense<-2147483648> : vector<128xi32>
    %reduce_max3A_42 = vector.multi_reduction <maxsi>, %select_n3A_40, %reduce_max3A_41 [1] : vector<128x512xi32> to vector<128xi32>
    %broadcast_in_dim3A_43 = vector.shape_cast %reduce_max3A_42 : vector<128xi32> to vector<128x1xi32>
    %broadcast_in_dim3A_44 = arith.constant 1.000000e+00 : f32
    %broadcast_in_dim3A_45 = vector.broadcast %broadcast_in_dim3A_44 : f32 to vector<512x1xf32>
    %while3A_46 = arith.constant 1.600000e+01 : f32
    %while3A_47 = arith.constant 0 : i32
    %while3A_48:3 = scf.while (%while3A_110 = %while3A_47, %while3A_111 = %broadcast_in_dim3A_37, %while3A_112 = %broadcast_in_dim3A_43) : (i32, vector<128x1xi32>, vector<128x1xi32>) -> (i32, vector<128x1xi32>, vector<128x1xi32>) {
      %lt3A_113 = arith.constant 32 : i32
      %lt3A_114 = arith.cmpi slt, %while3A_110, %lt3A_113 : i32
      %lt3A_115 = arith.cmpi slt, %while3A_111, %while3A_112 : vector<128x1xi32>
      %reduce_or3A = arith.constant 1.000000e+00 : f32
      %reduce_or3A_116 = arith.constant 0.000000e+00 : f32
      %reduce_or3A_117 = vector.broadcast %reduce_or3A : f32 to vector<128x1xf32>
      %reduce_or3A_118 = vector.broadcast %reduce_or3A_116 : f32 to vector<128x1xf32>
      %reduce_or3A_119 = arith.select %lt3A_115, %reduce_or3A_117, %reduce_or3A_118 : vector<128x1xi1>, vector<128x1xf32>
      %reduce_or3A_120 = vector.shape_cast %reduce_or3A_119 : vector<128x1xf32> to vector<1x128x1xf32>
      %reduce_or3A_121 = arith.constant dense<0xFF800000> : vector<1xf32>
      %reduce_or3A_122 = vector.multi_reduction <maximumf>, %reduce_or3A_120, %reduce_or3A_121 [1, 2] : vector<1x128x1xf32> to vector<1xf32>
      %reduce_or3A_123 = vector.shape_cast %reduce_or3A_122 : vector<1xf32> to vector<1x1x1xf32>
      %reduce_or3A_124 = vector.extract %reduce_or3A_123[0, 0, 0] : f32 from vector<1x1x1xf32>
      %reduce_or3A_125 = arith.constant 0.000000e+00 : f32
      %reduce_or3A_126 = arith.cmpf ogt, %reduce_or3A_124, %reduce_or3A_125 : f32
      %and3A_127 = arith.andi %lt3A_114, %reduce_or3A_126 : i1
      scf.condition(%and3A_127) %while3A_110, %while3A_111, %while3A_112 : i32, vector<128x1xi32>, vector<128x1xi32>
    } do {
    ^bb0(%while3A_110: i32, %while3A_111: vector<128x1xi32>, %while3A_112: vector<128x1xi32>):
      %shift_right_arithmetic3A = arith.constant 1 : i32
      %shift_right_arithmetic3A_113 = vector.broadcast %shift_right_arithmetic3A : i32 to vector<128x1xi32>
      %shift_right_arithmetic3A_114 = arith.shrsi %while3A_111, %shift_right_arithmetic3A_113 : vector<128x1xi32>
      %shift_right_arithmetic3A_115 = arith.constant 1 : i32
      %shift_right_arithmetic3A_116 = vector.broadcast %shift_right_arithmetic3A_115 : i32 to vector<128x1xi32>
      %shift_right_arithmetic3A_117 = arith.shrsi %while3A_112, %shift_right_arithmetic3A_116 : vector<128x1xi32>
      %add3A_118 = arith.addi %shift_right_arithmetic3A_114, %shift_right_arithmetic3A_117 : vector<128x1xi32>
      %and3A_119 = arith.andi %while3A_111, %while3A_112 : vector<128x1xi32>
      %and3A_120 = arith.constant 1 : i32
      %and3A_121 = vector.broadcast %and3A_120 : i32 to vector<128x1xi32>
      %and3A_122 = arith.andi %and3A_119, %and3A_121 : vector<128x1xi32>
      %add3A_123 = arith.addi %add3A_118, %and3A_122 : vector<128x1xi32>
      %broadcast_in_dim3A_124 = arith.constant 0.000000e+00 : f32
      %broadcast_in_dim3A_125 = vector.broadcast %broadcast_in_dim3A_124 : f32 to vector<128x1xf32>
      %scan3A_126 = arith.constant 0 : i32
      %le3A_127 = vector.broadcast %add3A_123 : vector<128x1xi32> to vector<128x512xi32>
      %le3A_128 = arith.cmpi sle, %select_n3A_34, %le3A_127 : vector<128x512xi32>
      %convert_element_type3A = arith.extui %le3A_128 : vector<128x512xi1> to vector<128x512xi32>
      %convert_element_type3A_129 = arith.sitofp %convert_element_type3A : vector<128x512xi32> to vector<128x512xf32>
      %dot_general3A = arith.constant dense<0.000000e+00> : vector<128x1xf32>
      %dot_general3A_130 = tpu.matmul %convert_element_type3A_129, %broadcast_in_dim3A_45, %dot_general3A {dimension_numbers = #tpu.dot_dimension_numbers<[1], [0], [0], [1], [0, 0, 1, 1], [], []>, transpose_lhs_hint = false} : vector<128x512xf32>, vector<512x1xf32>, vector<128x1xf32> -> vector<128x1xf32>
      %add3A_131 = arith.addf %broadcast_in_dim3A_125, %dot_general3A_130 : vector<128x1xf32>
      %scan3A_132 = arith.constant 1 : i32
      %ge3A = vector.broadcast %while3A_46 : f32 to vector<128x1xf32>
      %ge3A_133 = arith.cmpf oge, %add3A_131, %ge3A : vector<128x1xf32>
      %add3A_134 = arith.constant 1 : i32
      %add3A_135 = arith.addi %while3A_110, %add3A_134 : i32
      %add3A_136 = arith.constant 1 : i32
      %add3A_137 = vector.broadcast %add3A_136 : i32 to vector<128x1xi32>
      %add3A_138 = arith.addi %add3A_123, %add3A_137 : vector<128x1xi32>
      %select_n3A_139 = arith.select %ge3A_133, %while3A_111, %add3A_138 : vector<128x1xi1>, vector<128x1xi32>
      %select_n3A_140 = arith.select %ge3A_133, %add3A_123, %while3A_112 : vector<128x1xi1>, vector<128x1xi32>
      scf.yield %add3A_135, %select_n3A_139, %select_n3A_140 : i32, vector<128x1xi32>, vector<128x1xi32>
    }
    %get3A_49 = arith.constant 0 : index
    %get3A_50 = arith.constant 0 : index
    %get3A_51 = vector.load %arg5[%get3A_49, %get3A_50] : memref<128x1xf32, #tpu.memory_space<vmem>>, vector<128x1xf32>
    %get3A_52 = arith.constant 0 : index
    %get3A_53 = arith.constant 0 : index
    %get3A_54 = vector.load %arg6[%get3A_52, %get3A_53] : memref<128x1xf32, #tpu.memory_space<vmem>>, vector<128x1xf32>
    %broadcast_in_dim3A_55 = arith.constant 1.000000e+00 : f32
    %broadcast_in_dim3A_56 = vector.broadcast %broadcast_in_dim3A_55 : f32 to vector<512x1xf32>
    %broadcast_in_dim3A_57 = arith.constant 0.000000e+00 : f32
    %broadcast_in_dim3A_58 = vector.broadcast %broadcast_in_dim3A_57 : f32 to vector<128x1xf32>
    %scan3A = arith.constant 0 : i32
    %scan3A_59 = arith.constant 8 : i32
    %scan3A_60 = arith.addi %scan3A, %scan3A_59 : i32
    %scan3A_61 = arith.constant 1 : i32
    %scan3A_62:5 = scf.for %scan3A_110 = %scan3A to %scan3A_60 step %scan3A_61 iter_args(%scan3A_111 = %broadcast_in_dim3A_58, %scan3A_112 = %broadcast_in_dim3A_58, %scan3A_113 = %broadcast_in_dim3A_58, %scan3A_114 = %broadcast_in_dim3A_58, %scan3A_115 = %broadcast_in_dim3A_58) -> (vector<128x1xf32>, vector<128x1xf32>, vector<128x1xf32>, vector<128x1xf32>, vector<128x1xf32>)  : i32 {
      %mul3A_116 = arith.constant 512 : i32
      %mul3A_117 = arith.muli %scan3A_110, %mul3A_116 : i32
      %get3A_118 = arith.constant 0 : index
      %get3A_119 = arith.index_cast %mul3A_117 : i32 to index
      %get3A_120 = vector.load %arg1[%get3A_118, %get3A_119] : memref<128x4096xf32, #tpu.memory_space<vmem>>, vector<128x512xf32>
      %get3A_121 = arith.constant 0 : index
      %get3A_122 = arith.index_cast %mul3A_117 : i32 to index
      %get3A_123 = vector.load %arg2[%get3A_121, %get3A_122] : memref<128x4096xf32, #tpu.memory_space<vmem>>, vector<128x512xf32>
      %bitcast_convert_type3A_124 = tpu.bitcast %get3A_123 : vector<128x512xf32> -> vector<128x512xi32>
      %lt3A_125 = arith.constant 0 : i32
      %lt3A_126 = vector.broadcast %lt3A_125 : i32 to vector<128x512xi32>
      %lt3A_127 = arith.cmpi slt, %bitcast_convert_type3A_124, %lt3A_126 : vector<128x512xi32>
      %and3A_128 = arith.constant 2147483647 : i32
      %and3A_129 = vector.broadcast %and3A_128 : i32 to vector<128x512xi32>
      %and3A_130 = arith.andi %bitcast_convert_type3A_124, %and3A_129 : vector<128x512xi32>
      %neg3A_131 = arith.constant 0 : i32
      %neg3A_132 = vector.broadcast %neg3A_131 : i32 to vector<128x512xi32>
      %neg3A_133 = arith.subi %neg3A_132, %and3A_130 : vector<128x512xi32>
      %select_n3A_134 = arith.select %lt3A_127, %neg3A_133, %bitcast_convert_type3A_124 : vector<128x512xi1>, vector<128x512xi32>
      %le3A_135 = vector.broadcast %while3A_14#2 : vector<128x1xi32> to vector<128x512xi32>
      %le3A_136 = arith.cmpi sle, %select_n3A_134, %le3A_135 : vector<128x512xi32>
      %bitcast_convert_type3A_137 = tpu.bitcast %get3A_120 : vector<128x512xf32> -> vector<128x512xi32>
      %lt3A_138 = arith.constant 0 : i32
      %lt3A_139 = vector.broadcast %lt3A_138 : i32 to vector<128x512xi32>
      %lt3A_140 = arith.cmpi slt, %bitcast_convert_type3A_137, %lt3A_139 : vector<128x512xi32>
      %and3A_141 = arith.constant 2147483647 : i32
      %and3A_142 = vector.broadcast %and3A_141 : i32 to vector<128x512xi32>
      %and3A_143 = arith.andi %bitcast_convert_type3A_137, %and3A_142 : vector<128x512xi32>
      %neg3A_144 = arith.constant 0 : i32
      %neg3A_145 = vector.broadcast %neg3A_144 : i32 to vector<128x512xi32>
      %neg3A_146 = arith.subi %neg3A_145, %and3A_143 : vector<128x512xi32>
      %select_n3A_147 = arith.select %lt3A_140, %neg3A_146, %bitcast_convert_type3A_137 : vector<128x512xi1>, vector<128x512xi32>
      %neg3A_148 = arith.constant 0 : i32
      %neg3A_149 = vector.broadcast %neg3A_148 : i32 to vector<128x512xi32>
      %neg3A_150 = arith.subi %neg3A_149, %select_n3A_147 : vector<128x512xi32>
      %le3A_151 = vector.broadcast %while3A_48#2 : vector<128x1xi32> to vector<128x512xi32>
      %le3A_152 = arith.cmpi sle, %neg3A_150, %le3A_151 : vector<128x512xi32>
      %and3A_153 = arith.andi %le3A_136, %le3A_152 : vector<128x512xi1>
      %sub3A = vector.broadcast %get3A_51 : vector<128x1xf32> to vector<128x512xf32>
      %sub3A_154 = arith.subf %get3A_120, %sub3A : vector<128x512xf32>
      %gt3A = arith.constant 0.000000e+00 : f32
      %gt3A_155 = vector.broadcast %gt3A : f32 to vector<128x512xf32>
      %gt3A_156 = arith.cmpf ogt, %sub3A_154, %gt3A_155 : vector<128x512xf32>
      %min3A = arith.constant 0.000000e+00 : f32
      %min3A_157 = vector.broadcast %min3A : f32 to vector<128x512xf32>
      %min3A_158 = arith.minimumf %sub3A_154, %min3A_157 : vector<128x512xf32>
      %exp3A = math.exp %min3A_158 : vector<128x512xf32>
      %mul3A_159 = arith.constant 9.99999993E-9 : f32
      %mul3A_160 = vector.broadcast %mul3A_159 : f32 to vector<128x512xf32>
      %mul3A_161 = arith.mulf %mul3A_160, %exp3A : vector<128x512xf32>
      %select_n3A_162 = arith.select %gt3A_156, %sub3A_154, %mul3A_161 : vector<128x512xi1>, vector<128x512xf32>
      %exp3A_163 = math.exp %select_n3A_162 : vector<128x512xf32>
      %sub3A_164 = arith.constant 1.000000e+00 : f32
      %sub3A_165 = vector.broadcast %sub3A_164 : f32 to vector<128x512xf32>
      %sub3A_166 = arith.subf %exp3A_163, %sub3A_165 : vector<128x512xf32>
      %jit3A_167 = arith.constant 0.000000e+00 : f32
      %broadcast_in_dim3A_168 = vector.broadcast %jit3A_167 : f32 to vector<128x512xf32>
      %select_n3A_169 = arith.select %and3A_153, %sub3A_166, %broadcast_in_dim3A_168 : vector<128x512xi1>, vector<128x512xf32>
      %sub3A_170 = vector.broadcast %get3A_54 : vector<128x1xf32> to vector<128x512xf32>
      %sub3A_171 = arith.subf %get3A_120, %sub3A_170 : vector<128x512xf32>
      %gt3A_172 = arith.constant 0.000000e+00 : f32
      %gt3A_173 = vector.broadcast %gt3A_172 : f32 to vector<128x512xf32>
      %gt3A_174 = arith.cmpf ogt, %sub3A_171, %gt3A_173 : vector<128x512xf32>
      %min3A_175 = arith.constant 0.000000e+00 : f32
      %min3A_176 = vector.broadcast %min3A_175 : f32 to vector<128x512xf32>
      %min3A_177 = arith.minimumf %sub3A_171, %min3A_176 : vector<128x512xf32>
      %exp3A_178 = math.exp %min3A_177 : vector<128x512xf32>
      %mul3A_179 = arith.constant 9.99999993E-9 : f32
      %mul3A_180 = vector.broadcast %mul3A_179 : f32 to vector<128x512xf32>
      %mul3A_181 = arith.mulf %mul3A_180, %exp3A_178 : vector<128x512xf32>
      %select_n3A_182 = arith.select %gt3A_174, %sub3A_171, %mul3A_181 : vector<128x512xi1>, vector<128x512xf32>
      %exp3A_183 = math.exp %select_n3A_182 : vector<128x512xf32>
      %sub3A_184 = arith.constant 1.000000e+00 : f32
      %sub3A_185 = vector.broadcast %sub3A_184 : f32 to vector<128x512xf32>
      %sub3A_186 = arith.subf %exp3A_183, %sub3A_185 : vector<128x512xf32>
      %jit3A_187 = arith.constant 0.000000e+00 : f32
      %broadcast_in_dim3A_188 = vector.broadcast %jit3A_187 : f32 to vector<128x512xf32>
      %select_n3A_189 = arith.select %and3A_153, %sub3A_186, %broadcast_in_dim3A_188 : vector<128x512xi1>, vector<128x512xf32>
      %dot_general3A = arith.constant dense<0.000000e+00> : vector<128x1xf32>
      %dot_general3A_190 = tpu.matmul %select_n3A_169, %broadcast_in_dim3A_56, %dot_general3A {dimension_numbers = #tpu.dot_dimension_numbers<[1], [0], [0], [1], [0, 0, 1, 1], [], []>, precision = #tpu.contract_precision<fp32>, transpose_lhs_hint = false} : vector<128x512xf32>, vector<512x1xf32>, vector<128x1xf32> -> vector<128x1xf32>
      %add3A_191 = arith.addf %scan3A_111, %dot_general3A_190 : vector<128x1xf32>
      %reduce_max3A_192 = arith.constant dense<0xFF800000> : vector<128xf32>
      %reduce_max3A_193 = vector.multi_reduction <maximumf>, %select_n3A_169, %reduce_max3A_192 [1] : vector<128x512xf32> to vector<128xf32>
      %broadcast_in_dim3A_194 = vector.shape_cast %reduce_max3A_193 : vector<128xf32> to vector<128x1xf32>
      %max3A = arith.maximumf %scan3A_112, %broadcast_in_dim3A_194 : vector<128x1xf32>
      %dot_general3A_195 = arith.constant dense<0.000000e+00> : vector<128x1xf32>
      %dot_general3A_196 = tpu.matmul %select_n3A_189, %broadcast_in_dim3A_56, %dot_general3A_195 {dimension_numbers = #tpu.dot_dimension_numbers<[1], [0], [0], [1], [0, 0, 1, 1], [], []>, precision = #tpu.contract_precision<fp32>, transpose_lhs_hint = false} : vector<128x512xf32>, vector<512x1xf32>, vector<128x1xf32> -> vector<128x1xf32>
      %add3A_197 = arith.addf %scan3A_113, %dot_general3A_196 : vector<128x1xf32>
      %reduce_max3A_198 = arith.constant dense<0xFF800000> : vector<128xf32>
      %reduce_max3A_199 = vector.multi_reduction <maximumf>, %select_n3A_189, %reduce_max3A_198 [1] : vector<128x512xf32> to vector<128xf32>
      %broadcast_in_dim3A_200 = vector.shape_cast %reduce_max3A_199 : vector<128xf32> to vector<128x1xf32>
      %max3A_201 = arith.maximumf %scan3A_114, %broadcast_in_dim3A_200 : vector<128x1xf32>
      %mul3A_202 = arith.mulf %select_n3A_169, %get3A_123 : vector<128x512xf32>
      %dot_general3A_203 = arith.constant dense<0.000000e+00> : vector<128x1xf32>
      %dot_general3A_204 = tpu.matmul %mul3A_202, %broadcast_in_dim3A_56, %dot_general3A_203 {dimension_numbers = #tpu.dot_dimension_numbers<[1], [0], [0], [1], [0, 0, 1, 1], [], []>, precision = #tpu.contract_precision<fp32>, transpose_lhs_hint = false} : vector<128x512xf32>, vector<512x1xf32>, vector<128x1xf32> -> vector<128x1xf32>
      %add3A_205 = arith.addf %scan3A_115, %dot_general3A_204 : vector<128x1xf32>
      scf.yield %add3A_191, %max3A, %add3A_197, %max3A_201, %add3A_205 : vector<128x1xf32>, vector<128x1xf32>, vector<128x1xf32>, vector<128x1xf32>, vector<128x1xf32>
    }
    %scan3A_63 = arith.constant 8 : i32
    %tanh3A = math.tanh %scan3A_62#1 : vector<128x1xf32>
    %add3A = arith.constant 9.99999993E-9 : f32
    %add3A_64 = vector.broadcast %add3A : f32 to vector<128x1xf32>
    %add3A_65 = arith.addf %scan3A_62#0, %add3A_64 : vector<128x1xf32>
    %div3A = arith.divf %tanh3A, %add3A_65 : vector<128x1xf32>
    %tanh3A_66 = math.tanh %scan3A_62#3 : vector<128x1xf32>
    %add3A_67 = arith.constant 9.99999993E-9 : f32
    %add3A_68 = vector.broadcast %add3A_67 : f32 to vector<128x1xf32>
    %add3A_69 = arith.addf %scan3A_62#2, %add3A_68 : vector<128x1xf32>
    %div3A_70 = arith.divf %tanh3A_66, %add3A_69 : vector<128x1xf32>
    %broadcast_in_dim3A_71 = arith.constant 0.000000e+00 : f32
    %broadcast_in_dim3A_72 = vector.broadcast %broadcast_in_dim3A_71 : f32 to vector<128x1024xf32>
    %swap3A = arith.constant 0 : index
    %swap3A_73 = arith.constant 0 : index
    %swap3A_74 = vector.load %arg8[%swap3A, %swap3A_73] : memref<128x1024xf32, #tpu.memory_space<vmem>>, vector<128x1024xf32>
    tpu.vector_store %arg8[%swap3A, %swap3A_73], %broadcast_in_dim3A_72 {strides = array<i32>} : memref<128x1024xf32, #tpu.memory_space<vmem>>, vector<128x1024xf32>,
    %broadcast_in_dim3A_75 = arith.constant 0.000000e+00 : f32
    %broadcast_in_dim3A_76 = vector.broadcast %broadcast_in_dim3A_75 : f32 to vector<128x1024xf32>
    %swap3A_77 = arith.constant 0 : index
    %swap3A_78 = arith.constant 0 : index
    %swap3A_79 = vector.load %arg9[%swap3A_77, %swap3A_78] : memref<128x1024xf32, #tpu.memory_space<vmem>>, vector<128x1024xf32>
    tpu.vector_store %arg9[%swap3A_77, %swap3A_78], %broadcast_in_dim3A_76 {strides = array<i32>} : memref<128x1024xf32, #tpu.memory_space<vmem>>, vector<128x1024xf32>,
    %scan3A_80 = arith.constant 0 : i32
    %scan3A_81 = arith.constant 8 : i32
    %scan3A_82 = arith.addi %scan3A_80, %scan3A_81 : i32
    %scan3A_83 = arith.constant 1 : i32
    scf.for %scan3A_110 = %scan3A_80 to %scan3A_82 step %scan3A_83  : i32 {
      %mul3A_111 = arith.constant 512 : i32
      %mul3A_112 = arith.muli %scan3A_110, %mul3A_111 : i32
      %get3A_113 = arith.constant 0 : index
      %get3A_114 = arith.index_cast %mul3A_112 : i32 to index
      %get3A_115 = vector.load %arg1[%get3A_113, %get3A_114] : memref<128x4096xf32, #tpu.memory_space<vmem>>, vector<128x512xf32>
      %get3A_116 = arith.constant 0 : index
      %get3A_117 = arith.index_cast %mul3A_112 : i32 to index
      %get3A_118 = vector.load %arg2[%get3A_116, %get3A_117] : memref<128x4096xf32, #tpu.memory_space<vmem>>, vector<128x512xf32>
      %bitcast_convert_type3A_119 = tpu.bitcast %get3A_118 : vector<128x512xf32> -> vector<128x512xi32>
      %lt3A_120 = arith.constant 0 : i32
      %lt3A_121 = vector.broadcast %lt3A_120 : i32 to vector<128x512xi32>
      %lt3A_122 = arith.cmpi slt, %bitcast_convert_type3A_119, %lt3A_121 : vector<128x512xi32>
      %and3A_123 = arith.constant 2147483647 : i32
      %and3A_124 = vector.broadcast %and3A_123 : i32 to vector<128x512xi32>
      %and3A_125 = arith.andi %bitcast_convert_type3A_119, %and3A_124 : vector<128x512xi32>
      %neg3A_126 = arith.constant 0 : i32
      %neg3A_127 = vector.broadcast %neg3A_126 : i32 to vector<128x512xi32>
      %neg3A_128 = arith.subi %neg3A_127, %and3A_125 : vector<128x512xi32>
      %select_n3A_129 = arith.select %lt3A_122, %neg3A_128, %bitcast_convert_type3A_119 : vector<128x512xi1>, vector<128x512xi32>
      %le3A_130 = vector.broadcast %while3A_14#2 : vector<128x1xi32> to vector<128x512xi32>
      %le3A_131 = arith.cmpi sle, %select_n3A_129, %le3A_130 : vector<128x512xi32>
      %bitcast_convert_type3A_132 = tpu.bitcast %get3A_115 : vector<128x512xf32> -> vector<128x512xi32>
      %lt3A_133 = arith.constant 0 : i32
      %lt3A_134 = vector.broadcast %lt3A_133 : i32 to vector<128x512xi32>
      %lt3A_135 = arith.cmpi slt, %bitcast_convert_type3A_132, %lt3A_134 : vector<128x512xi32>
      %and3A_136 = arith.constant 2147483647 : i32
      %and3A_137 = vector.broadcast %and3A_136 : i32 to vector<128x512xi32>
      %and3A_138 = arith.andi %bitcast_convert_type3A_132, %and3A_137 : vector<128x512xi32>
      %neg3A_139 = arith.constant 0 : i32
      %neg3A_140 = vector.broadcast %neg3A_139 : i32 to vector<128x512xi32>
      %neg3A_141 = arith.subi %neg3A_140, %and3A_138 : vector<128x512xi32>
      %select_n3A_142 = arith.select %lt3A_135, %neg3A_141, %bitcast_convert_type3A_132 : vector<128x512xi1>, vector<128x512xi32>
      %neg3A_143 = arith.constant 0 : i32
      %neg3A_144 = vector.broadcast %neg3A_143 : i32 to vector<128x512xi32>
      %neg3A_145 = arith.subi %neg3A_144, %select_n3A_142 : vector<128x512xi32>
      %le3A_146 = vector.broadcast %while3A_48#2 : vector<128x1xi32> to vector<128x512xi32>
      %le3A_147 = arith.cmpi sle, %neg3A_145, %le3A_146 : vector<128x512xi32>
      %and3A_148 = arith.andi %le3A_131, %le3A_147 : vector<128x512xi1>
      %get3A_149 = arith.index_cast %mul3A_112 : i32 to index
      %get3A_150 = arith.constant 0 : index
      %get3A_151 = vector.load %arg7[%get3A_149, %get3A_150] : memref<4096x1024xf32, #tpu.memory_space<vmem>>, vector<512x1024xf32>
      %get3A_152 = arith.constant 0 : index
      %get3A_153 = arith.constant 0 : index
      %get3A_154 = vector.load %arg8[%get3A_152, %get3A_153] : memref<128x1024xf32, #tpu.memory_space<vmem>>, vector<128x1024xf32>
      %sub3A = vector.broadcast %get3A_51 : vector<128x1xf32> to vector<128x512xf32>
      %sub3A_155 = arith.subf %get3A_115, %sub3A : vector<128x512xf32>
      %gt3A = arith.constant 0.000000e+00 : f32
      %gt3A_156 = vector.broadcast %gt3A : f32 to vector<128x512xf32>
      %gt3A_157 = arith.cmpf ogt, %sub3A_155, %gt3A_156 : vector<128x512xf32>
      %min3A = arith.constant 0.000000e+00 : f32
      %min3A_158 = vector.broadcast %min3A : f32 to vector<128x512xf32>
      %min3A_159 = arith.minimumf %sub3A_155, %min3A_158 : vector<128x512xf32>
      %exp3A = math.exp %min3A_159 : vector<128x512xf32>
      %mul3A_160 = arith.constant 9.99999993E-9 : f32
      %mul3A_161 = vector.broadcast %mul3A_160 : f32 to vector<128x512xf32>
      %mul3A_162 = arith.mulf %mul3A_161, %exp3A : vector<128x512xf32>
      %select_n3A_163 = arith.select %gt3A_157, %sub3A_155, %mul3A_162 : vector<128x512xi1>, vector<128x512xf32>
      %exp3A_164 = math.exp %select_n3A_163 : vector<128x512xf32>
      %sub3A_165 = arith.constant 1.000000e+00 : f32
      %sub3A_166 = vector.broadcast %sub3A_165 : f32 to vector<128x512xf32>
      %sub3A_167 = arith.subf %exp3A_164, %sub3A_166 : vector<128x512xf32>
      %jit3A_168 = arith.constant 0.000000e+00 : f32
      %broadcast_in_dim3A_169 = vector.broadcast %jit3A_168 : f32 to vector<128x512xf32>
      %select_n3A_170 = arith.select %and3A_148, %sub3A_167, %broadcast_in_dim3A_169 : vector<128x512xi1>, vector<128x512xf32>
      %mul3A_171 = arith.mulf %get3A_115, %select_n3A_170 : vector<128x512xf32>
      %dot_general3A = arith.constant dense<0.000000e+00> : vector<128x1024xf32>
      %dot_general3A_172 = tpu.matmul %mul3A_171, %get3A_151, %dot_general3A {dimension_numbers = #tpu.dot_dimension_numbers<[1], [0], [0], [1], [0, 0, 1, 1], [], []>, transpose_lhs_hint = false} : vector<128x512xf32>, vector<512x1024xf32>, vector<128x1024xf32> -> vector<128x1024xf32>
      %add3A_173 = arith.addf %get3A_154, %dot_general3A_172 : vector<128x1024xf32>
      %swap3A_174 = arith.constant 0 : index
      %swap3A_175 = arith.constant 0 : index
      %swap3A_176 = vector.load %arg8[%swap3A_174, %swap3A_175] : memref<128x1024xf32, #tpu.memory_space<vmem>>, vector<128x1024xf32>
      tpu.vector_store %arg8[%swap3A_174, %swap3A_175], %add3A_173 {strides = array<i32>} : memref<128x1024xf32, #tpu.memory_space<vmem>>, vector<128x1024xf32>,
      %get3A_177 = arith.constant 0 : index
      %get3A_178 = arith.constant 0 : index
      %get3A_179 = vector.load %arg9[%get3A_177, %get3A_178] : memref<128x1024xf32, #tpu.memory_space<vmem>>, vector<128x1024xf32>
      %sub3A_180 = vector.broadcast %get3A_54 : vector<128x1xf32> to vector<128x512xf32>
      %sub3A_181 = arith.subf %get3A_115, %sub3A_180 : vector<128x512xf32>
      %gt3A_182 = arith.constant 0.000000e+00 : f32
      %gt3A_183 = vector.broadcast %gt3A_182 : f32 to vector<128x512xf32>
      %gt3A_184 = arith.cmpf ogt, %sub3A_181, %gt3A_183 : vector<128x512xf32>
      %min3A_185 = arith.constant 0.000000e+00 : f32
      %min3A_186 = vector.broadcast %min3A_185 : f32 to vector<128x512xf32>
      %min3A_187 = arith.minimumf %sub3A_181, %min3A_186 : vector<128x512xf32>
      %exp3A_188 = math.exp %min3A_187 : vector<128x512xf32>
      %mul3A_189 = arith.constant 9.99999993E-9 : f32
      %mul3A_190 = vector.broadcast %mul3A_189 : f32 to vector<128x512xf32>
      %mul3A_191 = arith.mulf %mul3A_190, %exp3A_188 : vector<128x512xf32>
      %select_n3A_192 = arith.select %gt3A_184, %sub3A_181, %mul3A_191 : vector<128x512xi1>, vector<128x512xf32>
      %exp3A_193 = math.exp %select_n3A_192 : vector<128x512xf32>
      %sub3A_194 = arith.constant 1.000000e+00 : f32
      %sub3A_195 = vector.broadcast %sub3A_194 : f32 to vector<128x512xf32>
      %sub3A_196 = arith.subf %exp3A_193, %sub3A_195 : vector<128x512xf32>
      %jit3A_197 = arith.constant 0.000000e+00 : f32
      %broadcast_in_dim3A_198 = vector.broadcast %jit3A_197 : f32 to vector<128x512xf32>
      %select_n3A_199 = arith.select %and3A_148, %sub3A_196, %broadcast_in_dim3A_198 : vector<128x512xi1>, vector<128x512xf32>
      %mul3A_200 = arith.mulf %get3A_115, %select_n3A_199 : vector<128x512xf32>
      %dot_general3A_201 = arith.constant dense<0.000000e+00> : vector<128x1024xf32>
      %dot_general3A_202 = tpu.matmul %mul3A_200, %get3A_151, %dot_general3A_201 {dimension_numbers = #tpu.dot_dimension_numbers<[1], [0], [0], [1], [0, 0, 1, 1], [], []>, transpose_lhs_hint = false} : vector<128x512xf32>, vector<512x1024xf32>, vector<128x1024xf32> -> vector<128x1024xf32>
      %add3A_203 = arith.addf %get3A_179, %dot_general3A_202 : vector<128x1024xf32>
      %swap3A_204 = arith.constant 0 : index
      %swap3A_205 = arith.constant 0 : index
      %swap3A_206 = vector.load %arg9[%swap3A_204, %swap3A_205] : memref<128x1024xf32, #tpu.memory_space<vmem>>, vector<128x1024xf32>
      tpu.vector_store %arg9[%swap3A_204, %swap3A_205], %add3A_203 {strides = array<i32>} : memref<128x1024xf32, #tpu.memory_space<vmem>>, vector<128x1024xf32>,
    }
    %scan3A_84 = arith.constant 8 : i32
    %get3A_85 = arith.constant 0 : index
    %get3A_86 = arith.constant 0 : index
    %get3A_87 = vector.load %arg8[%get3A_85, %get3A_86] : memref<128x1024xf32, #tpu.memory_space<vmem>>, vector<128x1024xf32>
    %mul3A = vector.broadcast %div3A : vector<128x1xf32> to vector<128x1024xf32>
    %mul3A_88 = arith.mulf %get3A_87, %mul3A : vector<128x1024xf32>
    %swap3A_89 = arith.constant 0 : index
    %swap3A_90 = arith.constant 0 : index
    %swap3A_91 = vector.load %arg8[%swap3A_89, %swap3A_90] : memref<128x1024xf32, #tpu.memory_space<vmem>>, vector<128x1024xf32>
    tpu.vector_store %arg8[%swap3A_89, %swap3A_90], %mul3A_88 {strides = array<i32>} : memref<128x1024xf32, #tpu.memory_space<vmem>>, vector<128x1024xf32>,
    %get3A_92 = arith.constant 0 : index
    %get3A_93 = arith.constant 0 : index
    %get3A_94 = vector.load %arg9[%get3A_92, %get3A_93] : memref<128x1024xf32, #tpu.memory_space<vmem>>, vector<128x1024xf32>
    %mul3A_95 = vector.broadcast %div3A_70 : vector<128x1xf32> to vector<128x1024xf32>
    %mul3A_96 = arith.mulf %get3A_94, %mul3A_95 : vector<128x1024xf32>
    %swap3A_97 = arith.constant 0 : index
    %swap3A_98 = arith.constant 0 : index
    %swap3A_99 = vector.load %arg9[%swap3A_97, %swap3A_98] : memref<128x1024xf32, #tpu.memory_space<vmem>>, vector<128x1024xf32>
    tpu.vector_store %arg9[%swap3A_97, %swap3A_98], %mul3A_96 {strides = array<i32>} : memref<128x1024xf32, #tpu.memory_space<vmem>>, vector<128x1024xf32>,
    %mul3A_100 = arith.mulf %div3A, %scan3A_62#4 : vector<128x1xf32>
    %reduce_sum3A = vector.shape_cast %mul3A_100 : vector<128x1xf32> to vector<1x128x1xf32>
    %reduce_sum3A_101 = arith.constant dense<0.000000e+00> : vector<1xf32>
    %reduce_sum3A_102 = vector.multi_reduction <add>, %reduce_sum3A, %reduce_sum3A_101 [1, 2] : vector<1x128x1xf32> to vector<1xf32>
    %reduce_sum3A_103 = vector.shape_cast %reduce_sum3A_102 : vector<1xf32> to vector<1x1x1xf32>
    %reduce_sum3A_104 = vector.extract %reduce_sum3A_103[0, 0, 0] : f32 from vector<1x1x1xf32>
    %broadcast_in_dim3A_105 = vector.broadcast %reduce_sum3A_104 : f32 to vector<1x1x1xf32>
    %swap3A_106 = arith.constant 0 : index
    %swap3A_107 = arith.constant 0 : index
    %swap3A_108 = arith.constant 0 : index
    %swap3A_109 = vector.load %arg10[%swap3A_106, %swap3A_107, %swap3A_108] : memref<1x1x1xf32, #tpu.memory_space<vmem>>, vector<1x1x1xf32>
    tpu.vector_store %arg10[%swap3A_106, %swap3A_107, %swap3A_108], %broadcast_in_dim3A_105 {strides = array<i32>} : memref<1x1x1xf32, #tpu.memory_space<vmem>>, vector<1x1x1xf32>,
    return
  }
  func.func @transform_0(%arg0: i32) -> (i32, i32) {
    %c0_i32 = arith.constant 0 : i32
    %c0_i32_0 = arith.constant 0 : i32
    return %arg0, %c0_i32 : i32, i32
  }
  func.func @transform_1(%arg0: i32) -> (i32, i32) {
    %c0_i32 = arith.constant 0 : i32
    %c0_i32_0 = arith.constant 0 : i32
    return %arg0, %c0_i32 : i32, i32
  }
  func.func @transform_2(%arg0: i32) -> (i32, i32) {
    %c0_i32 = arith.constant 0 : i32
    %c0_i32_0 = arith.constant 0 : i32
    return %arg0, %c0_i32 : i32, i32
  }
  func.func @transform_3(%arg0: i32) -> (i32, i32) {
    %c0_i32 = arith.constant 0 : i32
    %c0_i32_0 = arith.constant 0 : i32
    return %arg0, %c0_i32 : i32, i32
  }
  func.func @transform_4(%arg0: i32) -> (i32, i32) {
    %c0_i32 = arith.constant 0 : i32
    %c0_i32_0 = arith.constant 0 : i32
    return %arg0, %c0_i32 : i32, i32
  }
  func.func @transform_5(%arg0: i32) -> (i32, i32) {
    %c0_i32 = arith.constant 0 : i32
    %c0_i32_0 = arith.constant 0 : i32
    return %arg0, %c0_i32 : i32, i32
  }
  func.func @transform_6(%arg0: i32) -> (i32, i32) {
    %c0_i32 = arith.constant 0 : i32
    %c0_i32_0 = arith.constant 0 : i32
    %c0_i32_1 = arith.constant 0 : i32
    return %c0_i32, %c0_i32_0 : i32, i32
  }
  func.func @transform_7(%arg0: i32) -> (i32, i32) {
    %c0_i32 = arith.constant 0 : i32
    %c0_i32_0 = arith.constant 0 : i32
    return %arg0, %c0_i32 : i32, i32
  }
  func.func @transform_8(%arg0: i32) -> (i32, i32) {
    %c0_i32 = arith.constant 0 : i32
    %c0_i32_0 = arith.constant 0 : i32
    return %arg0, %c0_i32 : i32, i32
  }
  func.func @transform_9(%arg0: i32) -> (i32, i32, i32) {
    %c0_i32 = arith.constant 0 : i32
    %c0_i32_0 = arith.constant 0 : i32
    %c0_i32_1 = arith.constant 0 : i32
    return %arg0, %c0_i32, %c0_i32_0 : i32, i32, i32
  }
}

module attributes {stable_mosaic.version = 14 : i64} {
  func.func @_stage_a2v_body(%arg0: i32, %arg1: memref<128x4096xf32, #tpu.memory_space<vmem>>, %arg2: memref<128x4096xf32, #tpu.memory_space<vmem>>, %arg3: memref<128x512xf32, #tpu.memory_space<vmem>>, %arg4: memref<128x512xf32, #tpu.memory_space<vmem>>, %arg5: memref<128x1xf32, #tpu.memory_space<vmem>>, %arg6: memref<4096x1024xf32, #tpu.memory_space<vmem>>, %arg7: memref<128x1024xf32, #tpu.memory_space<vmem>>, %arg8: memref<1x1x1xf32, #tpu.memory_space<vmem>>) attributes {dimension_semantics = [#tpu.dimension_semantics<arbitrary>], iteration_bounds = array<i64: 16>, scalar_prefetch = 0 : i64, scratch_operands = 0 : i64, tpu.core_type = #tpu.core_type<tc>, window_params = [{transform_indices = @transform_0, window_bounds = array<i64: 128, 4096>}, {transform_indices = @transform_1, window_bounds = array<i64: 128, 4096>}, {transform_indices = @transform_2, window_bounds = array<i64: 128, 512>}, {transform_indices = @transform_3, window_bounds = array<i64: 128, 512>}, {transform_indices = @transform_4, window_bounds = array<i64: 128, 1>}, {pipeline_mode = #tpu.pipeline_mode<synchronous>, transform_indices = @transform_5, window_bounds = array<i64: 4096, 1024>}, {transform_indices = @transform_6, window_bounds = array<i64: 128, 1024>}, {transform_indices = @transform_7, window_bounds = array<i64: 1, 1, 1>}]} {
    %get3A = arith.constant 0 : index
    %get3A_0 = arith.constant 0 : index
    %get3A_1 = vector.load %arg3[%get3A, %get3A_0] : memref<128x512xf32, #tpu.memory_space<vmem>>, vector<128x512xf32>
    %bitcast_convert_type3A = tpu.bitcast %get3A_1 : vector<128x512xf32> -> vector<128x512xi32>
    %lt3A = arith.constant 0 : i32
    %lt3A_2 = vector.broadcast %lt3A : i32 to vector<128x512xi32>
    %lt3A_3 = arith.cmpi slt, %bitcast_convert_type3A, %lt3A_2 : vector<128x512xi32>
    %and3A = arith.constant 2147483647 : i32
    %and3A_4 = vector.broadcast %and3A : i32 to vector<128x512xi32>
    %and3A_5 = arith.andi %bitcast_convert_type3A, %and3A_4 : vector<128x512xi32>
    %neg3A = arith.constant 0 : i32
    %neg3A_6 = vector.broadcast %neg3A : i32 to vector<128x512xi32>
    %neg3A_7 = arith.subi %neg3A_6, %and3A_5 : vector<128x512xi32>
    %select_n3A = arith.select %lt3A_3, %neg3A_7, %bitcast_convert_type3A : vector<128x512xi1>, vector<128x512xi32>
    %reduce_min3A = arith.constant dense<2147483647> : vector<128xi32>
    %reduce_min3A_8 = vector.multi_reduction <minsi>, %select_n3A, %reduce_min3A [1] : vector<128x512xi32> to vector<128xi32>
    %broadcast_in_dim3A = vector.shape_cast %reduce_min3A_8 : vector<128xi32> to vector<128x1xi32>
    %reduce_max3A = arith.constant dense<-2147483648> : vector<128xi32>
    %reduce_max3A_9 = vector.multi_reduction <maxsi>, %select_n3A, %reduce_max3A [1] : vector<128x512xi32> to vector<128xi32>
    %broadcast_in_dim3A_10 = vector.shape_cast %reduce_max3A_9 : vector<128xi32> to vector<128x1xi32>
    %broadcast_in_dim3A_11 = arith.constant 1.000000e+00 : f32
    %broadcast_in_dim3A_12 = vector.broadcast %broadcast_in_dim3A_11 : f32 to vector<512x1xf32>
    %while3A = arith.constant 6.400000e+01 : f32
    %while3A_13 = arith.constant 0 : i32
    %while3A_14:3 = scf.while (%while3A_89 = %while3A_13, %while3A_90 = %broadcast_in_dim3A, %while3A_91 = %broadcast_in_dim3A_10) : (i32, vector<128x1xi32>, vector<128x1xi32>) -> (i32, vector<128x1xi32>, vector<128x1xi32>) {
      %lt3A_92 = arith.constant 32 : i32
      %lt3A_93 = arith.cmpi slt, %while3A_89, %lt3A_92 : i32
      %lt3A_94 = arith.cmpi slt, %while3A_90, %while3A_91 : vector<128x1xi32>
      %reduce_or3A = arith.constant 1.000000e+00 : f32
      %reduce_or3A_95 = arith.constant 0.000000e+00 : f32
      %reduce_or3A_96 = vector.broadcast %reduce_or3A : f32 to vector<128x1xf32>
      %reduce_or3A_97 = vector.broadcast %reduce_or3A_95 : f32 to vector<128x1xf32>
      %reduce_or3A_98 = arith.select %lt3A_94, %reduce_or3A_96, %reduce_or3A_97 : vector<128x1xi1>, vector<128x1xf32>
      %reduce_or3A_99 = vector.shape_cast %reduce_or3A_98 : vector<128x1xf32> to vector<1x128x1xf32>
      %reduce_or3A_100 = arith.constant dense<0xFF800000> : vector<1xf32>
      %reduce_or3A_101 = vector.multi_reduction <maximumf>, %reduce_or3A_99, %reduce_or3A_100 [1, 2] : vector<1x128x1xf32> to vector<1xf32>
      %reduce_or3A_102 = vector.shape_cast %reduce_or3A_101 : vector<1xf32> to vector<1x1x1xf32>
      %reduce_or3A_103 = vector.extract %reduce_or3A_102[0, 0, 0] : f32 from vector<1x1x1xf32>
      %reduce_or3A_104 = arith.constant 0.000000e+00 : f32
      %reduce_or3A_105 = arith.cmpf ogt, %reduce_or3A_103, %reduce_or3A_104 : f32
      %and3A_106 = arith.andi %lt3A_93, %reduce_or3A_105 : i1
      scf.condition(%and3A_106) %while3A_89, %while3A_90, %while3A_91 : i32, vector<128x1xi32>, vector<128x1xi32>
    } do {
    ^bb0(%while3A_89: i32, %while3A_90: vector<128x1xi32>, %while3A_91: vector<128x1xi32>):
      %shift_right_arithmetic3A = arith.constant 1 : i32
      %shift_right_arithmetic3A_92 = vector.broadcast %shift_right_arithmetic3A : i32 to vector<128x1xi32>
      %shift_right_arithmetic3A_93 = arith.shrsi %while3A_90, %shift_right_arithmetic3A_92 : vector<128x1xi32>
      %shift_right_arithmetic3A_94 = arith.constant 1 : i32
      %shift_right_arithmetic3A_95 = vector.broadcast %shift_right_arithmetic3A_94 : i32 to vector<128x1xi32>
      %shift_right_arithmetic3A_96 = arith.shrsi %while3A_91, %shift_right_arithmetic3A_95 : vector<128x1xi32>
      %add3A_97 = arith.addi %shift_right_arithmetic3A_93, %shift_right_arithmetic3A_96 : vector<128x1xi32>
      %and3A_98 = arith.andi %while3A_90, %while3A_91 : vector<128x1xi32>
      %and3A_99 = arith.constant 1 : i32
      %and3A_100 = vector.broadcast %and3A_99 : i32 to vector<128x1xi32>
      %and3A_101 = arith.andi %and3A_98, %and3A_100 : vector<128x1xi32>
      %add3A_102 = arith.addi %add3A_97, %and3A_101 : vector<128x1xi32>
      %broadcast_in_dim3A_103 = arith.constant 0.000000e+00 : f32
      %broadcast_in_dim3A_104 = vector.broadcast %broadcast_in_dim3A_103 : f32 to vector<128x1xf32>
      %scan3A_105 = arith.constant 0 : i32
      %le3A_106 = vector.broadcast %add3A_102 : vector<128x1xi32> to vector<128x512xi32>
      %le3A_107 = arith.cmpi sle, %select_n3A, %le3A_106 : vector<128x512xi32>
      %convert_element_type3A = arith.extui %le3A_107 : vector<128x512xi1> to vector<128x512xi32>
      %convert_element_type3A_108 = arith.sitofp %convert_element_type3A : vector<128x512xi32> to vector<128x512xf32>
      %dot_general3A = arith.constant dense<0.000000e+00> : vector<128x1xf32>
      %dot_general3A_109 = tpu.matmul %convert_element_type3A_108, %broadcast_in_dim3A_12, %dot_general3A {dimension_numbers = #tpu.dot_dimension_numbers<[1], [0], [0], [1], [0, 0, 1, 1], [], []>, transpose_lhs_hint = false} : vector<128x512xf32>, vector<512x1xf32>, vector<128x1xf32> -> vector<128x1xf32>
      %add3A_110 = arith.addf %broadcast_in_dim3A_104, %dot_general3A_109 : vector<128x1xf32>
      %scan3A_111 = arith.constant 1 : i32
      %ge3A = vector.broadcast %while3A : f32 to vector<128x1xf32>
      %ge3A_112 = arith.cmpf oge, %add3A_110, %ge3A : vector<128x1xf32>
      %add3A_113 = arith.constant 1 : i32
      %add3A_114 = arith.addi %while3A_89, %add3A_113 : i32
      %add3A_115 = arith.constant 1 : i32
      %add3A_116 = vector.broadcast %add3A_115 : i32 to vector<128x1xi32>
      %add3A_117 = arith.addi %add3A_102, %add3A_116 : vector<128x1xi32>
      %select_n3A_118 = arith.select %ge3A_112, %while3A_90, %add3A_117 : vector<128x1xi1>, vector<128x1xi32>
      %select_n3A_119 = arith.select %ge3A_112, %add3A_102, %while3A_91 : vector<128x1xi1>, vector<128x1xi32>
      scf.yield %add3A_114, %select_n3A_118, %select_n3A_119 : i32, vector<128x1xi32>, vector<128x1xi32>
    }
    %le3A = vector.broadcast %while3A_14#2 : vector<128x1xi32> to vector<128x512xi32>
    %le3A_15 = arith.cmpi sle, %select_n3A, %le3A : vector<128x512xi32>
    %get3A_16 = arith.constant 0 : index
    %get3A_17 = arith.constant 0 : index
    %get3A_18 = vector.load %arg4[%get3A_16, %get3A_17] : memref<128x512xf32, #tpu.memory_space<vmem>>, vector<128x512xf32>
    %bitcast_convert_type3A_19 = tpu.bitcast %get3A_18 : vector<128x512xf32> -> vector<128x512xi32>
    %lt3A_20 = arith.constant 0 : i32
    %lt3A_21 = vector.broadcast %lt3A_20 : i32 to vector<128x512xi32>
    %lt3A_22 = arith.cmpi slt, %bitcast_convert_type3A_19, %lt3A_21 : vector<128x512xi32>
    %and3A_23 = arith.constant 2147483647 : i32
    %and3A_24 = vector.broadcast %and3A_23 : i32 to vector<128x512xi32>
    %and3A_25 = arith.andi %bitcast_convert_type3A_19, %and3A_24 : vector<128x512xi32>
    %neg3A_26 = arith.constant 0 : i32
    %neg3A_27 = vector.broadcast %neg3A_26 : i32 to vector<128x512xi32>
    %neg3A_28 = arith.subi %neg3A_27, %and3A_25 : vector<128x512xi32>
    %select_n3A_29 = arith.select %lt3A_22, %neg3A_28, %bitcast_convert_type3A_19 : vector<128x512xi1>, vector<128x512xi32>
    %neg3A_30 = arith.constant 0 : i32
    %neg3A_31 = vector.broadcast %neg3A_30 : i32 to vector<128x512xi32>
    %neg3A_32 = arith.subi %neg3A_31, %select_n3A_29 : vector<128x512xi32>
    %jit3A = arith.constant 2147483647 : i32
    %broadcast_in_dim3A_33 = vector.broadcast %jit3A : i32 to vector<128x512xi32>
    %select_n3A_34 = arith.select %le3A_15, %neg3A_32, %broadcast_in_dim3A_33 : vector<128x512xi1>, vector<128x512xi32>
    %reduce_min3A_35 = arith.constant dense<2147483647> : vector<128xi32>
    %reduce_min3A_36 = vector.multi_reduction <minsi>, %select_n3A_34, %reduce_min3A_35 [1] : vector<128x512xi32> to vector<128xi32>
    %broadcast_in_dim3A_37 = vector.shape_cast %reduce_min3A_36 : vector<128xi32> to vector<128x1xi32>
    %jit3A_38 = arith.constant -2147483648 : i32
    %broadcast_in_dim3A_39 = vector.broadcast %jit3A_38 : i32 to vector<128x512xi32>
    %select_n3A_40 = arith.select %le3A_15, %select_n3A_34, %broadcast_in_dim3A_39 : vector<128x512xi1>, vector<128x512xi32>
    %reduce_max3A_41 = arith.constant dense<-2147483648> : vector<128xi32>
    %reduce_max3A_42 = vector.multi_reduction <maxsi>, %select_n3A_40, %reduce_max3A_41 [1] : vector<128x512xi32> to vector<128xi32>
    %broadcast_in_dim3A_43 = vector.shape_cast %reduce_max3A_42 : vector<128xi32> to vector<128x1xi32>
    %broadcast_in_dim3A_44 = arith.constant 1.000000e+00 : f32
    %broadcast_in_dim3A_45 = vector.broadcast %broadcast_in_dim3A_44 : f32 to vector<512x1xf32>
    %while3A_46 = arith.constant 1.600000e+01 : f32
    %while3A_47 = arith.constant 0 : i32
    %while3A_48:3 = scf.while (%while3A_89 = %while3A_47, %while3A_90 = %broadcast_in_dim3A_37, %while3A_91 = %broadcast_in_dim3A_43) : (i32, vector<128x1xi32>, vector<128x1xi32>) -> (i32, vector<128x1xi32>, vector<128x1xi32>) {
      %lt3A_92 = arith.constant 32 : i32
      %lt3A_93 = arith.cmpi slt, %while3A_89, %lt3A_92 : i32
      %lt3A_94 = arith.cmpi slt, %while3A_90, %while3A_91 : vector<128x1xi32>
      %reduce_or3A = arith.constant 1.000000e+00 : f32
      %reduce_or3A_95 = arith.constant 0.000000e+00 : f32
      %reduce_or3A_96 = vector.broadcast %reduce_or3A : f32 to vector<128x1xf32>
      %reduce_or3A_97 = vector.broadcast %reduce_or3A_95 : f32 to vector<128x1xf32>
      %reduce_or3A_98 = arith.select %lt3A_94, %reduce_or3A_96, %reduce_or3A_97 : vector<128x1xi1>, vector<128x1xf32>
      %reduce_or3A_99 = vector.shape_cast %reduce_or3A_98 : vector<128x1xf32> to vector<1x128x1xf32>
      %reduce_or3A_100 = arith.constant dense<0xFF800000> : vector<1xf32>
      %reduce_or3A_101 = vector.multi_reduction <maximumf>, %reduce_or3A_99, %reduce_or3A_100 [1, 2] : vector<1x128x1xf32> to vector<1xf32>
      %reduce_or3A_102 = vector.shape_cast %reduce_or3A_101 : vector<1xf32> to vector<1x1x1xf32>
      %reduce_or3A_103 = vector.extract %reduce_or3A_102[0, 0, 0] : f32 from vector<1x1x1xf32>
      %reduce_or3A_104 = arith.constant 0.000000e+00 : f32
      %reduce_or3A_105 = arith.cmpf ogt, %reduce_or3A_103, %reduce_or3A_104 : f32
      %and3A_106 = arith.andi %lt3A_93, %reduce_or3A_105 : i1
      scf.condition(%and3A_106) %while3A_89, %while3A_90, %while3A_91 : i32, vector<128x1xi32>, vector<128x1xi32>
    } do {
    ^bb0(%while3A_89: i32, %while3A_90: vector<128x1xi32>, %while3A_91: vector<128x1xi32>):
      %shift_right_arithmetic3A = arith.constant 1 : i32
      %shift_right_arithmetic3A_92 = vector.broadcast %shift_right_arithmetic3A : i32 to vector<128x1xi32>
      %shift_right_arithmetic3A_93 = arith.shrsi %while3A_90, %shift_right_arithmetic3A_92 : vector<128x1xi32>
      %shift_right_arithmetic3A_94 = arith.constant 1 : i32
      %shift_right_arithmetic3A_95 = vector.broadcast %shift_right_arithmetic3A_94 : i32 to vector<128x1xi32>
      %shift_right_arithmetic3A_96 = arith.shrsi %while3A_91, %shift_right_arithmetic3A_95 : vector<128x1xi32>
      %add3A_97 = arith.addi %shift_right_arithmetic3A_93, %shift_right_arithmetic3A_96 : vector<128x1xi32>
      %and3A_98 = arith.andi %while3A_90, %while3A_91 : vector<128x1xi32>
      %and3A_99 = arith.constant 1 : i32
      %and3A_100 = vector.broadcast %and3A_99 : i32 to vector<128x1xi32>
      %and3A_101 = arith.andi %and3A_98, %and3A_100 : vector<128x1xi32>
      %add3A_102 = arith.addi %add3A_97, %and3A_101 : vector<128x1xi32>
      %broadcast_in_dim3A_103 = arith.constant 0.000000e+00 : f32
      %broadcast_in_dim3A_104 = vector.broadcast %broadcast_in_dim3A_103 : f32 to vector<128x1xf32>
      %scan3A_105 = arith.constant 0 : i32
      %le3A_106 = vector.broadcast %add3A_102 : vector<128x1xi32> to vector<128x512xi32>
      %le3A_107 = arith.cmpi sle, %select_n3A_34, %le3A_106 : vector<128x512xi32>
      %convert_element_type3A = arith.extui %le3A_107 : vector<128x512xi1> to vector<128x512xi32>
      %convert_element_type3A_108 = arith.sitofp %convert_element_type3A : vector<128x512xi32> to vector<128x512xf32>
      %dot_general3A = arith.constant dense<0.000000e+00> : vector<128x1xf32>
      %dot_general3A_109 = tpu.matmul %convert_element_type3A_108, %broadcast_in_dim3A_45, %dot_general3A {dimension_numbers = #tpu.dot_dimension_numbers<[1], [0], [0], [1], [0, 0, 1, 1], [], []>, transpose_lhs_hint = false} : vector<128x512xf32>, vector<512x1xf32>, vector<128x1xf32> -> vector<128x1xf32>
      %add3A_110 = arith.addf %broadcast_in_dim3A_104, %dot_general3A_109 : vector<128x1xf32>
      %scan3A_111 = arith.constant 1 : i32
      %ge3A = vector.broadcast %while3A_46 : f32 to vector<128x1xf32>
      %ge3A_112 = arith.cmpf oge, %add3A_110, %ge3A : vector<128x1xf32>
      %add3A_113 = arith.constant 1 : i32
      %add3A_114 = arith.addi %while3A_89, %add3A_113 : i32
      %add3A_115 = arith.constant 1 : i32
      %add3A_116 = vector.broadcast %add3A_115 : i32 to vector<128x1xi32>
      %add3A_117 = arith.addi %add3A_102, %add3A_116 : vector<128x1xi32>
      %select_n3A_118 = arith.select %ge3A_112, %while3A_90, %add3A_117 : vector<128x1xi1>, vector<128x1xi32>
      %select_n3A_119 = arith.select %ge3A_112, %add3A_102, %while3A_91 : vector<128x1xi1>, vector<128x1xi32>
      scf.yield %add3A_114, %select_n3A_118, %select_n3A_119 : i32, vector<128x1xi32>, vector<128x1xi32>
    }
    %get3A_49 = arith.constant 0 : index
    %get3A_50 = arith.constant 0 : index
    %get3A_51 = vector.load %arg5[%get3A_49, %get3A_50] : memref<128x1xf32, #tpu.memory_space<vmem>>, vector<128x1xf32>
    %broadcast_in_dim3A_52 = arith.constant 1.000000e+00 : f32
    %broadcast_in_dim3A_53 = vector.broadcast %broadcast_in_dim3A_52 : f32 to vector<512x1xf32>
    %broadcast_in_dim3A_54 = arith.constant 0.000000e+00 : f32
    %broadcast_in_dim3A_55 = vector.broadcast %broadcast_in_dim3A_54 : f32 to vector<128x1xf32>
    %scan3A = arith.constant 0 : i32
    %scan3A_56 = arith.constant 8 : i32
    %scan3A_57 = arith.addi %scan3A, %scan3A_56 : i32
    %scan3A_58 = arith.constant 1 : i32
    %scan3A_59:3 = scf.for %scan3A_89 = %scan3A to %scan3A_57 step %scan3A_58 iter_args(%scan3A_90 = %broadcast_in_dim3A_55, %scan3A_91 = %broadcast_in_dim3A_55, %scan3A_92 = %broadcast_in_dim3A_55) -> (vector<128x1xf32>, vector<128x1xf32>, vector<128x1xf32>)  : i32 {
      %mul3A_93 = arith.constant 512 : i32
      %mul3A_94 = arith.muli %scan3A_89, %mul3A_93 : i32
      %get3A_95 = arith.constant 0 : index
      %get3A_96 = arith.index_cast %mul3A_94 : i32 to index
      %get3A_97 = vector.load %arg1[%get3A_95, %get3A_96] : memref<128x4096xf32, #tpu.memory_space<vmem>>, vector<128x512xf32>
      %get3A_98 = arith.constant 0 : index
      %get3A_99 = arith.index_cast %mul3A_94 : i32 to index
      %get3A_100 = vector.load %arg2[%get3A_98, %get3A_99] : memref<128x4096xf32, #tpu.memory_space<vmem>>, vector<128x512xf32>
      %bitcast_convert_type3A_101 = tpu.bitcast %get3A_100 : vector<128x512xf32> -> vector<128x512xi32>
      %lt3A_102 = arith.constant 0 : i32
      %lt3A_103 = vector.broadcast %lt3A_102 : i32 to vector<128x512xi32>
      %lt3A_104 = arith.cmpi slt, %bitcast_convert_type3A_101, %lt3A_103 : vector<128x512xi32>
      %and3A_105 = arith.constant 2147483647 : i32
      %and3A_106 = vector.broadcast %and3A_105 : i32 to vector<128x512xi32>
      %and3A_107 = arith.andi %bitcast_convert_type3A_101, %and3A_106 : vector<128x512xi32>
      %neg3A_108 = arith.constant 0 : i32
      %neg3A_109 = vector.broadcast %neg3A_108 : i32 to vector<128x512xi32>
      %neg3A_110 = arith.subi %neg3A_109, %and3A_107 : vector<128x512xi32>
      %select_n3A_111 = arith.select %lt3A_104, %neg3A_110, %bitcast_convert_type3A_101 : vector<128x512xi1>, vector<128x512xi32>
      %le3A_112 = vector.broadcast %while3A_14#2 : vector<128x1xi32> to vector<128x512xi32>
      %le3A_113 = arith.cmpi sle, %select_n3A_111, %le3A_112 : vector<128x512xi32>
      %bitcast_convert_type3A_114 = tpu.bitcast %get3A_97 : vector<128x512xf32> -> vector<128x512xi32>
      %lt3A_115 = arith.constant 0 : i32
      %lt3A_116 = vector.broadcast %lt3A_115 : i32 to vector<128x512xi32>
      %lt3A_117 = arith.cmpi slt, %bitcast_convert_type3A_114, %lt3A_116 : vector<128x512xi32>
      %and3A_118 = arith.constant 2147483647 : i32
      %and3A_119 = vector.broadcast %and3A_118 : i32 to vector<128x512xi32>
      %and3A_120 = arith.andi %bitcast_convert_type3A_114, %and3A_119 : vector<128x512xi32>
      %neg3A_121 = arith.constant 0 : i32
      %neg3A_122 = vector.broadcast %neg3A_121 : i32 to vector<128x512xi32>
      %neg3A_123 = arith.subi %neg3A_122, %and3A_120 : vector<128x512xi32>
      %select_n3A_124 = arith.select %lt3A_117, %neg3A_123, %bitcast_convert_type3A_114 : vector<128x512xi1>, vector<128x512xi32>
      %neg3A_125 = arith.constant 0 : i32
      %neg3A_126 = vector.broadcast %neg3A_125 : i32 to vector<128x512xi32>
      %neg3A_127 = arith.subi %neg3A_126, %select_n3A_124 : vector<128x512xi32>
      %le3A_128 = vector.broadcast %while3A_48#2 : vector<128x1xi32> to vector<128x512xi32>
      %le3A_129 = arith.cmpi sle, %neg3A_127, %le3A_128 : vector<128x512xi32>
      %and3A_130 = arith.andi %le3A_113, %le3A_129 : vector<128x512xi1>
      %sub3A = vector.broadcast %get3A_51 : vector<128x1xf32> to vector<128x512xf32>
      %sub3A_131 = arith.subf %get3A_97, %sub3A : vector<128x512xf32>
      %gt3A = arith.constant 0.000000e+00 : f32
      %gt3A_132 = vector.broadcast %gt3A : f32 to vector<128x512xf32>
      %gt3A_133 = arith.cmpf ogt, %sub3A_131, %gt3A_132 : vector<128x512xf32>
      %min3A = arith.constant 0.000000e+00 : f32
      %min3A_134 = vector.broadcast %min3A : f32 to vector<128x512xf32>
      %min3A_135 = arith.minimumf %sub3A_131, %min3A_134 : vector<128x512xf32>
      %exp3A = math.exp %min3A_135 : vector<128x512xf32>
      %mul3A_136 = arith.constant 9.99999993E-9 : f32
      %mul3A_137 = vector.broadcast %mul3A_136 : f32 to vector<128x512xf32>
      %mul3A_138 = arith.mulf %mul3A_137, %exp3A : vector<128x512xf32>
      %select_n3A_139 = arith.select %gt3A_133, %sub3A_131, %mul3A_138 : vector<128x512xi1>, vector<128x512xf32>
      %exp3A_140 = math.exp %select_n3A_139 : vector<128x512xf32>
      %sub3A_141 = arith.constant 1.000000e+00 : f32
      %sub3A_142 = vector.broadcast %sub3A_141 : f32 to vector<128x512xf32>
      %sub3A_143 = arith.subf %exp3A_140, %sub3A_142 : vector<128x512xf32>
      %jit3A_144 = arith.constant 0.000000e+00 : f32
      %broadcast_in_dim3A_145 = vector.broadcast %jit3A_144 : f32 to vector<128x512xf32>
      %select_n3A_146 = arith.select %and3A_130, %sub3A_143, %broadcast_in_dim3A_145 : vector<128x512xi1>, vector<128x512xf32>
      %dot_general3A = arith.constant dense<0.000000e+00> : vector<128x1xf32>
      %dot_general3A_147 = tpu.matmul %select_n3A_146, %broadcast_in_dim3A_53, %dot_general3A {dimension_numbers = #tpu.dot_dimension_numbers<[1], [0], [0], [1], [0, 0, 1, 1], [], []>, precision = #tpu.contract_precision<fp32>, transpose_lhs_hint = false} : vector<128x512xf32>, vector<512x1xf32>, vector<128x1xf32> -> vector<128x1xf32>
      %add3A_148 = arith.addf %scan3A_90, %dot_general3A_147 : vector<128x1xf32>
      %reduce_max3A_149 = arith.constant dense<0xFF800000> : vector<128xf32>
      %reduce_max3A_150 = vector.multi_reduction <maximumf>, %select_n3A_146, %reduce_max3A_149 [1] : vector<128x512xf32> to vector<128xf32>
      %broadcast_in_dim3A_151 = vector.shape_cast %reduce_max3A_150 : vector<128xf32> to vector<128x1xf32>
      %max3A = arith.maximumf %scan3A_91, %broadcast_in_dim3A_151 : vector<128x1xf32>
      %mul3A_152 = arith.mulf %select_n3A_146, %get3A_100 : vector<128x512xf32>
      %dot_general3A_153 = arith.constant dense<0.000000e+00> : vector<128x1xf32>
      %dot_general3A_154 = tpu.matmul %mul3A_152, %broadcast_in_dim3A_53, %dot_general3A_153 {dimension_numbers = #tpu.dot_dimension_numbers<[1], [0], [0], [1], [0, 0, 1, 1], [], []>, precision = #tpu.contract_precision<fp32>, transpose_lhs_hint = false} : vector<128x512xf32>, vector<512x1xf32>, vector<128x1xf32> -> vector<128x1xf32>
      %add3A_155 = arith.addf %scan3A_92, %dot_general3A_154 : vector<128x1xf32>
      scf.yield %add3A_148, %max3A, %add3A_155 : vector<128x1xf32>, vector<128x1xf32>, vector<128x1xf32>
    }
    %scan3A_60 = arith.constant 8 : i32
    %tanh3A = math.tanh %scan3A_59#1 : vector<128x1xf32>
    %add3A = arith.constant 9.99999993E-9 : f32
    %add3A_61 = vector.broadcast %add3A : f32 to vector<128x1xf32>
    %add3A_62 = arith.addf %scan3A_59#0, %add3A_61 : vector<128x1xf32>
    %div3A = arith.divf %tanh3A, %add3A_62 : vector<128x1xf32>
    %broadcast_in_dim3A_63 = arith.constant 0.000000e+00 : f32
    %broadcast_in_dim3A_64 = vector.broadcast %broadcast_in_dim3A_63 : f32 to vector<128x1024xf32>
    %swap3A = arith.constant 0 : index
    %swap3A_65 = arith.constant 0 : index
    %swap3A_66 = vector.load %arg7[%swap3A, %swap3A_65] : memref<128x1024xf32, #tpu.memory_space<vmem>>, vector<128x1024xf32>
    tpu.vector_store %arg7[%swap3A, %swap3A_65], %broadcast_in_dim3A_64 {strides = array<i32>} : memref<128x1024xf32, #tpu.memory_space<vmem>>, vector<128x1024xf32>,
    %scan3A_67 = arith.constant 0 : i32
    %scan3A_68 = arith.constant 8 : i32
    %scan3A_69 = arith.addi %scan3A_67, %scan3A_68 : i32
    %scan3A_70 = arith.constant 1 : i32
    scf.for %scan3A_89 = %scan3A_67 to %scan3A_69 step %scan3A_70  : i32 {
      %mul3A_90 = arith.constant 512 : i32
      %mul3A_91 = arith.muli %scan3A_89, %mul3A_90 : i32
      %get3A_92 = arith.constant 0 : index
      %get3A_93 = arith.index_cast %mul3A_91 : i32 to index
      %get3A_94 = vector.load %arg1[%get3A_92, %get3A_93] : memref<128x4096xf32, #tpu.memory_space<vmem>>, vector<128x512xf32>
      %get3A_95 = arith.constant 0 : index
      %get3A_96 = arith.index_cast %mul3A_91 : i32 to index
      %get3A_97 = vector.load %arg2[%get3A_95, %get3A_96] : memref<128x4096xf32, #tpu.memory_space<vmem>>, vector<128x512xf32>
      %bitcast_convert_type3A_98 = tpu.bitcast %get3A_97 : vector<128x512xf32> -> vector<128x512xi32>
      %lt3A_99 = arith.constant 0 : i32
      %lt3A_100 = vector.broadcast %lt3A_99 : i32 to vector<128x512xi32>
      %lt3A_101 = arith.cmpi slt, %bitcast_convert_type3A_98, %lt3A_100 : vector<128x512xi32>
      %and3A_102 = arith.constant 2147483647 : i32
      %and3A_103 = vector.broadcast %and3A_102 : i32 to vector<128x512xi32>
      %and3A_104 = arith.andi %bitcast_convert_type3A_98, %and3A_103 : vector<128x512xi32>
      %neg3A_105 = arith.constant 0 : i32
      %neg3A_106 = vector.broadcast %neg3A_105 : i32 to vector<128x512xi32>
      %neg3A_107 = arith.subi %neg3A_106, %and3A_104 : vector<128x512xi32>
      %select_n3A_108 = arith.select %lt3A_101, %neg3A_107, %bitcast_convert_type3A_98 : vector<128x512xi1>, vector<128x512xi32>
      %le3A_109 = vector.broadcast %while3A_14#2 : vector<128x1xi32> to vector<128x512xi32>
      %le3A_110 = arith.cmpi sle, %select_n3A_108, %le3A_109 : vector<128x512xi32>
      %bitcast_convert_type3A_111 = tpu.bitcast %get3A_94 : vector<128x512xf32> -> vector<128x512xi32>
      %lt3A_112 = arith.constant 0 : i32
      %lt3A_113 = vector.broadcast %lt3A_112 : i32 to vector<128x512xi32>
      %lt3A_114 = arith.cmpi slt, %bitcast_convert_type3A_111, %lt3A_113 : vector<128x512xi32>
      %and3A_115 = arith.constant 2147483647 : i32
      %and3A_116 = vector.broadcast %and3A_115 : i32 to vector<128x512xi32>
      %and3A_117 = arith.andi %bitcast_convert_type3A_111, %and3A_116 : vector<128x512xi32>
      %neg3A_118 = arith.constant 0 : i32
      %neg3A_119 = vector.broadcast %neg3A_118 : i32 to vector<128x512xi32>
      %neg3A_120 = arith.subi %neg3A_119, %and3A_117 : vector<128x512xi32>
      %select_n3A_121 = arith.select %lt3A_114, %neg3A_120, %bitcast_convert_type3A_111 : vector<128x512xi1>, vector<128x512xi32>
      %neg3A_122 = arith.constant 0 : i32
      %neg3A_123 = vector.broadcast %neg3A_122 : i32 to vector<128x512xi32>
      %neg3A_124 = arith.subi %neg3A_123, %select_n3A_121 : vector<128x512xi32>
      %le3A_125 = vector.broadcast %while3A_48#2 : vector<128x1xi32> to vector<128x512xi32>
      %le3A_126 = arith.cmpi sle, %neg3A_124, %le3A_125 : vector<128x512xi32>
      %and3A_127 = arith.andi %le3A_110, %le3A_126 : vector<128x512xi1>
      %get3A_128 = arith.constant 0 : index
      %get3A_129 = arith.constant 0 : index
      %get3A_130 = vector.load %arg7[%get3A_128, %get3A_129] : memref<128x1024xf32, #tpu.memory_space<vmem>>, vector<128x1024xf32>
      %sub3A = vector.broadcast %get3A_51 : vector<128x1xf32> to vector<128x512xf32>
      %sub3A_131 = arith.subf %get3A_94, %sub3A : vector<128x512xf32>
      %gt3A = arith.constant 0.000000e+00 : f32
      %gt3A_132 = vector.broadcast %gt3A : f32 to vector<128x512xf32>
      %gt3A_133 = arith.cmpf ogt, %sub3A_131, %gt3A_132 : vector<128x512xf32>
      %min3A = arith.constant 0.000000e+00 : f32
      %min3A_134 = vector.broadcast %min3A : f32 to vector<128x512xf32>
      %min3A_135 = arith.minimumf %sub3A_131, %min3A_134 : vector<128x512xf32>
      %exp3A = math.exp %min3A_135 : vector<128x512xf32>
      %mul3A_136 = arith.constant 9.99999993E-9 : f32
      %mul3A_137 = vector.broadcast %mul3A_136 : f32 to vector<128x512xf32>
      %mul3A_138 = arith.mulf %mul3A_137, %exp3A : vector<128x512xf32>
      %select_n3A_139 = arith.select %gt3A_133, %sub3A_131, %mul3A_138 : vector<128x512xi1>, vector<128x512xf32>
      %exp3A_140 = math.exp %select_n3A_139 : vector<128x512xf32>
      %sub3A_141 = arith.constant 1.000000e+00 : f32
      %sub3A_142 = vector.broadcast %sub3A_141 : f32 to vector<128x512xf32>
      %sub3A_143 = arith.subf %exp3A_140, %sub3A_142 : vector<128x512xf32>
      %jit3A_144 = arith.constant 0.000000e+00 : f32
      %broadcast_in_dim3A_145 = vector.broadcast %jit3A_144 : f32 to vector<128x512xf32>
      %select_n3A_146 = arith.select %and3A_127, %sub3A_143, %broadcast_in_dim3A_145 : vector<128x512xi1>, vector<128x512xf32>
      %mul3A_147 = arith.mulf %get3A_94, %select_n3A_146 : vector<128x512xf32>
      %get3A_148 = arith.index_cast %mul3A_91 : i32 to index
      %get3A_149 = arith.constant 0 : index
      %get3A_150 = vector.load %arg6[%get3A_148, %get3A_149] : memref<4096x1024xf32, #tpu.memory_space<vmem>>, vector<512x1024xf32>
      %dot_general3A = arith.constant dense<0.000000e+00> : vector<128x1024xf32>
      %dot_general3A_151 = tpu.matmul %mul3A_147, %get3A_150, %dot_general3A {dimension_numbers = #tpu.dot_dimension_numbers<[1], [0], [0], [1], [0, 0, 1, 1], [], []>, transpose_lhs_hint = false} : vector<128x512xf32>, vector<512x1024xf32>, vector<128x1024xf32> -> vector<128x1024xf32>
      %add3A_152 = arith.addf %get3A_130, %dot_general3A_151 : vector<128x1024xf32>
      %swap3A_153 = arith.constant 0 : index
      %swap3A_154 = arith.constant 0 : index
      %swap3A_155 = vector.load %arg7[%swap3A_153, %swap3A_154] : memref<128x1024xf32, #tpu.memory_space<vmem>>, vector<128x1024xf32>
      tpu.vector_store %arg7[%swap3A_153, %swap3A_154], %add3A_152 {strides = array<i32>} : memref<128x1024xf32, #tpu.memory_space<vmem>>, vector<128x1024xf32>,
    }
    %scan3A_71 = arith.constant 8 : i32
    %get3A_72 = arith.constant 0 : index
    %get3A_73 = arith.constant 0 : index
    %get3A_74 = vector.load %arg7[%get3A_72, %get3A_73] : memref<128x1024xf32, #tpu.memory_space<vmem>>, vector<128x1024xf32>
    %mul3A = vector.broadcast %div3A : vector<128x1xf32> to vector<128x1024xf32>
    %mul3A_75 = arith.mulf %get3A_74, %mul3A : vector<128x1024xf32>
    %swap3A_76 = arith.constant 0 : index
    %swap3A_77 = arith.constant 0 : index
    %swap3A_78 = vector.load %arg7[%swap3A_76, %swap3A_77] : memref<128x1024xf32, #tpu.memory_space<vmem>>, vector<128x1024xf32>
    tpu.vector_store %arg7[%swap3A_76, %swap3A_77], %mul3A_75 {strides = array<i32>} : memref<128x1024xf32, #tpu.memory_space<vmem>>, vector<128x1024xf32>,
    %mul3A_79 = arith.mulf %div3A, %scan3A_59#2 : vector<128x1xf32>
    %reduce_sum3A = vector.shape_cast %mul3A_79 : vector<128x1xf32> to vector<1x128x1xf32>
    %reduce_sum3A_80 = arith.constant dense<0.000000e+00> : vector<1xf32>
    %reduce_sum3A_81 = vector.multi_reduction <add>, %reduce_sum3A, %reduce_sum3A_80 [1, 2] : vector<1x128x1xf32> to vector<1xf32>
    %reduce_sum3A_82 = vector.shape_cast %reduce_sum3A_81 : vector<1xf32> to vector<1x1x1xf32>
    %reduce_sum3A_83 = vector.extract %reduce_sum3A_82[0, 0, 0] : f32 from vector<1x1x1xf32>
    %broadcast_in_dim3A_84 = vector.broadcast %reduce_sum3A_83 : f32 to vector<1x1x1xf32>
    %swap3A_85 = arith.constant 0 : index
    %swap3A_86 = arith.constant 0 : index
    %swap3A_87 = arith.constant 0 : index
    %swap3A_88 = vector.load %arg8[%swap3A_85, %swap3A_86, %swap3A_87] : memref<1x1x1xf32, #tpu.memory_space<vmem>>, vector<1x1x1xf32>
    tpu.vector_store %arg8[%swap3A_85, %swap3A_86, %swap3A_87], %broadcast_in_dim3A_84 {strides = array<i32>} : memref<1x1x1xf32, #tpu.memory_space<vmem>>, vector<1x1x1xf32>,
    return
  }
  func.func @transform_0(%arg0: i32) -> (i32, i32) {
    %c0_i32 = arith.constant 0 : i32
    %c0_i32_0 = arith.constant 0 : i32
    return %arg0, %c0_i32 : i32, i32
  }
  func.func @transform_1(%arg0: i32) -> (i32, i32) {
    %c0_i32 = arith.constant 0 : i32
    %c0_i32_0 = arith.constant 0 : i32
    return %arg0, %c0_i32 : i32, i32
  }
  func.func @transform_2(%arg0: i32) -> (i32, i32) {
    %c0_i32 = arith.constant 0 : i32
    %c0_i32_0 = arith.constant 0 : i32
    return %arg0, %c0_i32 : i32, i32
  }
  func.func @transform_3(%arg0: i32) -> (i32, i32) {
    %c0_i32 = arith.constant 0 : i32
    %c0_i32_0 = arith.constant 0 : i32
    return %arg0, %c0_i32 : i32, i32
  }
  func.func @transform_4(%arg0: i32) -> (i32, i32) {
    %c0_i32 = arith.constant 0 : i32
    %c0_i32_0 = arith.constant 0 : i32
    return %arg0, %c0_i32 : i32, i32
  }
  func.func @transform_5(%arg0: i32) -> (i32, i32) {
    %c0_i32 = arith.constant 0 : i32
    %c0_i32_0 = arith.constant 0 : i32
    %c0_i32_1 = arith.constant 0 : i32
    return %c0_i32, %c0_i32_0 : i32, i32
  }
  func.func @transform_6(%arg0: i32) -> (i32, i32) {
    %c0_i32 = arith.constant 0 : i32
    %c0_i32_0 = arith.constant 0 : i32
    return %arg0, %c0_i32 : i32, i32
  }
  func.func @transform_7(%arg0: i32) -> (i32, i32, i32) {
    %c0_i32 = arith.constant 0 : i32
    %c0_i32_0 = arith.constant 0 : i32
    %c0_i32_1 = arith.constant 0 : i32
    return %arg0, %c0_i32, %c0_i32_0 : i32, i32, i32
  }
}

module attributes {stable_mosaic.version = 14 : i64} {
  func.func @_stage_b_body(%arg0: i32, %arg1: i32, %arg2: memref<1x256x64xf32, #tpu.memory_space<vmem>>, %arg3: memref<1x64x2048xf32, #tpu.memory_space<vmem>>, %arg4: memref<1x2048x64xf32, #tpu.memory_space<vmem>>, %arg5: memref<1x256x64xf32, #tpu.memory_space<vmem>>) attributes {dimension_semantics = [#tpu.dimension_semantics<arbitrary>, #tpu.dimension_semantics<arbitrary>], iteration_bounds = array<i64: 16, 8>, scalar_prefetch = 0 : i64, scratch_operands = 0 : i64, tpu.core_type = #tpu.core_type<tc>, window_params = [{transform_indices = @transform_0, window_bounds = array<i64: 1, 256, 64>}, {transform_indices = @transform_1, window_bounds = array<i64: 1, 64, 2048>}, {transform_indices = @transform_2, window_bounds = array<i64: 1, 2048, 64>}, {transform_indices = @transform_3, window_bounds = array<i64: 1, 256, 64>}]} {
    %get3A = arith.constant 0 : index
    %get3A_0 = arith.constant 0 : index
    %get3A_1 = arith.constant 0 : index
    %get3A_2 = vector.load %arg2[%get3A, %get3A_0, %get3A_1] : memref<1x256x64xf32, #tpu.memory_space<vmem>>, vector<1x256x64xf32>
    %get3A_3 = vector.shape_cast %get3A_2 : vector<1x256x64xf32> to vector<256x64xf32>
    %get3A_4 = arith.constant 0 : index
    %get3A_5 = arith.constant 0 : index
    %get3A_6 = arith.constant 0 : index
    %get3A_7 = vector.load %arg3[%get3A_4, %get3A_5, %get3A_6] : memref<1x64x2048xf32, #tpu.memory_space<vmem>>, vector<1x64x2048xf32>
    %get3A_8 = vector.shape_cast %get3A_7 : vector<1x64x2048xf32> to vector<64x2048xf32>
    %get3A_9 = arith.constant 0 : index
    %get3A_10 = arith.constant 0 : index
    %get3A_11 = arith.constant 0 : index
    %get3A_12 = vector.load %arg4[%get3A_9, %get3A_10, %get3A_11] : memref<1x2048x64xf32, #tpu.memory_space<vmem>>, vector<1x2048x64xf32>
    %get3A_13 = vector.shape_cast %get3A_12 : vector<1x2048x64xf32> to vector<2048x64xf32>
    %dot_general3A = arith.constant dense<0.000000e+00> : vector<256x2048xf32>
    %dot_general3A_14 = tpu.matmul %get3A_3, %get3A_8, %dot_general3A {dimension_numbers = #tpu.dot_dimension_numbers<[1], [0], [0], [1], [0, 0, 1, 1], [], []>, transpose_lhs_hint = false} : vector<256x64xf32>, vector<64x2048xf32>, vector<256x2048xf32> -> vector<256x2048xf32>
    %mul3A = arith.constant 1.250000e-01 : f32
    %mul3A_15 = vector.broadcast %mul3A : f32 to vector<256x2048xf32>
    %mul3A_16 = arith.mulf %dot_general3A_14, %mul3A_15 : vector<256x2048xf32>
    %iota3A = tpu.iota {dimensions = array<i32: 0>} : vector<256x2048xi32>
    %mul3A_17 = arith.constant 256 : i32
    %mul3A_18 = arith.muli %arg1, %mul3A_17 : i32
    %add3A = vector.broadcast %mul3A_18 : i32 to vector<256x2048xi32>
    %add3A_19 = arith.addi %iota3A, %add3A : vector<256x2048xi32>
    %iota3A_20 = tpu.iota {dimensions = array<i32: 1>} : vector<256x2048xi32>
    %le3A = arith.cmpi sle, %iota3A_20, %add3A_19 : vector<256x2048xi32>
    %jit3A = arith.constant -3.40282347E+38 : f32
    %broadcast_in_dim3A = vector.broadcast %jit3A : f32 to vector<256x2048xf32>
    %select_n3A = arith.select %le3A, %mul3A_16, %broadcast_in_dim3A : vector<256x2048xi1>, vector<256x2048xf32>
    %reduce_max3A = arith.constant dense<0xFF800000> : vector<256xf32>
    %reduce_max3A_21 = vector.multi_reduction <maximumf>, %select_n3A, %reduce_max3A [1] : vector<256x2048xf32> to vector<256xf32>
    %broadcast_in_dim3A_22 = vector.shape_cast %reduce_max3A_21 : vector<256xf32> to vector<256x1xf32>
    %sub3A = vector.broadcast %broadcast_in_dim3A_22 : vector<256x1xf32> to vector<256x2048xf32>
    %sub3A_23 = arith.subf %select_n3A, %sub3A : vector<256x2048xf32>
    %exp3A = math.exp %sub3A_23 : vector<256x2048xf32>
    %broadcast_in_dim3A_24 = arith.constant 1.000000e+00 : f32
    %broadcast_in_dim3A_25 = vector.broadcast %broadcast_in_dim3A_24 : f32 to vector<2048x1xf32>
    %dot_general3A_26 = arith.constant dense<0.000000e+00> : vector<256x1xf32>
    %dot_general3A_27 = tpu.matmul %exp3A, %broadcast_in_dim3A_25, %dot_general3A_26 {dimension_numbers = #tpu.dot_dimension_numbers<[1], [0], [0], [1], [0, 0, 1, 1], [], []>, precision = #tpu.contract_precision<fp32>, transpose_lhs_hint = false} : vector<256x2048xf32>, vector<2048x1xf32>, vector<256x1xf32> -> vector<256x1xf32>
    %dot_general3A_28 = arith.constant dense<0.000000e+00> : vector<256x64xf32>
    %dot_general3A_29 = tpu.matmul %exp3A, %get3A_13, %dot_general3A_28 {dimension_numbers = #tpu.dot_dimension_numbers<[1], [0], [0], [1], [0, 0, 1, 1], [], []>, transpose_lhs_hint = false} : vector<256x2048xf32>, vector<2048x64xf32>, vector<256x64xf32> -> vector<256x64xf32>
    %div3A = vector.broadcast %dot_general3A_27 : vector<256x1xf32> to vector<256x64xf32>
    %div3A_30 = arith.divf %dot_general3A_29, %div3A : vector<256x64xf32>
    %broadcast_in_dim3A_31 = vector.shape_cast %div3A_30 : vector<256x64xf32> to vector<1x256x64xf32>
    %swap3A = arith.constant 0 : index
    %swap3A_32 = arith.constant 0 : index
    %swap3A_33 = arith.constant 0 : index
    %swap3A_34 = vector.load %arg5[%swap3A, %swap3A_32, %swap3A_33] : memref<1x256x64xf32, #tpu.memory_space<vmem>>, vector<1x256x64xf32>
    tpu.vector_store %arg5[%swap3A, %swap3A_32, %swap3A_33], %broadcast_in_dim3A_31 {strides = array<i32>} : memref<1x256x64xf32, #tpu.memory_space<vmem>>, vector<1x256x64xf32>,
    return
  }
  func.func @transform_0(%arg0: i32, %arg1: i32) -> (i32, i32, i32) {
    %c0_i32 = arith.constant 0 : i32
    %c0_i32_0 = arith.constant 0 : i32
    return %arg0, %arg1, %c0_i32 : i32, i32, i32
  }
  func.func @transform_1(%arg0: i32, %arg1: i32) -> (i32, i32, i32) {
    %c0_i32 = arith.constant 0 : i32
    %c0_i32_0 = arith.constant 0 : i32
    %c0_i32_1 = arith.constant 0 : i32
    return %arg0, %c0_i32, %c0_i32_0 : i32, i32, i32
  }
  func.func @transform_2(%arg0: i32, %arg1: i32) -> (i32, i32, i32) {
    %c0_i32 = arith.constant 0 : i32
    %c0_i32_0 = arith.constant 0 : i32
    %c0_i32_1 = arith.constant 0 : i32
    return %arg0, %c0_i32, %c0_i32_0 : i32, i32, i32
  }
  func.func @transform_3(%arg0: i32, %arg1: i32) -> (i32, i32, i32) {
    %c0_i32 = arith.constant 0 : i32
    %c0_i32_0 = arith.constant 0 : i32
    return %arg0, %arg1, %c0_i32 : i32, i32, i32
  }
}

module attributes {stable_mosaic.version = 14 : i64} {
  func.func @_stage_c_body(%arg0: i32, %arg1: memref<128x1024xf32, #tpu.memory_space<vmem>>, %arg2: memref<1024x1024xf32, #tpu.memory_space<vmem>>, %arg3: memref<128x1024xf32, #tpu.memory_space<vmem>>) attributes {dimension_semantics = [#tpu.dimension_semantics<arbitrary>], iteration_bounds = array<i64: 16>, scalar_prefetch = 0 : i64, scratch_operands = 0 : i64, tpu.core_type = #tpu.core_type<tc>, window_params = [{transform_indices = @transform_0, window_bounds = array<i64: 128, 1024>}, {pipeline_mode = #tpu.pipeline_mode<synchronous>, transform_indices = @transform_1, window_bounds = array<i64: 1024, 1024>}, {transform_indices = @transform_2, window_bounds = array<i64: 128, 1024>}]} {
    %get3A = arith.constant 0 : index
    %get3A_0 = arith.constant 0 : index
    %get3A_1 = vector.load %arg1[%get3A, %get3A_0] : memref<128x1024xf32, #tpu.memory_space<vmem>>, vector<128x1024xf32>
    %get3A_2 = arith.constant 0 : index
    %get3A_3 = arith.constant 0 : index
    %get3A_4 = vector.load %arg2[%get3A_2, %get3A_3] : memref<1024x1024xf32, #tpu.memory_space<vmem>>, vector<1024x1024xf32>
    %dot_general3A = arith.constant dense<0.000000e+00> : vector<128x1024xf32>
    %dot_general3A_5 = tpu.matmul %get3A_1, %get3A_4, %dot_general3A {dimension_numbers = #tpu.dot_dimension_numbers<[1], [0], [0], [1], [0, 0, 1, 1], [], []>, transpose_lhs_hint = false} : vector<128x1024xf32>, vector<1024x1024xf32>, vector<128x1024xf32> -> vector<128x1024xf32>
    %swap3A = arith.constant 0 : index
    %swap3A_6 = arith.constant 0 : index
    %swap3A_7 = vector.load %arg3[%swap3A, %swap3A_6] : memref<128x1024xf32, #tpu.memory_space<vmem>>, vector<128x1024xf32>
    tpu.vector_store %arg3[%swap3A, %swap3A_6], %dot_general3A_5 {strides = array<i32>} : memref<128x1024xf32, #tpu.memory_space<vmem>>, vector<128x1024xf32>,
    return
  }
  func.func @transform_0(%arg0: i32) -> (i32, i32) {
    %c0_i32 = arith.constant 0 : i32
    %c0_i32_0 = arith.constant 0 : i32
    return %arg0, %c0_i32 : i32, i32
  }
  func.func @transform_1(%arg0: i32) -> (i32, i32) {
    %c0_i32 = arith.constant 0 : i32
    %c0_i32_0 = arith.constant 0 : i32
    %c0_i32_1 = arith.constant 0 : i32
    return %c0_i32, %c0_i32_0 : i32, i32
  }
  func.func @transform_2(%arg0: i32) -> (i32, i32) {
    %c0_i32 = arith.constant 0 : i32
    %c0_i32_0 = arith.constant 0 : i32
    return %arg0, %c0_i32 : i32, i32
  }
}

</mosaic_0001>

<sc_bundles>
// kernel: kernel.8.cloned.1.call-start
scs
__scs_entry_jumppad:
0x0: {  	(pc) =	sbr.rel $0x88, $3  }
0x1: {  	(tag) =	ssettag $0x0;
	lr =	simm.s32 $0x1  }
0x2: {  	[smem:$0x3F96] =	sst lr;
	_ =	strace $0xD0000000  }
0x3: {  	_ = 	snop  }
0x4: {  	_ = 	snop  }
0x5: {  	_ = 	snop  }
0x6: {  	_ = 	snop  }
0x7: {  	_ = 	snop  }
__scs_overlays_trampoline_lowered:
0x8: {  	[smem:$0x3FA5] =	sst s0  }
0x9: {  	[smem:$0x3FA6] =	sst s1  }
0xa: {  	[smem:$0x3FA7] =	sst s2  }
0xb: {  	[smem:$0x3FA8] =	sst s3  }
0xc: {  	[smem:$0x3FA9] =	sst s4  }
0xd: {  	[smem:$0x3FAA] =	sst s5  }
0xe: {  	[smem:$0x3FAB] =	sst s6  }
0xf: {  	[smem:$0x3FAC] =	sst s7  }
0x10: {  	[smem:$0x3FAD] =	sst s8  }
0x11: {  	[smem:$0x3FAE] =	sst s9;
	s0 =	simm.s32 @!p0 $0x0  }
0x12: {  	s1 =	sld [smem:$0x3F94];
	s0 =	simm.s32 @p0 $0x1  }
0x13: {  	[smem:$0x3FAF] =	sst s0;
	s0 =	simm.s32 @!p1 $0x0  }
0x14: {  	s2 =	sld [smem:$0x3F93];
	s0 =	simm.s32 @p1 $0x1  }
0x15: {  	[smem:$0x3FB0] =	sst s0;
	s0 =	simm.s32 @!p2 $0x0  }
0x16: {  	s3 =	sld [smem:$0x3FDB];
	s0 =	simm.s32 @p2 $0x1  }
0x17: {  	s4 =	simm.s32 $0x1BF5;
	[smem:$0x3FB2] =	sst s0  }
0x18: {  	s0 =	sld [smem:$0x3F95];
	_ =	swait.ge [sflag:s4], $0x0  }
0x19: {  	s7 =	sld [smem:$0x3F96]  }
0x1a: {  	s8 =	sadd.s32 $0xFFFFE003, lr  }
0x1b: {  	s9 =	sadd.s32 $0xFFFFFEF7, lr;
	s5 =	simm.s32 $0xFFFFFFFF;
	p2 =	slt.u32 s8, $0xFFFFF086  }
0x1c: {  	p1 =	slt.u32 s9, $0xF7A;
	s5 =	simm.s32 @!p2 $0x0  }
0x1d: {  	s5 =	simm.s32 @p1 $0x1;
	p0 =	seq.s32 s7, s2  }
0x1e: {  	s7 =	smul.u32 @!p0 $0xF7A, s2;
	p2 =	seq.s32 @!p0 s5, $0x0  }
0x1f: {  	s9 =	smul.u32 $0xF7A, s1;
	s8 =	simm.s32 @!p0 $0x1BF5;
	p2 =	por !p2, p0  }
0x20: {  	[sflag:s8] =	ssyncset.s32 @!p0 $0xFFFFF086;
	s6 =	sadd.s32 @!p0 s3, s7;
	s7 =	simm.s32 @!p0 $0x108  }
0x21: {  	s3 =	sadd.s32 s3, s9;
	s6 =	sadd.s32 @!p0 $0x88, s6;
	s7 =	simm.s32 @p2 $0x1082  }
0x22: {  	[simem:s7], [sflag:s8] =	dma.local @!p0 [hbm:s6], $0xF7A  }
0x23: {  	s9 =	sor.u32 $0xD0000000, s2;
	s6 =	simm.s32 $0x108;
	_ =	swait.ge @!p0 [sflag:s8], $0x0  }
0x24: {  	s3 =	sadd.s32 $0x88, s3;
	s6 =	simm.s32 @!p1 $0x1082;
	[sflag:s4] =	ssyncset.s32 $0xFFFFF086  }
0x25: {  	[simem:s6], [sflag:s4] =	dma.local [hbm:s3], $0xF7A  }
0x26: {  	[smem:$0x3F96] =	sst s1;
	(tag) =	ssettag s2;
	_ =	strace s9  }
0x27: {  	s1 =	sld [smem:$0x3FA6]  }
0x28: {  	s2 =	sld [smem:$0x3FA7]  }
0x29: {  	s4 =	sld [smem:$0x3FA9]  }
0x2a: {  	p0 =	seq.s32 s5, $0x0;
	s5 =	sld [smem:$0x3FAA]  }
0x2b: {  	s6 =	sld [smem:$0x3FAB]  }
0x2c: {  	s7 =	sld [smem:$0x3FAC]  }
0x2d: {  	s3 =	simm.s32 $0x108;
	s8 =	sld [smem:$0x3FAD]  }
0x2e: {  	s3 =	simm.s32 @!p0 $0x1082;
	s9 =	sld [smem:$0x3FAE]  }
0x2f: {  	lr =	sadd.s32 s0, s3;
	s0 =	sld [smem:$0x3FA5]  }
0x30: {  	s3 =	sld [smem:$0x3FA8]  }
0x31: {  	[smem:$0x3FB1] =	sst s10  }
0x32: {  	s10 =	sld [smem:$0x3FAF];
	_ =	sdelay $0x3  }
0x33: {  	p0 =	seq.s32 s10, $0x1;
	s10 =	sld [smem:$0x3FB1];
	_ =	sdelay $0x3  }
0x34: {  	[smem:$0x3FB1] =	sst s10  }
0x35: {  	s10 =	sld [smem:$0x3FB0];
	_ =	sdelay $0x3  }
0x36: {  	p1 =	seq.s32 s10, $0x1;
	s10 =	sld [smem:$0x3FB1];
	_ =	sdelay $0x3  }
0x37: {  	[smem:$0x3FB1] =	sst s10  }
0x38: {  	s10 =	sld [smem:$0x3FB2]  }
0x39: {  	_ = 	snop;
	(pc) =	sbr.ind lr, $3  }
0x3a: {  	_ = 	snop  }
0x3b: {  	_ = 	snop  }
0x3c: {  	p2 =	seq.s32 s10, $0x1;
	s10 =	sld [smem:$0x3FB1]  }
0x3d: {  	_ =	shalt  }
0x3e: {  	_ =	shalt  }
0x3f: {  	_ =	shalt  }
0x40: {  	_ =	shalt  }
0x41: {  	_ =	shalt  }
0x42: {  	_ =	shalt  }
0x43: {  	_ =	shalt  }
0x44: {  	_ =	shalt  }
0x45: {  	_ =	shalt  }
0x46: {  	_ =	shalt  }
0x47: {  	_ =	shalt  }
0x48: {  	_ =	shalt  }
0x49: {  	_ =	shalt  }
0x4a: {  	_ =	shalt  }
0x4b: {  	_ =	shalt  }
0x4c: {  	_ =	shalt  }
0x4d: {  	_ =	shalt  }
0x4e: {  	_ =	shalt  }
0x4f: {  	_ =	shalt  }
0x50: {  	_ =	shalt  }
0x51: {  	_ =	shalt  }
0x52: {  	_ =	shalt  }
0x53: {  	_ =	shalt  }
0x54: {  	_ =	shalt  }
0x55: {  	_ =	shalt  }
0x56: {  	_ =	shalt  }
0x57: {  	_ =	shalt  }
0x58: {  	_ =	shalt  }
0x59: {  	_ =	shalt  }
0x5a: {  	_ =	shalt  }
0x5b: {  	_ =	shalt  }
0x5c: {  	_ =	shalt  }
0x5d: {  	_ =	shalt  }
0x5e: {  	_ =	shalt  }
0x5f: {  	_ =	shalt  }
0x60: {  	_ =	shalt  }
0x61: {  	_ =	shalt  }
0x62: {  	_ =	shalt  }
0x63: {  	_ =	shalt  }
0x64: {  	_ =	shalt  }
0x65: {  	_ =	shalt  }
0x66: {  	_ =	shalt  }
0x67: {  	_ =	shalt  }
0x68: {  	_ =	shalt  }
0x69: {  	_ =	shalt  }
0x6a: {  	_ =	shalt  }
0x6b: {  	_ =	shalt  }
0x6c: {  	_ =	shalt  }
0x6d: {  	_ =	shalt  }
0x6e: {  	_ =	shalt  }
0x6f: {  	_ =	shalt  }
0x70: {  	_ =	shalt  }
0x71: {  	_ =	shalt  }
0x72: {  	_ =	shalt  }
0x73: {  	_ =	shalt  }
0x74: {  	_ =	shalt  }
0x75: {  	_ =	shalt  }
0x76: {  	_ =	shalt  }
0x77: {  	_ =	shalt  }
0x78: {  	_ =	shalt  }
0x79: {  	_ =	shalt  }
0x7a: {  	_ =	shalt  }
0x7b: {  	_ =	shalt  }
0x7c: {  	_ =	shalt  }
0x7d: {  	_ =	shalt  }
0x7e: {  	_ =	shalt  }
0x7f: {  	_ =	shalt  }
0x80: {  	_ =	shalt  }
0x81: {  	_ =	shalt  }
0x82: {  	_ =	shalt  }
0x83: {  	_ =	shalt  }
0x84: {  	_ =	shalt  }
0x85: {  	_ =	shalt  }
0x86: {  	_ =	shalt  }
0x87: {  	_ =	shalt  }
.Lfunc_end0:
.L_simem_size_0:
called_computation_lowered:
.L_overlay_start_0:
0x88: {  	s2 =	sld [smem:$0x3FD9]  }
0x89: {  	s3 =	sld [smem:$0x3FFE];
	_ =	sdelay $0x1  }
0x8a: {  	s1 =	srdreg.scid  }
0x8b: {  	s0 =	sand.u32 $0x1, s1  }
0x8c: {  	s14 =	sshll.u32 s0, $0xA;
	s2 =	sadd.s32 s3, s2  }
0x8d: {  	s2 =	sadd.s32 s2, s14  }
0x8e: {  	[smem:$0x3FBD] =	sst s2  }
0x8f: {  	_ = 	snop  }
0x90: {  	s2 =	sld [smem:$0x3FD0];
	_ =	sdelay $0x2  }
0x91: {  	s15 =	simm.s32 $0xA;
	s4 =	simm.s32 $0x10  }
0x92: {  	[smem:s4], [sflag:s15] =	dma.local [hbm:s2], $0x1  }
0x93: {  	_ =	swait.eq [sflag:s15], $0x1  }
0x94: {  	[sflag:s15] =	ssyncset.done $0x0  }
0x95: {  	[sflag:s15] =	ssyncadd.s32 $0xFFFFFFFF  }
0x96: {  	s16 =	sld [smem:$0x10];
	(tm) =	ssettm $0x1  }
0x97: {  	s17 =	sld [smem:$0x3FFB];
	_ =	sdelay $0x3  }
0x98: {  	_ =	strace s17  }
0x99: {  	s3 =	sld [smem:$0x3FFC];
	_ =	sdelay $0x3  }
0x9a: {  	_ =	strace s3  }
0x9b: {  	s3 =	sld [smem:$0x3FFD];
	_ =	sdelay $0x3  }
0x9c: {  	_ =	strace s3  }
0x9d: {  	_ =	strace $0x8FFFFFFF  }
0x9e: {  	s18 =	sld [smem:$0x3FDB];
	_ =	sdelay $0x1  }
0x9f: {  	s19 =	simm.s32 $_scs_section_size  }
0xa0: {  	s5 =	simm.s32 $_size__tile_overlayer_lowered;
	s6 =	simm.s32 $_tile_overlayer_lowered  }
0xa1: {  	s22 =	simm.s32 $0x1BFF;
	s21 =	sshll.u32 s6, $0x1;
	s3 =	sadd.s32 s19, s18  }
0xa2: {  	s7 =	simm.s32 $0x0;
	s20 =	sshll.u32 s5, $0x1;
	s5 =	sadd.s32 s21, s3  }
0xa3: {  	[timem:s7], [sflag:s22] =	dma.local [hbm:s5], s20  }
0xa4: {  	_ =	swait.ge [sflag:s22], s20  }
0xa5: {  	s4 =	ssub.s32 $0x0, s20;
	[sflag:s22] =	ssyncset.done $0x0  }
0xa6: {  	[sflag:s22] =	ssyncadd.s32 s4;
	_ =	sdelay $0x1  }
0xa7: {  	s23 =	simm.s32 $0x1B8B  }
0xa8: {  	_ =	swait.ge [sflag:s23], $0x1  }
0xa9: {  	[sflag:s23] =	ssyncset.done $0x0  }
0xaa: {  	s25 =	simm.s32 $0x1B8E;
	s24 =	sld [smem:$0x3FFE];
	[sflag:s23] =	ssyncadd.s32 $0xFFFFFFFF  }
0xab: {  	s26 =	simm.s32 $execute0_lowered;
	[smem:$0x3FD2] =	sst s25  }
0xac: {  	s5 =	sshll.u32 s26, $0x1;
	_ =	strace $0x80000046;
	[dreg:$0x1] =	wrdreg $0xFFFFFFFF  }
0xad: {  	s28 =	simm.s32 $_size_execute0_lowered;
	s3 =	sadd.s32 s3, s5;
	[dreg:$0x0] =	wrdreg $0x0  }
0xae: {  	s5 =	sshll.u32 s28, $0x1;
	[dreg:$0x2] =	wrdreg s3  }
0xaf: {  	[dreg:$0x3] =	wrdreg s5  }
0xb0: {  	[dreg:$0x4] =	wrdreg $0xC0  }
0xb1: {  	_ =	task [dreg:s7], $0x5FFFF  }
0xb2: {  	[dreg:$0x1] =	wrdreg $0xFFFFFFFF  }
0xb3: {  	[dreg:$0x0] =	wrdreg $0x60  }
0xb4: {  	[dreg:$0x2] =	wrdreg s24  }
0xb5: {  	[dreg:$0x3] =	wrdreg s16  }
0xb6: {  	[dreg:$0x4] =	wrdreg $0x9  }
0xb7: {  	_ =	task.clear_ibuf [dreg:s7], $0x5FFFF;
	_ =	strace $0x90000046  }
0xb8: {  	s29 =	simm.s32 $0x9;
	_ =	strace $0x80000048  }
0xb9: {  	_ =	swait.ge [sflag:s29], $0x1  }
0xba: {  	[sflag:s29] =	ssyncadd.s32 $0xFFFFFFFF  }
0xbb: {  	_ =	strace $0x90000048  }
0xbc: {  	_ =	sfence  }
0xbd: {  	s30 =	sld [smem:$0x0];
	_ =	sdelay $0x2  }
0xbe: {  	s31 =	sshll.u32 s1, $0xD;
	s1 =	sshrl.u32 s1, $0x2  }
0xbf: {  	s3 =	sand.u32 $0x4000, s31;
	s1 =	sadd.s32 s1, s30  }
0xc0: {  	s0 =	sor.u32 s3, s0;
	s1 =	sshll.u32 s1, $0x11  }
0xc1: {  	s0 =	sor.u32 s1, s0  }
0xc2: {  	s0 =	sadd.s32 $0x8F2B, s0  }
0xc3: {  	[sflag:s0] =	ssyncadd.remote.s32 $0x1  }
0xc4: {  	_ =	sfence.sel $0xFFFF  }
0xc5: {  	[dreg:$0x0] =	wrdreg $0xFFFFFFFF;
	(pc) =	sbr.abs _section_cstart, $3  }
0xc6: {  	[dreg:$0x1] =	wrdreg $0xFFFFFFFF  }
0xc7: {  	_ =	task.clear_ibuf [dreg:s7], $0x2FFFF;
	_ =	strace $0x9FFFFFFF  }
0xc8: {  	(tm) =	ssettm $0x7FFFFFFF  }
0xc9: {  	_ =	shalt  }
tec
execute0_lowered:
.L_overlay_start_1:
0x0: {  	(tag) =	ssettag $0x1  }
0x1: {  	s7 =	rddreg [dreg:$0x0]  }
0x2: {  	s1 =	rddreg [dreg:$0x1]  }
0x3: {  	s0 =	rddreg [dreg:$0x2]  }
0x4: {  	s2 =	simm.s32 $0x0;
	s8 =	srdreg.scid;
	s14 =	simm.s32 $0x400  }
0x5: {  	s15 =	simm.s32 $0x1000;
	s16 =	simm.s32 $0x2000;
	s17 =	simm.s32 $0x3000  }
0x6: {  	s18 =	simm.s32 $0x1;
	s19 =	simm.s32 $0x4000;
	s20 =	simm.s32 $0x4200  }
0x7: {  	s21 =	simm.s32 $0x3;
	[smem:$0x7FF] =	sst s2;
	s3 =	sadd.s32 $0x202E00, s7  }
0x8: {  	s22 =	simm.s32 $0x2;
	s4 =	sadd.s32 $0x102E00, s7;
	s5 =	sadd.s32 $0x402E00, s7  }
0x9: {  	s6 =	sadd.s32 $0x302E00, s7;
	s11 =	sand.u32 $0x1, s8;
	s8 =	sadd.s32 $0x2E00, s7  }
0xa: {  	s9 =	sadd.s32 $0x22E00, s7;
	s10 =	sadd.s32 $0x42E00, s7;
	s12 =	ssub.s32 $0x2, s11  }
0xb: {  	s7 =	stileid.u32;
	_ =	strace $0x80000047;
	s13 =	sshrl.u32 s12, $0x1  }
0xc: {  	s31 =	sshll.u32 s7, $0x7;
	s11 =	sshll.u32 s11, $0x6;
	s12 =	ssub.s32 s12, s13  }
0xd: {  	v0 =	vimm.f32 $3.000000010e+38;
	v1 =	vimm.s32 $0x0;
	s11 =	sor.u32 s11, s31;
	s13 =	simm.s32 $0x80;
	s12 =	smax.u32 s12, $0x1  }
.LBB2_1:
0xe: {  	s23 =	simm.s32 $0x0  }
.LBB2_2:
0xf: {  	s24 =	sadd.s32 s11, s23  }
0x10: {  	s25 =	sshll.u32 s23, $0x7;
	s24 =	sshrl.u32 s24, $0x3  }
0x11: {  	s25 =	sand.u32 $0x380, s25;
	s26 =	sshll.u32 s24, $0xF  }
0x12: {  	s26 =	sor.u32 s25, s26  }
0x13: {  	s26 =	sshrl.u32 s26, $0x3  }
0x14: {  	s29 =	simm.s32 $0x0;
	s28 =	sadd.s32 s3, s26  }
0x15: {  	[tilespmem:s29], [sflag:$0x1] =	stream.strided.gather [hbm4b:s28+s13], $0x1000, s14, s13, $0x38;
	[tilespmem:$0x4400] =	vst v63  }
0x16: {  	s28 =	sadd.s32 s4, s26  }
0x17: {  	[tilespmem:s15], [sflag:$0x1] =	stream.strided.gather [hbm4b:s28+s13], $0x1000, s14, s13, $0x38;
	[tilespmem:$0x4400] =	vst v63  }
0x18: {  	s28 =	sadd.s32 s5, s26  }
0x19: {  	[tilespmem:s16], [sflag:$0x2] =	stream.strided.gather [hbm4b:s28+s13], $0x1000, s14, s13, $0x38;
	[tilespmem:$0x4400] =	vst v63  }
0x1a: {  	s26 =	sadd.s32 s6, s26  }
0x1b: {  	[tilespmem:s17], [sflag:$0x2] =	stream.strided.gather [hbm4b:s26+s13], $0x1000, s14, s13, $0x38;
	[tilespmem:$0x4400] =	vst v63  }
0x1c: {  	_ =	swait.ge [sflag:s18], $0x1000  }
0x1d: {  	[sflag:s18] =	ssyncset.done $0x0  }
0x1e: {  	[sflag:s18] =	ssyncadd.s32 $0xFFFFF000  }
0x1f: {  	_ =	swait.ge [sflag:s18], $0x1000  }
0x20: {  	[sflag:s18] =	ssyncset.done $0x0  }
0x21: {  	s30 =	simm.s32 $0x0;
	[sflag:s18] =	ssyncadd.s32 $0xFFFFF000  }
0x22: {  	v2 =	vld [tilespmem:s30+$0x0]  }
0x23: {  	v3 =	vld [tilespmem:s30+$0x10]  }
0x24: {  	v4 =	vld [tilespmem:s30+$0x20]  }
0x25: {  	v5 =	vld [tilespmem:s30+$0x30]  }
0x26: {  	v6 =	vld [tilespmem:s30+$0x40]  }
0x27: {  	v7 =	vld [tilespmem:s30+$0x50]  }
0x28: {  	v8 =	vld [tilespmem:s30+$0x60]  }
0x29: {  	s28 =	simm.s32 $0x100;
	v9 =	vld [tilespmem:s30+$0x70]  }
0x2a: {  	v10 =	vld [tilespmem:s28+$0x70];
	v2 =	vmin.f32 v2, $3.000000010e+38  }
0x2b: {  	v11 =	vld [tilespmem:s28+$0x80];
	v2 =	vmin.f32 v2, v3  }
0x2c: {  	v3 =	vld [tilespmem:s30+$0x80];
	v2 =	vmin.f32 v2, v4  }
0x2d: {  	v4 =	vld [tilespmem:s30+$0x90];
	v2 =	vmin.f32 v2, v5  }
0x2e: {  	v5 =	vld [tilespmem:s30+$0xA0];
	v2 =	vmin.f32 v2, v6  }
0x2f: {  	v6 =	vld [tilespmem:s30+$0xB0];
	v2 =	vmin.f32 v2, v7  }
0x30: {  	v7 =	vld [tilespmem:s30+$0xC0];
	v2 =	vmin.f32 v2, v8  }
0x31: {  	v8 =	vld [tilespmem:s30+$0xD0];
	v2 =	vmin.f32 v2, v9  }
0x32: {  	v9 =	vld [tilespmem:s30+$0xE0];
	v2 =	vmin.f32 v2, v3  }
0x33: {  	v3 =	vld [tilespmem:s30+$0xF0];
	v2 =	vmin.f32 v2, v4  }
0x34: {  	v4 =	vld [tilespmem:s28+$0x0];
	v2 =	vmin.f32 v2, v5  }
0x35: {  	v5 =	vld [tilespmem:s28+$0x10];
	v2 =	vmin.f32 v2, v6  }
0x36: {  	v6 =	vld [tilespmem:s28+$0x20];
	v2 =	vmin.f32 v2, v7  }
0x37: {  	v7 =	vld [tilespmem:s28+$0x30];
	v2 =	vmin.f32 v2, v8  }
0x38: {  	v8 =	vld [tilespmem:s28+$0x40];
	v2 =	vmin.f32 v2, v9  }
0x39: {  	v9 =	vld [tilespmem:s28+$0x50];
	v4 =	vmin.f32 v4, $3.000000010e+38;
	v2 =	vmin.f32 v2, v3  }
0x3a: {  	v3 =	vld [tilespmem:s28+$0x60];
	v4 =	vmin.f32 v4, v5;
	(xrf0) =	vmin.scan.msk.f32 $0xffff, v2  }
0x3b: {  	v12 =	vld [tilespmem:s28+$0x90];
	v4 =	vmin.f32 v4, v6  }
0x3c: {  	v13 =	vld [tilespmem:s28+$0xD0];
	v4 =	vmin.f32 v4, v7  }
0x3d: {  	v5 =	vld [tilespmem:s28+$0xA0];
	v4 =	vmin.f32 v4, v8  }
0x3e: {  	v6 =	vld [tilespmem:s28+$0xB0];
	v4 =	vmin.f32 v4, v9  }
0x3f: {  	v7 =	vld [tilespmem:s28+$0xC0];
	v3 =	vmin.f32 v4, v3  }
0x40: {  	v9 =	vld [tilespmem:s28+$0xE0];
	v3 =	vmin.f32 v3, v10;
	v8, _, _ =	vpop (xrf0)  }
0x41: {  	s31 =	simm.s32 $0x200;
	v4 =	vld [tilespmem:s28+$0xF0];
	v3 =	vmin.f32 v3, v11;
	v8 =	vbroadcast v8, $0xF  }
0x42: {  	v10 =	vld [tilespmem:s31+$0x10];
	v3 =	vmin.f32 v3, v12  }
0x43: {  	v3 =	vmin.f32 v3, v5;
	vm0 =	veq.f32 v2, v8;
	v8 =	vld [tilespmem:s31+$0x0]  }
0x44: {  	v11 =	vld [tilespmem:s31+$0x20];
	v3 =	vmin.f32 v3, v6;
	v2 =	vsel vm0, $0x7F61B1E6, v2  }
0x45: {  	v5 =	vld [tilespmem:s31+$0x30];
	v3 =	vmin.f32 v3, v7;
	(xrf0) =	vmin.scan.msk.f32 $0xffff, v2  }
0x46: {  	v6 =	vld [tilespmem:s31+$0x40];
	v3 =	vmin.f32 v3, v13  }
0x47: {  	v3 =	vmin.f32 v3, v9;
	v9 =	vld [tilespmem:s31+$0x70]  }
0x48: {  	v7 =	vmin.f32 v8, $3.000000010e+38;
	v8 =	vld [tilespmem:s31+$0x50]  }
0x49: {  	s30 =	simm.s32 $0x300;
	v7 =	vmin.f32 v7, v10;
	v10 =	vld [tilespmem:s31+$0x60]  }
0x4a: {  	v3 =	vmin.f32 v3, v4;
	v7 =	vmin.f32 v7, v11;
	v11 =	vld [tilespmem:s30+$0x0]  }
0x4b: {  	(xrf0) =	vmin.scan.msk.f32 $0xffff, v3;
	v4, _, _ =	vpop (xrf0);
	v5 =	vmin.f32 v7, v5;
	v7 =	vld [tilespmem:s31+$0x80]  }
0x4c: {  	v4 =	vbroadcast v4, $0xF;
	v5 =	vmin.f32 v5, v6;
	v6 =	vld [tilespmem:s31+$0x90]  }
0x4d: {  	v5 =	vmin.f32 v5, v8;
	v8 =	vld [tilespmem:s31+$0xA0]  }
0x4e: {  	vm0 =	veq.f32 v2, v4;
	v4 =	vmin.f32 v5, v10;
	v5 =	vld [tilespmem:s31+$0xB0]  }
0x4f: {  	v2 =	vsel vm0, $0x7F61B1E6, v2;
	v4 =	vmin.f32 v4, v9;
	v9 =	vld [tilespmem:s31+$0xC0]  }
0x50: {  	(xrf0) =	vmin.scan.msk.f32 $0xffff, v2;
	v4 =	vmin.f32 v4, v7;
	v7 =	vld [tilespmem:s31+$0xD0]  }
0x51: {  	v10, _, _ =	vpop (xrf0);
	v4 =	vmin.f32 v4, v6;
	v6 =	vld [tilespmem:s31+$0xE0]  }
0x52: {  	v10 =	vbroadcast v10, $0xF;
	v4 =	vmin.f32 v4, v8;
	v8 =	vld [tilespmem:s31+$0xF0]  }
0x53: {  	v4 =	vmin.f32 v4, v5;
	v5 =	vld [tilespmem:s30+$0x10]  }
0x54: {  	vm12 =	veq.f32 v3, v10;
	v4 =	vmin.f32 v4, v9;
	v9 =	vld [tilespmem:s30+$0x20]  }
0x55: {  	v3 =	vsel vm12, $0x7F61B1E6, v3;
	v4 =	vmin.f32 v4, v7  }
0x56: {  	v10 =	vld [tilespmem:s30+$0x30];
	(xrf0) =	vmin.scan.msk.f32 $0xffff, v3;
	v7, _, _ =	vpop (xrf0);
	v4 =	vmin.f32 v4, v6  }
0x57: {  	v6 =	vbroadcast v7, $0xF;
	v7 =	vld [tilespmem:s30+$0x40];
	v63 =	vmin.f32 v4, v8;
	v4 =	vmin.f32 v11, $3.000000010e+38  }
0x58: {  	v8 =	vld [tilespmem:s30+$0x50];
	v4 =	vmin.f32 v4, v5  }
0x59: {  	v5 =	vld [tilespmem:s30+$0x60];
	vm13 =	veq.f32 v2, v6;
	v4 =	vmin.f32 v4, v9  }
0x5a: {  	(xrf0) =	vmin.scan.msk.f32 $0xffff, v63;
	v6 =	vld [tilespmem:s30+$0x70];
	v2 =	vsel vm13, $0x7F61B1E6, v2  }
0x5b: {  	v9 =	vld [tilespmem:s30+$0x80];
	(xrf0) =	vmin.scan.msk.f32 $0xffff, v2;
	v2 =	vmin.f32 v4, v10  }
0x5c: {  	v2 =	vmin.f32 v2, v7;
	v4, _, _ =	vpop (xrf0)  }
0x5d: {  	v2 =	vmin.f32 v2, v8;
	v10 =	vbroadcast v4, $0xF  }
0x5e: {  	v2 =	vmin.f32 v2, v5  }
0x5f: {  	v7 =	vld [tilespmem:s30+$0x90];
	v2 =	vmin.f32 v2, v6;
	vm14 =	veq.f32 v3, v10  }
0x60: {  	v8 =	vld [tilespmem:s30+$0xA0];
	v9 =	vmin.f32 v2, v9;
	v2 =	vsel vm14, $0x7F61B1E6, v3  }
0x61: {  	v4 =	vld [tilespmem:s30+$0xB0];
	v11, _, _ =	vpop (xrf0);
	(xrf0) =	vmin.scan.msk.f32 $0xffff, v2  }
0x62: {  	v5 =	vld [tilespmem:s30+$0xC0];
	v11 =	vbroadcast v11, $0xF;
	v3, _, _ =	vpop (xrf0)  }
0x63: {  	v6 =	vld [tilespmem:s30+$0xD0];
	(v2sf) =	vpush v3, $0xF  }
0x64: {  	s29 =	simm.s32 $0x1400;
	v9 =	vmin.f32 v9, v7;
	v7 =	vld [tilespmem:s30+$0xE0];
	vm15 =	veq.f32 v63, v11  }
0x65: {  	s26 =	simm.f32 $-3.000000010e+38;
	s28 =	simm.s32 $0x400;
	v9 =	vmin.f32 v9, v8;
	v8 =	vld [tilespmem:s30+$0xF0];
	v3 =	vsel vm15, $0x7F61B1E6, v63  }
.LBB2_3:
0x66: {  	p0 =	sne.s32 s29, $0x3C00;
	v10 =	vld [tilespmem:s28+$0x0];
	v4 =	vmin.f32 v9, v4;
	(xrf0) =	vmin.scan.msk.f32 $0xffff, v3  }
0x67: {  	v9 =	vld [tilespmem:s28+$0x10];
	v4 =	vmin.f32 v4, v5;
	v5, _, _ =	vpop (xrf0)  }
0x68: {  	v11 =	vld [tilespmem:s28+$0x20];
	v4 =	vmin.f32 v4, v6;
	v5 =	vbroadcast v5, $0xF  }
0x69: {  	v6 =	vld [tilespmem:s28+$0x30];
	v4 =	vmin.f32 v4, v7  }
0x6a: {  	v7 =	vld [tilespmem:s28+$0x40];
	v12 =	vmin.f32 v4, v8;
	vm0 =	veq.f32 v2, v5  }
0x6b: {  	v4 =	vmin.f32 v10, $3.000000010e+38;
	v5 =	vld [tilespmem:s28+$0x50];
	(xrf0) =	vmin.scan.msk.f32 $0xffff, v12;
	v2 =	vsel vm0, $0x7F61B1E6, v2  }
0x6c: {  	v4 =	vmin.f32 v4, v9;
	v8 =	vld [tilespmem:s28+$0x60];
	v9, _, _ =	vpop (xrf0);
	(xrf0) =	vmin.scan.msk.f32 $0xffff, v2  }
0x6d: {  	v2 =	vmin.f32 v4, v11;
	v10 =	vld [tilespmem:s28+$0x70];
	v4 =	vbroadcast v9, $0xF  }
0x6e: {  	v2 =	vmin.f32 v2, v6;
	v6 =	vld [tilespmem:s28+$0x80]  }
0x6f: {  	v2 =	vmin.f32 v2, v7;
	v7 =	vld [tilespmem:s28+$0x90];
	vm0 =	veq.f32 v3, v4  }
0x70: {  	v4 =	vmin.f32 v2, v5;
	v9 =	vld [tilespmem:s28+$0xA0];
	v2 =	vsel vm0, $0x7F61B1E6, v3  }
.Ltmp0:
0x71: {  	v3 =	vmin.f32 v4, v8;
	v4 =	vld [tilespmem:s28+$0xB0];
	v8, _, _ =	vpop (xrf0);
	(xrf0) =	vmin.scan.msk.f32 $0xffff, v2;
	(pc) =	sbr.rel @p0 .LBB2_3-.Ltmp0, $4  }
0x72: {  	v3 =	vmin.f32 v3, v10;
	v5 =	vld [tilespmem:s28+$0xC0];
	v8 =	vbroadcast v8, $0xF;
	v10, _, _ =	vpop (xrf0);
	s30 =	spop (v2sf)  }
0x73: {  	v3 =	vmin.f32 v3, v6;
	v6 =	vld [tilespmem:s28+$0xD0];
	(v2sf) =	vpush v10, $0xF;
	s26 =	smax.f32 s26, s30  }
0x74: {  	v3 =	vmin.f32 v3, v7;
	v7 =	vld [tilespmem:s28+$0xE0];
	vm0 =	veq.f32 v12, v8  }
0x75: {  	v9 =	vmin.f32 v3, v9;
	v8 =	vld [tilespmem:s28+$0xF0];
	s28 =	sshra.s32 s29, $0x2;
	s29 =	sadd.s32 $0x400, s29;
	v3 =	vsel vm0, $0x7F61B1E6, v12  }
0x76: {  	v10 =	vld [tilespmem:s28+$0x0]  }
0x77: {  	v11 =	vld [tilespmem:s28+$0x10]  }
0x78: {  	v12 =	vld [tilespmem:s28+$0x20]  }
0x79: {  	v13 =	vld [tilespmem:s28+$0x30]  }
0x7a: {  	v4 =	vmin.f32 v9, v4;
	v41 =	vld [tilespmem:s28+$0x40]  }
0x7b: {  	v42 =	vld [tilespmem:s28+$0x50];
	v4 =	vmin.f32 v4, v5;
	v5 =	vmin.f32 v10, $3.000000010e+38  }
0x7c: {  	v43 =	vld [tilespmem:s28+$0x60];
	v4 =	vmin.f32 v4, v6;
	v5 =	vmin.f32 v5, v11  }
0x7d: {  	v44 =	vld [tilespmem:s28+$0x70];
	v4 =	vmin.f32 v4, v7;
	v5 =	vmin.f32 v5, v12  }
0x7e: {  	(xrf0) =	vmin.scan.msk.f32 $0xffff, v3;
	v45 =	vld [tilespmem:s28+$0x80];
	v4 =	vmin.f32 v4, v8;
	v5 =	vmin.f32 v5, v13  }
0x7f: {  	v46 =	vld [tilespmem:s28+$0x90];
	(xrf0) =	vmin.scan.msk.f32 $0xffff, v4;
	v5 =	vmin.f32 v5, v41  }
0x80: {  	v47 =	vld [tilespmem:s28+$0xA0];
	v5 =	vmin.f32 v5, v42  }
0x81: {  	v48 =	vld [tilespmem:s28+$0xB0];
	v5 =	vmin.f32 v5, v43  }
0x82: {  	v49 =	vld [tilespmem:s28+$0xC0];
	v5 =	vmin.f32 v5, v44  }
0x83: {  	v51 =	vld [tilespmem:s28+$0xD0];
	v50, _, _ =	vpop (xrf0);
	v5 =	vmin.f32 v5, v45  }
0x84: {  	v53 =	vld [tilespmem:s28+$0xE0];
	v11 =	vbroadcast v50, $0xF;
	v52, _, _ =	vpop (xrf0);
	v5 =	vmin.f32 v5, v46  }
0x85: {  	v55 =	vld [tilespmem:s28+$0xF0];
	v12 =	vbroadcast v52, $0xF;
	v54, _, _ =	vpop (xrf0);
	v5 =	vmin.f32 v5, v47  }
0x86: {  	vm0 =	veq.f32 v2, v11;
	v56 =	vbroadcast v54, $0xF;
	v5 =	vmin.f32 v5, v48  }
0x87: {  	v2 =	vsel vm0, $0x7F61B1E6, v2;
	vm9 =	veq.f32 v3, v12;
	v5 =	vmin.f32 v5, v49  }
0x88: {  	(xrf0) =	vmin.scan.msk.f32 $0xffff, v2;
	v2 =	vsel vm9, $0x7F61B1E6, v3;
	vm10 =	veq.f32 v4, v56;
	v3 =	vmin.f32 v5, v51  }
0x89: {  	(xrf0) =	vmin.scan.msk.f32 $0xffff, v2;
	v4 =	vsel vm10, $0x7F61B1E6, v4;
	v3 =	vmin.f32 v3, v53  }
0x8a: {  	(xrf0) =	vmin.scan.msk.f32 $0xffff, v4;
	v3 =	vmin.f32 v3, v55  }
0x8b: {  	(xrf0) =	vmin.scan.msk.f32 $0xffff, v3;
	_ =	sdelay $0x2  }
0x8c: {  	v5, _, _ =	vpop (xrf0)  }
0x8d: {  	v57, _, _ =	vpop (xrf0)  }
0x8e: {  	v6 =	vbroadcast v57, $0xF;
	v58, _, _ =	vpop (xrf0)  }
0x8f: {  	v7 =	vbroadcast v58, $0xF;
	v59, _, _ =	vpop (xrf0)  }
0x90: {  	vm11 =	veq.f32 v2, v6;
	v60 =	vbroadcast v59, $0xF  }
0x91: {  	v2 =	vsel vm11, $0x7F61B1E6, v2;
	vm12 =	veq.f32 v4, v7  }
0x92: {  	(xrf0) =	vmin.scan.msk.f32 $0xffff, v2;
	v2 =	vsel vm12, $0x7F61B1E6, v4;
	vm13 =	veq.f32 v3, v60  }
0x93: {  	(xrf0) =	vmin.scan.msk.f32 $0xffff, v2;
	v3 =	vsel vm13, $0x7F61B1E6, v3  }
0x94: {  	(xrf0) =	vmin.scan.msk.f32 $0xffff, v3;
	_ =	sdelay $0x3  }
0x95: {  	v4, _, _ =	vpop (xrf0)  }
0x96: {  	v61, _, _ =	vpop (xrf0)  }
0x97: {  	v6 =	vbroadcast v61, $0xF;
	v62, _, _ =	vpop (xrf0)  }
0x98: {  	v7 =	vbroadcast v62, $0xF  }
0x99: {  	vm14 =	veq.f32 v2, v6  }
0x9a: {  	v2 =	vsel vm14, $0x7F61B1E6, v2;
	vm15 =	veq.f32 v3, v7  }
0x9b: {  	(xrf0) =	vmin.scan.msk.f32 $0xffff, v2;
	v2 =	vsel vm15, $0x7F61B1E6, v3  }
0x9c: {  	(xrf0) =	vmin.scan.msk.f32 $0xffff, v2;
	_ =	sdelay $0x3  }
0x9d: {  	[tilespmem:$0x4000] =	vst v0  }
0x9e: {  	[tilespmem:$0x4010] =	vst v0;
	v3, _, _ =	vpop (xrf0)  }
0x9f: {  	[tilespmem:$0x4020] =	vst v0;
	v63, _, _ =	vpop (xrf0)  }
0xa0: {  	[tilespmem:$0x4030] =	vst v0;
	v6 =	vbroadcast v63, $0xF  }
0xa1: {  	[tilespmem:$0x4040] =	vst v0  }
0xa2: {  	[tilespmem:$0x4050] =	vst v0;
	vm0 =	veq.f32 v2, v6  }
0xa3: {  	[tilespmem:$0x4060] =	vst v0;
	v2 =	vsel vm0, $0x7F61B1E6, v2  }
0xa4: {  	[tilespmem:$0x4070] =	vst v0;
	(xrf0) =	vmin.scan.msk.f32 $0xffff, v2  }
0xa5: {  	[tilespmem:$0x4080] =	vst v0  }
0xa6: {  	[tilespmem:$0x4090] =	vst v0  }
0xa7: {  	[tilespmem:$0x40A0] =	vst v0  }
0xa8: {  	[tilespmem:$0x40B0] =	vst v0;
	(v2sf) =	vpush v5, $0xF  }
0xa9: {  	[tilespmem:$0x40C0] =	vst v0;
	(v2sf) =	vpush v4, $0xF  }
0xaa: {  	[tilespmem:$0x40D0] =	vst v0;
	(v2sf) =	vpush v3, $0xF;
	v2, _, _ =	vpop (xrf0)  }
0xab: {  	[tilespmem:$0x40E0] =	vst v0;
	(v2sf) =	vpush v2, $0xF  }
0xac: {  	[tilespmem:$0x40F0] =	vst v0  }
0xad: {  	[tilespmem:$0x4100] =	vst v0  }
0xae: {  	[tilespmem:$0x4110] =	vst v0  }
0xaf: {  	[tilespmem:$0x4120] =	vst v0  }
0xb0: {  	[tilespmem:$0x4130] =	vst v0  }
0xb1: {  	[tilespmem:$0x4140] =	vst v0  }
0xb2: {  	[tilespmem:$0x4150] =	vst v0  }
0xb3: {  	[tilespmem:$0x4160] =	vst v0  }
0xb4: {  	[tilespmem:$0x4170] =	vst v0  }
0xb5: {  	[tilespmem:$0x4180] =	vst v0  }
0xb6: {  	[tilespmem:$0x4190] =	vst v0;
	s30 =	spop (v2sf)  }
0xb7: {  	[tilespmem:$0x41A0] =	vst v0;
	s26 =	smax.f32 s26, s30;
	s29 =	spop (v2sf)  }
0xb8: {  	[tilespmem:$0x41B0] =	vst v0;
	s26 =	smax.f32 s26, s29;
	s31 =	spop (v2sf)  }
0xb9: {  	[tilespmem:$0x41C0] =	vst v0;
	s26 =	smax.f32 s26, s31;
	s30 =	spop (v2sf)  }
0xba: {  	[tilespmem:$0x41D0] =	vst v0;
	s26 =	smax.f32 s26, s30;
	s31 =	spop (v2sf)  }
0xbb: {  	[tilespmem:$0x41E0] =	vst v0;
	s26 =	smax.f32 s26, s31  }
0xbc: {  	[tilespmem:$0x41F0] =	vst v0;
	v3 =	vimm.s32 $0x0;
	v2 =	vmov s26;
	s26 =	simm.s32 $0x0  }
.LBB2_5:
0xbd: {  	s28 =	sshra.s32 s26, $0x2  }
0xbe: {  	v4 =	vld [tilespmem:s28+$0x0];
	_ =	sdelay $0x4  }
0xbf: {  	vm0 =	vle.f32 v4, v2  }
0xc0: {  	v5 =	vsel vm0, $0x1, v1  }
0xc1: {  	(xrf0) =	vadd.scan.msk.s32 $0xffff, v5;
	_ =	sdelay $0x5  }
0xc2: {  	v5, _, _ =	vpop (xrf0)  }
0xc3: {  	v5 =	vadd.s32 v5, v3  }
0xc4: {  	v5 =	vadd.s32 $0xFFFFFFFF, v5  }
0xc5: {  	vm1 =	vlt.s32 v5, $0x200  }
0xc6: {  	vm0 =	vmand vm0, vm1;
	_ =	sdelay $0x1  }
0xc7: {  	v6 =	vld [tilespmem:s28+$0x1000];
	_ =	sdelay $0x3  }
0xc8: {  	[tilespmem:v5+s19+$0x0] =	vst.idx.msk vm0, v4  }
0xc9: {  	[tilespmem:v5+s20+$0x0] =	vst.idx.msk vm0, v6  }
0xca: {  	v4 =	vld [tilespmem:s28+$0x10];
	_ =	sdelay $0x4  }
0xcb: {  	vm14 =	vle.f32 v4, v2  }
0xcc: {  	v5 =	vsel vm14, $0x1, v1  }
0xcd: {  	(xrf0) =	vadd.scan.msk.s32 $0xffff, v5;
	_ =	sdelay $0x1  }
0xce: {  	v5 =	vmpcnt.ones.xlane vm0;
	_ =	sdelay $0x3  }
0xcf: {  	v3 =	vadd.s32 v3, v5;
	v5, _, _ =	vpop (xrf0)  }
0xd0: {  	v5 =	vadd.s32 v5, v3  }
0xd1: {  	v5 =	vadd.s32 $0xFFFFFFFF, v5  }
0xd2: {  	vm15 =	vlt.s32 v5, $0x200  }
0xd3: {  	vm0 =	vmand vm14, vm15;
	_ =	sdelay $0x1  }
0xd4: {  	v6 =	vld [tilespmem:s28+$0x1010];
	_ =	sdelay $0x3  }
0xd5: {  	[tilespmem:v5+s19+$0x0] =	vst.idx.msk vm0, v4  }
0xd6: {  	[tilespmem:v5+s20+$0x0] =	vst.idx.msk vm0, v6  }
0xd7: {  	v4 =	vld [tilespmem:s28+$0x20];
	_ =	sdelay $0x4  }
0xd8: {  	vm4 =	vle.f32 v4, v2  }
0xd9: {  	v5 =	vsel vm4, $0x1, v1  }
0xda: {  	(xrf0) =	vadd.scan.msk.s32 $0xffff, v5;
	_ =	sdelay $0x1  }
0xdb: {  	v5 =	vmpcnt.ones.xlane vm0;
	_ =	sdelay $0x3  }
0xdc: {  	v3 =	vadd.s32 v3, v5;
	v5, _, _ =	vpop (xrf0)  }
0xdd: {  	v5 =	vadd.s32 v5, v3  }
0xde: {  	v5 =	vadd.s32 $0xFFFFFFFF, v5  }
0xdf: {  	vm5 =	vlt.s32 v5, $0x200  }
0xe0: {  	vm0 =	vmand vm4, vm5;
	_ =	sdelay $0x1  }
0xe1: {  	v6 =	vld [tilespmem:s28+$0x1020];
	_ =	sdelay $0x3  }
0xe2: {  	[tilespmem:v5+s19+$0x0] =	vst.idx.msk vm0, v4  }
0xe3: {  	[tilespmem:v5+s20+$0x0] =	vst.idx.msk vm0, v6  }
0xe4: {  	v4 =	vld [tilespmem:s28+$0x30];
	_ =	sdelay $0x4  }
0xe5: {  	vm6 =	vle.f32 v4, v2  }
0xe6: {  	v5 =	vsel vm6, $0x1, v1  }
0xe7: {  	(xrf0) =	vadd.scan.msk.s32 $0xffff, v5;
	_ =	sdelay $0x1  }
0xe8: {  	v5 =	vmpcnt.ones.xlane vm0;
	_ =	sdelay $0x3  }
0xe9: {  	v3 =	vadd.s32 v3, v5;
	v5, _, _ =	vpop (xrf0)  }
0xea: {  	v5 =	vadd.s32 v5, v3  }
0xeb: {  	v5 =	vadd.s32 $0xFFFFFFFF, v5  }
0xec: {  	vm7 =	vlt.s32 v5, $0x200  }
0xed: {  	vm0 =	vmand vm6, vm7;
	_ =	sdelay $0x1  }
0xee: {  	v6 =	vld [tilespmem:s28+$0x1030];
	_ =	sdelay $0x3  }
0xef: {  	[tilespmem:v5+s19+$0x0] =	vst.idx.msk vm0, v4  }
0xf0: {  	[tilespmem:v5+s20+$0x0] =	vst.idx.msk vm0, v6  }
0xf1: {  	v4 =	vld [tilespmem:s28+$0x40];
	_ =	sdelay $0x4  }
0xf2: {  	vm8 =	vle.f32 v4, v2  }
0xf3: {  	v5 =	vsel vm8, $0x1, v1  }
0xf4: {  	(xrf0) =	vadd.scan.msk.s32 $0xffff, v5;
	_ =	sdelay $0x1  }
0xf5: {  	v5 =	vmpcnt.ones.xlane vm0;
	_ =	sdelay $0x3  }
0xf6: {  	v3 =	vadd.s32 v3, v5;
	v5, _, _ =	vpop (xrf0)  }
0xf7: {  	v5 =	vadd.s32 v5, v3  }
0xf8: {  	v5 =	vadd.s32 $0xFFFFFFFF, v5  }
0xf9: {  	vm9 =	vlt.s32 v5, $0x200  }
0xfa: {  	vm0 =	vmand vm8, vm9;
	_ =	sdelay $0x1  }
0xfb: {  	v6 =	vld [tilespmem:s28+$0x1040];
	_ =	sdelay $0x3  }
0xfc: {  	[tilespmem:v5+s19+$0x0] =	vst.idx.msk vm0, v4  }
0xfd: {  	[tilespmem:v5+s20+$0x0] =	vst.idx.msk vm0, v6  }
0xfe: {  	v4 =	vld [tilespmem:s28+$0x50];
	_ =	sdelay $0x4  }
0xff: {  	vm10 =	vle.f32 v4, v2  }
0x100: {  	v5 =	vsel vm10, $0x1, v1  }
0x101: {  	(xrf0) =	vadd.scan.msk.s32 $0xffff, v5;
	_ =	sdelay $0x1  }
0x102: {  	v5 =	vmpcnt.ones.xlane vm0;
	_ =	sdelay $0x3  }
0x103: {  	v3 =	vadd.s32 v3, v5;
	v5, _, _ =	vpop (xrf0)  }
0x104: {  	v5 =	vadd.s32 v5, v3  }
0x105: {  	v5 =	vadd.s32 $0xFFFFFFFF, v5  }
0x106: {  	vm11 =	vlt.s32 v5, $0x200  }
0x107: {  	vm0 =	vmand vm10, vm11;
	_ =	sdelay $0x1  }
0x108: {  	v6 =	vld [tilespmem:s28+$0x1050];
	_ =	sdelay $0x3  }
0x109: {  	[tilespmem:v5+s19+$0x0] =	vst.idx.msk vm0, v4  }
0x10a: {  	[tilespmem:v5+s20+$0x0] =	vst.idx.msk vm0, v6  }
0x10b: {  	v4 =	vld [tilespmem:s28+$0x60];
	_ =	sdelay $0x4  }
0x10c: {  	vm12 =	vle.f32 v4, v2  }
0x10d: {  	v5 =	vsel vm12, $0x1, v1  }
0x10e: {  	(xrf0) =	vadd.scan.msk.s32 $0xffff, v5;
	_ =	sdelay $0x1  }
0x10f: {  	v5 =	vmpcnt.ones.xlane vm0;
	_ =	sdelay $0x3  }
0x110: {  	v3 =	vadd.s32 v3, v5;
	v5, _, _ =	vpop (xrf0)  }
0x111: {  	v5 =	vadd.s32 v5, v3  }
0x112: {  	v5 =	vadd.s32 $0xFFFFFFFF, v5  }
0x113: {  	vm13 =	vlt.s32 v5, $0x200  }
0x114: {  	vm0 =	vmand vm12, vm13;
	_ =	sdelay $0x1  }
0x115: {  	v6 =	vld [tilespmem:s28+$0x1060];
	_ =	sdelay $0x3  }
0x116: {  	[tilespmem:v5+s19+$0x0] =	vst.idx.msk vm0, v4  }
0x117: {  	[tilespmem:v5+s20+$0x0] =	vst.idx.msk vm0, v6  }
0x118: {  	v4 =	vld [tilespmem:s28+$0x70];
	_ =	sdelay $0x4  }
0x119: {  	vm14 =	vle.f32 v4, v2  }
0x11a: {  	v5 =	vsel vm14, $0x1, v1  }
0x11b: {  	(xrf0) =	vadd.scan.msk.s32 $0xffff, v5;
	_ =	sdelay $0x1  }
0x11c: {  	v5 =	vmpcnt.ones.xlane vm0;
	_ =	sdelay $0x3  }
0x11d: {  	v3 =	vadd.s32 v3, v5;
	v5, _, _ =	vpop (xrf0)  }
0x11e: {  	v5 =	vadd.s32 v5, v3  }
0x11f: {  	v5 =	vadd.s32 $0xFFFFFFFF, v5  }
0x120: {  	vm15 =	vlt.s32 v5, $0x200  }
0x121: {  	vm0 =	vmand vm14, vm15;
	_ =	sdelay $0x1  }
0x122: {  	p0 =	sne.s32 s26, $0x3E00;
	v6 =	vld [tilespmem:s28+$0x1070]  }
.Ltmp1:
0x123: {  	_ = 	snop;
	(pc) =	sbr.rel @p0 .LBB2_5-.Ltmp1, $4  }
0x124: {  	_ = 	snop  }
0x125: {  	v7 =	vmpcnt.ones.xlane vm0  }
0x126: {  	[tilespmem:v5+s19+$0x0] =	vst.idx.msk vm0, v4  }
0x127: {  	s26 =	sadd.s32 $0x200, s26;
	v3 =	vadd.s32 v3, v7;
	[tilespmem:v5+s20+$0x0] =	vst.idx.msk vm0, v6  }
0x128: {  	s24 =	sshll.u32 s24, $0xC  }
0x129: {  	s24 =	sor.u32 s25, s24  }
0x12a: {  	s24 =	sshrl.u32 s24, $0x3  }
0x12b: {  	s26 =	sadd.s32 s1, s24  }
0x12c: {  	[hbm4b:s26+s13] =	stream.strided.scatter [tilespmem:s19], [sflag:$0x3], $0x200, s14, s13, $0x38;
	[tilespmem:$0x4400] =	vst v63  }
0x12d: {  	_ =	swait.ge [sflag:s21], $0x200  }
0x12e: {  	[sflag:s21] =	ssyncset.done $0x0  }
0x12f: {  	s29 =	sadd.s32 s8, s24;
	[sflag:s21] =	ssyncadd.s32 $0xFFFFFE00  }
0x130: {  	[hbm4b:s29+s13] =	stream.strided.scatter [tilespmem:s20], [sflag:$0x3], $0x200, s14, s13, $0x38;
	[tilespmem:$0x4400] =	vst v63  }
0x131: {  	_ =	swait.ge [sflag:s21], $0x200  }
0x132: {  	[sflag:s21] =	ssyncset.done $0x0  }
0x133: {  	[sflag:s21] =	ssyncadd.s32 $0xFFFFFE00  }
0x134: {  	_ =	swait.ge [sflag:s22], $0x1000  }
0x135: {  	[sflag:s22] =	ssyncset.done $0x0  }
0x136: {  	[sflag:s22] =	ssyncadd.s32 $0xFFFFF000  }
0x137: {  	_ =	swait.ge [sflag:s22], $0x1000  }
0x138: {  	[sflag:s22] =	ssyncset.done $0x0  }
0x139: {  	s30 =	simm.s32 $0x0;
	[sflag:s22] =	ssyncadd.s32 $0xFFFFF000  }
0x13a: {  	v2 =	vld [tilespmem:s30+$0x2000]  }
0x13b: {  	v3 =	vld [tilespmem:s30+$0x2010]  }
0x13c: {  	v4 =	vld [tilespmem:s30+$0x2020]  }
0x13d: {  	v5 =	vld [tilespmem:s30+$0x2030]  }
0x13e: {  	v6 =	vld [tilespmem:s30+$0x2040]  }
0x13f: {  	v7 =	vld [tilespmem:s30+$0x2050]  }
0x140: {  	v8 =	vld [tilespmem:s30+$0x2060]  }
0x141: {  	s26 =	simm.s32 $0x100;
	v9 =	vld [tilespmem:s30+$0x2070]  }
0x142: {  	v10 =	vld [tilespmem:s26+$0x2070];
	v2 =	vmin.f32 v2, $3.000000010e+38  }
0x143: {  	v11 =	vld [tilespmem:s26+$0x2080];
	v2 =	vmin.f32 v2, v3  }
0x144: {  	v3 =	vld [tilespmem:s30+$0x2080];
	v2 =	vmin.f32 v2, v4  }
0x145: {  	v4 =	vld [tilespmem:s30+$0x2090];
	v2 =	vmin.f32 v2, v5  }
0x146: {  	v5 =	vld [tilespmem:s30+$0x20A0];
	v2 =	vmin.f32 v2, v6  }
0x147: {  	v6 =	vld [tilespmem:s30+$0x20B0];
	v2 =	vmin.f32 v2, v7  }
0x148: {  	v7 =	vld [tilespmem:s30+$0x20C0];
	v2 =	vmin.f32 v2, v8  }
0x149: {  	v8 =	vld [tilespmem:s30+$0x20D0];
	v2 =	vmin.f32 v2, v9  }
0x14a: {  	v9 =	vld [tilespmem:s30+$0x20E0];
	v2 =	vmin.f32 v2, v3  }
0x14b: {  	v3 =	vld [tilespmem:s30+$0x20F0];
	v2 =	vmin.f32 v2, v4  }
0x14c: {  	v4 =	vld [tilespmem:s26+$0x2000];
	v2 =	vmin.f32 v2, v5  }
0x14d: {  	v5 =	vld [tilespmem:s26+$0x2010];
	v2 =	vmin.f32 v2, v6  }
0x14e: {  	v6 =	vld [tilespmem:s26+$0x2020];
	v2 =	vmin.f32 v2, v7  }
0x14f: {  	v7 =	vld [tilespmem:s26+$0x2030];
	v2 =	vmin.f32 v2, v8  }
0x150: {  	v8 =	vld [tilespmem:s26+$0x2040];
	v2 =	vmin.f32 v2, v9  }
0x151: {  	v9 =	vld [tilespmem:s26+$0x2050];
	v4 =	vmin.f32 v4, $3.000000010e+38;
	v2 =	vmin.f32 v2, v3  }
0x152: {  	v3 =	vld [tilespmem:s26+$0x2060];
	v4 =	vmin.f32 v4, v5;
	(xrf0) =	vmin.scan.msk.f32 $0xffff, v2  }
0x153: {  	v12 =	vld [tilespmem:s26+$0x2090];
	v4 =	vmin.f32 v4, v6  }
0x154: {  	v13 =	vld [tilespmem:s26+$0x20D0];
	v4 =	vmin.f32 v4, v7  }
0x155: {  	v5 =	vld [tilespmem:s26+$0x20A0];
	v4 =	vmin.f32 v4, v8  }
0x156: {  	v6 =	vld [tilespmem:s26+$0x20B0];
	v4 =	vmin.f32 v4, v9  }
0x157: {  	v7 =	vld [tilespmem:s26+$0x20C0];
	v3 =	vmin.f32 v4, v3  }
0x158: {  	v9 =	vld [tilespmem:s26+$0x20E0];
	v3 =	vmin.f32 v3, v10;
	v8, _, _ =	vpop (xrf0)  }
0x159: {  	s31 =	simm.s32 $0x200;
	v4 =	vld [tilespmem:s26+$0x20F0];
	v3 =	vmin.f32 v3, v11;
	v8 =	vbroadcast v8, $0xF  }
0x15a: {  	v10 =	vld [tilespmem:s31+$0x2010];
	v3 =	vmin.f32 v3, v12  }
0x15b: {  	v3 =	vmin.f32 v3, v5;
	vm0 =	veq.f32 v2, v8;
	v8 =	vld [tilespmem:s31+$0x2000]  }
0x15c: {  	v11 =	vld [tilespmem:s31+$0x2020];
	v3 =	vmin.f32 v3, v6;
	v2 =	vsel vm0, $0x7F61B1E6, v2  }
0x15d: {  	v5 =	vld [tilespmem:s31+$0x2030];
	v3 =	vmin.f32 v3, v7;
	(xrf0) =	vmin.scan.msk.f32 $0xffff, v2  }
0x15e: {  	v6 =	vld [tilespmem:s31+$0x2040];
	v3 =	vmin.f32 v3, v13  }
0x15f: {  	v3 =	vmin.f32 v3, v9;
	v9 =	vld [tilespmem:s31+$0x2070]  }
0x160: {  	v7 =	vmin.f32 v8, $3.000000010e+38;
	v8 =	vld [tilespmem:s31+$0x2050]  }
0x161: {  	s29 =	simm.s32 $0x300;
	v7 =	vmin.f32 v7, v10;
	v10 =	vld [tilespmem:s31+$0x2060]  }
0x162: {  	v3 =	vmin.f32 v3, v4;
	v7 =	vmin.f32 v7, v11;
	v11 =	vld [tilespmem:s29+$0x2000]  }
0x163: {  	(xrf0) =	vmin.scan.msk.f32 $0xffff, v3;
	v4, _, _ =	vpop (xrf0);
	v5 =	vmin.f32 v7, v5;
	v7 =	vld [tilespmem:s31+$0x2080]  }
0x164: {  	v4 =	vbroadcast v4, $0xF;
	v5 =	vmin.f32 v5, v6;
	v6 =	vld [tilespmem:s31+$0x2090]  }
0x165: {  	v5 =	vmin.f32 v5, v8;
	v8 =	vld [tilespmem:s31+$0x20A0]  }
0x166: {  	vm0 =	veq.f32 v2, v4;
	v4 =	vmin.f32 v5, v10;
	v5 =	vld [tilespmem:s31+$0x20B0]  }
0x167: {  	v2 =	vsel vm0, $0x7F61B1E6, v2;
	v4 =	vmin.f32 v4, v9;
	v9 =	vld [tilespmem:s31+$0x20C0]  }
0x168: {  	(xrf0) =	vmin.scan.msk.f32 $0xffff, v2;
	v4 =	vmin.f32 v4, v7;
	v7 =	vld [tilespmem:s31+$0x20D0]  }
0x169: {  	v10, _, _ =	vpop (xrf0);
	v4 =	vmin.f32 v4, v6;
	v6 =	vld [tilespmem:s31+$0x20E0]  }
0x16a: {  	v10 =	vbroadcast v10, $0xF;
	v4 =	vmin.f32 v4, v8;
	v8 =	vld [tilespmem:s31+$0x20F0]  }
0x16b: {  	v4 =	vmin.f32 v4, v5;
	v5 =	vld [tilespmem:s29+$0x2010]  }
0x16c: {  	vm12 =	veq.f32 v3, v10;
	v4 =	vmin.f32 v4, v9;
	v9 =	vld [tilespmem:s29+$0x2020]  }
0x16d: {  	v3 =	vsel vm12, $0x7F61B1E6, v3;
	v4 =	vmin.f32 v4, v7  }
0x16e: {  	v10 =	vld [tilespmem:s29+$0x2030];
	(xrf0) =	vmin.scan.msk.f32 $0xffff, v3;
	v7, _, _ =	vpop (xrf0);
	v4 =	vmin.f32 v4, v6  }
0x16f: {  	v6 =	vbroadcast v7, $0xF;
	v7 =	vld [tilespmem:s29+$0x2040];
	v63 =	vmin.f32 v4, v8;
	v4 =	vmin.f32 v11, $3.000000010e+38  }
0x170: {  	v8 =	vld [tilespmem:s29+$0x2050];
	v4 =	vmin.f32 v4, v5  }
0x171: {  	v5 =	vld [tilespmem:s29+$0x2060];
	vm13 =	veq.f32 v2, v6;
	v4 =	vmin.f32 v4, v9  }
0x172: {  	(xrf0) =	vmin.scan.msk.f32 $0xffff, v63;
	v6 =	vld [tilespmem:s29+$0x2070];
	v2 =	vsel vm13, $0x7F61B1E6, v2  }
0x173: {  	v9 =	vld [tilespmem:s29+$0x2080];
	(xrf0) =	vmin.scan.msk.f32 $0xffff, v2;
	v2 =	vmin.f32 v4, v10  }
0x174: {  	v2 =	vmin.f32 v2, v7;
	v4, _, _ =	vpop (xrf0)  }
0x175: {  	v2 =	vmin.f32 v2, v8;
	v10 =	vbroadcast v4, $0xF  }
0x176: {  	v2 =	vmin.f32 v2, v5  }
0x177: {  	v7 =	vld [tilespmem:s29+$0x2090];
	v2 =	vmin.f32 v2, v6;
	vm14 =	veq.f32 v3, v10  }
0x178: {  	v8 =	vld [tilespmem:s29+$0x20A0];
	v9 =	vmin.f32 v2, v9;
	v2 =	vsel vm14, $0x7F61B1E6, v3  }
0x179: {  	v4 =	vld [tilespmem:s29+$0x20B0];
	v11, _, _ =	vpop (xrf0);
	(xrf0) =	vmin.scan.msk.f32 $0xffff, v2  }
0x17a: {  	v5 =	vld [tilespmem:s29+$0x20C0];
	v11 =	vbroadcast v11, $0xF;
	v3, _, _ =	vpop (xrf0)  }
0x17b: {  	v6 =	vld [tilespmem:s29+$0x20D0];
	(v2sf) =	vpush v3, $0xF  }
0x17c: {  	s28 =	simm.s32 $0x1400;
	v9 =	vmin.f32 v9, v7;
	v7 =	vld [tilespmem:s29+$0x20E0];
	vm15 =	veq.f32 v63, v11  }
0x17d: {  	s25 =	simm.f32 $-3.000000010e+38;
	s26 =	simm.s32 $0x400;
	v9 =	vmin.f32 v9, v8;
	v8 =	vld [tilespmem:s29+$0x20F0];
	v3 =	vsel vm15, $0x7F61B1E6, v63  }
.LBB2_7:
0x17e: {  	p0 =	sne.s32 s28, $0x3C00;
	v10 =	vld [tilespmem:s26+$0x2000];
	v4 =	vmin.f32 v9, v4;
	(xrf0) =	vmin.scan.msk.f32 $0xffff, v3  }
0x17f: {  	v9 =	vld [tilespmem:s26+$0x2010];
	v4 =	vmin.f32 v4, v5;
	v5, _, _ =	vpop (xrf0)  }
0x180: {  	v11 =	vld [tilespmem:s26+$0x2020];
	v4 =	vmin.f32 v4, v6;
	v5 =	vbroadcast v5, $0xF  }
0x181: {  	v6 =	vld [tilespmem:s26+$0x2030];
	v4 =	vmin.f32 v4, v7  }
0x182: {  	v7 =	vld [tilespmem:s26+$0x2040];
	v12 =	vmin.f32 v4, v8;
	vm0 =	veq.f32 v2, v5  }
0x183: {  	v4 =	vmin.f32 v10, $3.000000010e+38;
	v5 =	vld [tilespmem:s26+$0x2050];
	(xrf0) =	vmin.scan.msk.f32 $0xffff, v12;
	v2 =	vsel vm0, $0x7F61B1E6, v2  }
0x184: {  	v4 =	vmin.f32 v4, v9;
	v8 =	vld [tilespmem:s26+$0x2060];
	v9, _, _ =	vpop (xrf0);
	(xrf0) =	vmin.scan.msk.f32 $0xffff, v2  }
0x185: {  	v2 =	vmin.f32 v4, v11;
	v10 =	vld [tilespmem:s26+$0x2070];
	v4 =	vbroadcast v9, $0xF  }
0x186: {  	v2 =	vmin.f32 v2, v6;
	v6 =	vld [tilespmem:s26+$0x2080]  }
0x187: {  	v2 =	vmin.f32 v2, v7;
	v7 =	vld [tilespmem:s26+$0x2090];
	vm0 =	veq.f32 v3, v4  }
0x188: {  	v4 =	vmin.f32 v2, v5;
	v9 =	vld [tilespmem:s26+$0x20A0];
	v2 =	vsel vm0, $0x7F61B1E6, v3  }
.Ltmp2:
0x189: {  	v3 =	vmin.f32 v4, v8;
	v4 =	vld [tilespmem:s26+$0x20B0];
	v8, _, _ =	vpop (xrf0);
	(xrf0) =	vmin.scan.msk.f32 $0xffff, v2;
	(pc) =	sbr.rel @p0 .LBB2_7-.Ltmp2, $4  }
0x18a: {  	v3 =	vmin.f32 v3, v10;
	v5 =	vld [tilespmem:s26+$0x20C0];
	v8 =	vbroadcast v8, $0xF;
	v10, _, _ =	vpop (xrf0);
	s29 =	spop (v2sf)  }
0x18b: {  	v3 =	vmin.f32 v3, v6;
	v6 =	vld [tilespmem:s26+$0x20D0];
	(v2sf) =	vpush v10, $0xF;
	s25 =	smax.f32 s25, s29  }
0x18c: {  	v3 =	vmin.f32 v3, v7;
	v7 =	vld [tilespmem:s26+$0x20E0];
	vm0 =	veq.f32 v12, v8  }
0x18d: {  	v9 =	vmin.f32 v3, v9;
	v8 =	vld [tilespmem:s26+$0x20F0];
	s26 =	sshra.s32 s28, $0x2;
	s28 =	sadd.s32 $0x400, s28;
	v3 =	vsel vm0, $0x7F61B1E6, v12  }
0x18e: {  	v10 =	vld [tilespmem:s26+$0x2000]  }
0x18f: {  	v11 =	vld [tilespmem:s26+$0x2010]  }
0x190: {  	v12 =	vld [tilespmem:s26+$0x2020]  }
0x191: {  	v13 =	vld [tilespmem:s26+$0x2030]  }
0x192: {  	v4 =	vmin.f32 v9, v4;
	v41 =	vld [tilespmem:s26+$0x2040]  }
0x193: {  	v42 =	vld [tilespmem:s26+$0x2050];
	v4 =	vmin.f32 v4, v5;
	v5 =	vmin.f32 v10, $3.000000010e+38  }
0x194: {  	v43 =	vld [tilespmem:s26+$0x2060];
	v4 =	vmin.f32 v4, v6;
	v5 =	vmin.f32 v5, v11  }
0x195: {  	v44 =	vld [tilespmem:s26+$0x2070];
	v4 =	vmin.f32 v4, v7;
	v5 =	vmin.f32 v5, v12  }
0x196: {  	(xrf0) =	vmin.scan.msk.f32 $0xffff, v3;
	v45 =	vld [tilespmem:s26+$0x2080];
	v4 =	vmin.f32 v4, v8;
	v5 =	vmin.f32 v5, v13  }
0x197: {  	v46 =	vld [tilespmem:s26+$0x2090];
	(xrf0) =	vmin.scan.msk.f32 $0xffff, v4;
	v5 =	vmin.f32 v5, v41  }
0x198: {  	v47 =	vld [tilespmem:s26+$0x20A0];
	v5 =	vmin.f32 v5, v42  }
0x199: {  	v48 =	vld [tilespmem:s26+$0x20B0];
	v5 =	vmin.f32 v5, v43  }
0x19a: {  	v49 =	vld [tilespmem:s26+$0x20C0];
	v5 =	vmin.f32 v5, v44  }
0x19b: {  	v51 =	vld [tilespmem:s26+$0x20D0];
	v50, _, _ =	vpop (xrf0);
	v5 =	vmin.f32 v5, v45  }
0x19c: {  	v53 =	vld [tilespmem:s26+$0x20E0];
	v11 =	vbroadcast v50, $0xF;
	v52, _, _ =	vpop (xrf0);
	v5 =	vmin.f32 v5, v46  }
0x19d: {  	v55 =	vld [tilespmem:s26+$0x20F0];
	v12 =	vbroadcast v52, $0xF;
	v54, _, _ =	vpop (xrf0);
	v5 =	vmin.f32 v5, v47  }
0x19e: {  	vm0 =	veq.f32 v2, v11;
	v56 =	vbroadcast v54, $0xF;
	v5 =	vmin.f32 v5, v48  }
0x19f: {  	v2 =	vsel vm0, $0x7F61B1E6, v2;
	vm9 =	veq.f32 v3, v12;
	v5 =	vmin.f32 v5, v49  }
0x1a0: {  	(xrf0) =	vmin.scan.msk.f32 $0xffff, v2;
	v2 =	vsel vm9, $0x7F61B1E6, v3;
	vm10 =	veq.f32 v4, v56;
	v3 =	vmin.f32 v5, v51  }
0x1a1: {  	(xrf0) =	vmin.scan.msk.f32 $0xffff, v2;
	v4 =	vsel vm10, $0x7F61B1E6, v4;
	v3 =	vmin.f32 v3, v53  }
0x1a2: {  	(xrf0) =	vmin.scan.msk.f32 $0xffff, v4;
	v3 =	vmin.f32 v3, v55  }
0x1a3: {  	(xrf0) =	vmin.scan.msk.f32 $0xffff, v3;
	_ =	sdelay $0x2  }
0x1a4: {  	v5, _, _ =	vpop (xrf0)  }
0x1a5: {  	v57, _, _ =	vpop (xrf0)  }
0x1a6: {  	v6 =	vbroadcast v57, $0xF;
	v58, _, _ =	vpop (xrf0)  }
0x1a7: {  	v7 =	vbroadcast v58, $0xF;
	v59, _, _ =	vpop (xrf0)  }
0x1a8: {  	vm11 =	veq.f32 v2, v6;
	v60 =	vbroadcast v59, $0xF  }
0x1a9: {  	v2 =	vsel vm11, $0x7F61B1E6, v2;
	vm12 =	veq.f32 v4, v7  }
0x1aa: {  	(xrf0) =	vmin.scan.msk.f32 $0xffff, v2;
	v2 =	vsel vm12, $0x7F61B1E6, v4;
	vm13 =	veq.f32 v3, v60  }
0x1ab: {  	(xrf0) =	vmin.scan.msk.f32 $0xffff, v2;
	v3 =	vsel vm13, $0x7F61B1E6, v3  }
0x1ac: {  	(xrf0) =	vmin.scan.msk.f32 $0xffff, v3;
	_ =	sdelay $0x3  }
0x1ad: {  	v4, _, _ =	vpop (xrf0)  }
0x1ae: {  	v61, _, _ =	vpop (xrf0)  }
0x1af: {  	v6 =	vbroadcast v61, $0xF;
	v62, _, _ =	vpop (xrf0)  }
0x1b0: {  	v7 =	vbroadcast v62, $0xF  }
0x1b1: {  	vm14 =	veq.f32 v2, v6  }
0x1b2: {  	v2 =	vsel vm14, $0x7F61B1E6, v2;
	vm15 =	veq.f32 v3, v7  }
0x1b3: {  	(xrf0) =	vmin.scan.msk.f32 $0xffff, v2;
	v2 =	vsel vm15, $0x7F61B1E6, v3  }
0x1b4: {  	(xrf0) =	vmin.scan.msk.f32 $0xffff, v2;
	_ =	sdelay $0x3  }
0x1b5: {  	[tilespmem:$0x4000] =	vst v0  }
0x1b6: {  	[tilespmem:$0x4010] =	vst v0;
	v3, _, _ =	vpop (xrf0)  }
0x1b7: {  	[tilespmem:$0x4020] =	vst v0;
	v63, _, _ =	vpop (xrf0)  }
0x1b8: {  	[tilespmem:$0x4030] =	vst v0;
	v6 =	vbroadcast v63, $0xF  }
0x1b9: {  	[tilespmem:$0x4040] =	vst v0  }
0x1ba: {  	[tilespmem:$0x4050] =	vst v0;
	vm0 =	veq.f32 v2, v6  }
0x1bb: {  	[tilespmem:$0x4060] =	vst v0;
	v2 =	vsel vm0, $0x7F61B1E6, v2  }
0x1bc: {  	[tilespmem:$0x4070] =	vst v0;
	(xrf0) =	vmin.scan.msk.f32 $0xffff, v2  }
0x1bd: {  	[tilespmem:$0x4080] =	vst v0  }
0x1be: {  	[tilespmem:$0x4090] =	vst v0  }
0x1bf: {  	[tilespmem:$0x40A0] =	vst v0  }
0x1c0: {  	[tilespmem:$0x40B0] =	vst v0;
	(v2sf) =	vpush v5, $0xF  }
0x1c1: {  	[tilespmem:$0x40C0] =	vst v0;
	(v2sf) =	vpush v4, $0xF  }
0x1c2: {  	[tilespmem:$0x40D0] =	vst v0;
	(v2sf) =	vpush v3, $0xF;
	v2, _, _ =	vpop (xrf0)  }
0x1c3: {  	[tilespmem:$0x40E0] =	vst v0;
	(v2sf) =	vpush v2, $0xF  }
0x1c4: {  	[tilespmem:$0x40F0] =	vst v0  }
0x1c5: {  	[tilespmem:$0x4100] =	vst v0  }
0x1c6: {  	[tilespmem:$0x4110] =	vst v0  }
0x1c7: {  	[tilespmem:$0x4120] =	vst v0  }
0x1c8: {  	[tilespmem:$0x4130] =	vst v0  }
0x1c9: {  	[tilespmem:$0x4140] =	vst v0  }
0x1ca: {  	[tilespmem:$0x4150] =	vst v0  }
0x1cb: {  	[tilespmem:$0x4160] =	vst v0  }
0x1cc: {  	[tilespmem:$0x4170] =	vst v0  }
0x1cd: {  	[tilespmem:$0x4180] =	vst v0  }
0x1ce: {  	[tilespmem:$0x4190] =	vst v0;
	s31 =	spop (v2sf)  }
0x1cf: {  	[tilespmem:$0x41A0] =	vst v0;
	s25 =	smax.f32 s25, s31;
	s28 =	spop (v2sf)  }
0x1d0: {  	[tilespmem:$0x41B0] =	vst v0;
	s25 =	smax.f32 s25, s28;
	s29 =	spop (v2sf)  }
0x1d1: {  	[tilespmem:$0x41C0] =	vst v0;
	s25 =	smax.f32 s25, s29;
	s30 =	spop (v2sf)  }
0x1d2: {  	[tilespmem:$0x41D0] =	vst v0;
	s25 =	smax.f32 s25, s30;
	s31 =	spop (v2sf)  }
0x1d3: {  	[tilespmem:$0x41E0] =	vst v0;
	s25 =	smax.f32 s25, s31  }
0x1d4: {  	[tilespmem:$0x41F0] =	vst v0;
	v3 =	vimm.s32 $0x0;
	v2 =	vmov s25;
	s25 =	simm.s32 $0x0  }
.LBB2_9:
0x1d5: {  	s26 =	sshra.s32 s25, $0x2  }
0x1d6: {  	v4 =	vld [tilespmem:s26+$0x2000];
	_ =	sdelay $0x4  }
0x1d7: {  	vm0 =	vle.f32 v4, v2  }
0x1d8: {  	v5 =	vsel vm0, $0x1, v1  }
0x1d9: {  	(xrf0) =	vadd.scan.msk.s32 $0xffff, v5;
	_ =	sdelay $0x5  }
0x1da: {  	v5, _, _ =	vpop (xrf0)  }
0x1db: {  	v5 =	vadd.s32 v5, v3  }
0x1dc: {  	v5 =	vadd.s32 $0xFFFFFFFF, v5  }
0x1dd: {  	vm1 =	vlt.s32 v5, $0x200  }
0x1de: {  	vm0 =	vmand vm0, vm1;
	_ =	sdelay $0x1  }
0x1df: {  	v6 =	vld [tilespmem:s26+$0x3000];
	_ =	sdelay $0x3  }
0x1e0: {  	[tilespmem:v5+s19+$0x0] =	vst.idx.msk vm0, v4  }
0x1e1: {  	[tilespmem:v5+s20+$0x0] =	vst.idx.msk vm0, v6  }
0x1e2: {  	v4 =	vld [tilespmem:s26+$0x2010];
	_ =	sdelay $0x4  }
0x1e3: {  	vm14 =	vle.f32 v4, v2  }
0x1e4: {  	v5 =	vsel vm14, $0x1, v1  }
0x1e5: {  	(xrf0) =	vadd.scan.msk.s32 $0xffff, v5;
	_ =	sdelay $0x1  }
0x1e6: {  	v5 =	vmpcnt.ones.xlane vm0;
	_ =	sdelay $0x3  }
0x1e7: {  	v3 =	vadd.s32 v3, v5;
	v5, _, _ =	vpop (xrf0)  }
0x1e8: {  	v5 =	vadd.s32 v5, v3  }
0x1e9: {  	v5 =	vadd.s32 $0xFFFFFFFF, v5  }
0x1ea: {  	vm15 =	vlt.s32 v5, $0x200  }
0x1eb: {  	vm0 =	vmand vm14, vm15;
	_ =	sdelay $0x1  }
0x1ec: {  	v6 =	vld [tilespmem:s26+$0x3010];
	_ =	sdelay $0x3  }
0x1ed: {  	[tilespmem:v5+s19+$0x0] =	vst.idx.msk vm0, v4  }
0x1ee: {  	[tilespmem:v5+s20+$0x0] =	vst.idx.msk vm0, v6  }
0x1ef: {  	v4 =	vld [tilespmem:s26+$0x2020];
	_ =	sdelay $0x4  }
0x1f0: {  	vm4 =	vle.f32 v4, v2  }
0x1f1: {  	v5 =	vsel vm4, $0x1, v1  }
0x1f2: {  	(xrf0) =	vadd.scan.msk.s32 $0xffff, v5;
	_ =	sdelay $0x1  }
0x1f3: {  	v5 =	vmpcnt.ones.xlane vm0;
	_ =	sdelay $0x3  }
0x1f4: {  	v3 =	vadd.s32 v3, v5;
	v5, _, _ =	vpop (xrf0)  }
0x1f5: {  	v5 =	vadd.s32 v5, v3  }
0x1f6: {  	v5 =	vadd.s32 $0xFFFFFFFF, v5  }
0x1f7: {  	vm5 =	vlt.s32 v5, $0x200  }
0x1f8: {  	vm0 =	vmand vm4, vm5;
	_ =	sdelay $0x1  }
0x1f9: {  	v6 =	vld [tilespmem:s26+$0x3020];
	_ =	sdelay $0x3  }
0x1fa: {  	[tilespmem:v5+s19+$0x0] =	vst.idx.msk vm0, v4  }
0x1fb: {  	[tilespmem:v5+s20+$0x0] =	vst.idx.msk vm0, v6  }
0x1fc: {  	v4 =	vld [tilespmem:s26+$0x2030];
	_ =	sdelay $0x4  }
0x1fd: {  	vm6 =	vle.f32 v4, v2  }
0x1fe: {  	v5 =	vsel vm6, $0x1, v1  }
0x1ff: {  	(xrf0) =	vadd.scan.msk.s32 $0xffff, v5;
	_ =	sdelay $0x1  }
0x200: {  	v5 =	vmpcnt.ones.xlane vm0;
	_ =	sdelay $0x3  }
0x201: {  	v3 =	vadd.s32 v3, v5;
	v5, _, _ =	vpop (xrf0)  }
0x202: {  	v5 =	vadd.s32 v5, v3  }
0x203: {  	v5 =	vadd.s32 $0xFFFFFFFF, v5  }
0x204: {  	vm7 =	vlt.s32 v5, $0x200  }
0x205: {  	vm0 =	vmand vm6, vm7;
	_ =	sdelay $0x1  }
0x206: {  	v6 =	vld [tilespmem:s26+$0x3030];
	_ =	sdelay $0x3  }
0x207: {  	[tilespmem:v5+s19+$0x0] =	vst.idx.msk vm0, v4  }
0x208: {  	[tilespmem:v5+s20+$0x0] =	vst.idx.msk vm0, v6  }
0x209: {  	v4 =	vld [tilespmem:s26+$0x2040];
	_ =	sdelay $0x4  }
0x20a: {  	vm8 =	vle.f32 v4, v2  }
0x20b: {  	v5 =	vsel vm8, $0x1, v1  }
0x20c: {  	(xrf0) =	vadd.scan.msk.s32 $0xffff, v5;
	_ =	sdelay $0x1  }
0x20d: {  	v5 =	vmpcnt.ones.xlane vm0;
	_ =	sdelay $0x3  }
0x20e: {  	v3 =	vadd.s32 v3, v5;
	v5, _, _ =	vpop (xrf0)  }
0x20f: {  	v5 =	vadd.s32 v5, v3  }
0x210: {  	v5 =	vadd.s32 $0xFFFFFFFF, v5  }
0x211: {  	vm9 =	vlt.s32 v5, $0x200  }
0x212: {  	vm0 =	vmand vm8, vm9;
	_ =	sdelay $0x1  }
0x213: {  	v6 =	vld [tilespmem:s26+$0x3040];
	_ =	sdelay $0x3  }
0x214: {  	[tilespmem:v5+s19+$0x0] =	vst.idx.msk vm0, v4  }
0x215: {  	[tilespmem:v5+s20+$0x0] =	vst.idx.msk vm0, v6  }
0x216: {  	v4 =	vld [tilespmem:s26+$0x2050];
	_ =	sdelay $0x4  }
0x217: {  	vm10 =	vle.f32 v4, v2  }
0x218: {  	v5 =	vsel vm10, $0x1, v1  }
0x219: {  	(xrf0) =	vadd.scan.msk.s32 $0xffff, v5;
	_ =	sdelay $0x1  }
0x21a: {  	v5 =	vmpcnt.ones.xlane vm0;
	_ =	sdelay $0x3  }
0x21b: {  	v3 =	vadd.s32 v3, v5;
	v5, _, _ =	vpop (xrf0)  }
0x21c: {  	v5 =	vadd.s32 v5, v3  }
0x21d: {  	v5 =	vadd.s32 $0xFFFFFFFF, v5  }
0x21e: {  	vm11 =	vlt.s32 v5, $0x200  }
0x21f: {  	vm0 =	vmand vm10, vm11;
	_ =	sdelay $0x1  }
0x220: {  	v6 =	vld [tilespmem:s26+$0x3050];
	_ =	sdelay $0x3  }
0x221: {  	[tilespmem:v5+s19+$0x0] =	vst.idx.msk vm0, v4  }
0x222: {  	[tilespmem:v5+s20+$0x0] =	vst.idx.msk vm0, v6  }
0x223: {  	v4 =	vld [tilespmem:s26+$0x2060];
	_ =	sdelay $0x4  }
0x224: {  	vm12 =	vle.f32 v4, v2  }
0x225: {  	v5 =	vsel vm12, $0x1, v1  }
0x226: {  	(xrf0) =	vadd.scan.msk.s32 $0xffff, v5;
	_ =	sdelay $0x1  }
0x227: {  	v5 =	vmpcnt.ones.xlane vm0;
	_ =	sdelay $0x3  }
0x228: {  	v3 =	vadd.s32 v3, v5;
	v5, _, _ =	vpop (xrf0)  }
0x229: {  	v5 =	vadd.s32 v5, v3  }
0x22a: {  	v5 =	vadd.s32 $0xFFFFFFFF, v5  }
0x22b: {  	vm13 =	vlt.s32 v5, $0x200  }
0x22c: {  	vm0 =	vmand vm12, vm13;
	_ =	sdelay $0x1  }
0x22d: {  	v6 =	vld [tilespmem:s26+$0x3060];
	_ =	sdelay $0x3  }
0x22e: {  	[tilespmem:v5+s19+$0x0] =	vst.idx.msk vm0, v4  }
0x22f: {  	[tilespmem:v5+s20+$0x0] =	vst.idx.msk vm0, v6  }
0x230: {  	v4 =	vld [tilespmem:s26+$0x2070];
	_ =	sdelay $0x4  }
0x231: {  	vm14 =	vle.f32 v4, v2  }
0x232: {  	v5 =	vsel vm14, $0x1, v1  }
0x233: {  	(xrf0) =	vadd.scan.msk.s32 $0xffff, v5;
	_ =	sdelay $0x1  }
0x234: {  	v5 =	vmpcnt.ones.xlane vm0;
	_ =	sdelay $0x3  }
0x235: {  	v3 =	vadd.s32 v3, v5;
	v5, _, _ =	vpop (xrf0)  }
0x236: {  	v5 =	vadd.s32 v5, v3  }
0x237: {  	v5 =	vadd.s32 $0xFFFFFFFF, v5  }
0x238: {  	vm15 =	vlt.s32 v5, $0x200  }
0x239: {  	vm0 =	vmand vm14, vm15;
	_ =	sdelay $0x1  }
0x23a: {  	p0 =	sne.s32 s25, $0x3E00;
	v6 =	vld [tilespmem:s26+$0x3070]  }
.Ltmp3:
0x23b: {  	_ = 	snop;
	(pc) =	sbr.rel @p0 .LBB2_9-.Ltmp3, $4  }
0x23c: {  	_ = 	snop  }
0x23d: {  	v7 =	vmpcnt.ones.xlane vm0  }
0x23e: {  	[tilespmem:v5+s19+$0x0] =	vst.idx.msk vm0, v4  }
0x23f: {  	s25 =	sadd.s32 $0x200, s25;
	v3 =	vadd.s32 v3, v7;
	[tilespmem:v5+s20+$0x0] =	vst.idx.msk vm0, v6  }
0x240: {  	s25 =	sadd.s32 s9, s24  }
0x241: {  	[hbm4b:s25+s13] =	stream.strided.scatter [tilespmem:s19], [sflag:$0x3], $0x200, s14, s13, $0x38;
	[tilespmem:$0x4400] =	vst v63  }
0x242: {  	s23 =	sadd.s32 $0x1, s23;
	_ =	swait.ge [sflag:s21], $0x200  }
0x243: {  	p0 =	sne.s32 s23, $0x40;
	[sflag:s21] =	ssyncset.done $0x0  }
.Ltmp4:
0x244: {  	s31 =	sadd.s32 s10, s24;
	[sflag:s21] =	ssyncadd.s32 $0xFFFFFE00;
	(pc) =	sbr.rel @p0 .LBB2_2-.Ltmp4, $4  }
0x245: {  	[hbm4b:s31+s13] =	stream.strided.scatter [tilespmem:s20], [sflag:$0x3], $0x200, s14, s13, $0x38;
	[tilespmem:$0x4400] =	vst v63  }
0x246: {  	_ =	swait.ge [sflag:s21], $0x200  }
0x247: {  	[sflag:s21] =	ssyncset.done $0x0  }
0x248: {  	[sflag:s21] =	ssyncadd.s32 $0xFFFFFE00  }
0x249: {  	s2 =	sadd.s32 $0x1, s2  }
0x24a: {  	p0 =	sne.s32 s2, s12  }
.Ltmp5:
0x24b: {  	_ = 	snop;
	(pc) =	sbr.rel @p0 .LBB2_1-.Ltmp5, $1  }
0x24c: {  	_ =	sdelay $0x3  }
0x24d: {  	_ =	sfence.sel $0x180000  }
0x24e: {  	[bflag:$0x0] =	sbarrier.arrive $0xFFFF  }
0x24f: {  	p0 =	sne.s32 s7, $0x0;
	_ =	strace $0x90000047  }
0x250: {  	s0 =	sadd.s32 @!p0 $0x100000, s0;
	[bflag:$0x2] =	sbarrier.arrive $0xFFFF  }
0x251: {  	[sflag:s0] =	ssyncadd.tile.s32 @!p0 $0x1;
	_ =	shalt  }
.Lfunc_end2:
_tile_overlayer_lowered:
.L_overlay_start_2:
0x252: {  	(tag) =	ssettag $0x2  }
0x253: {  	s0 =	rddreg [dreg:$0x0];
	s2 =	stileid.u32  }
0x254: {  	s1 =	rddreg [dreg:$0x1];
	p0 =	sne.s32 s2, $0x0  }
0x255: {  	s3 =	rddreg [dreg:$0x2];
	[bflag:$0x3] =	sbarrier.arrive $0xFFFF;
	s2 =	simm.s32 @!p0 $0x1C03  }
0x256: {  	[timem:s3], [sflag:s2] =	dma.local @!p0 [hbm:s0], s1  }
0x257: {  	s0 =	simm.s32 @!p0 $0x3  }
0x258: {  	_ =	swait.ge @!p0 [sflag:s0], s1  }
0x259: {  	s1 =	ssub.s32 @!p0 $0x0, s1;
	[sflag:s0] =	ssyncset.done @!p0 $0x0  }
0x25a: {  	[sflag:s0] =	ssyncadd.s32 @!p0 s1  }
0x25b: {  	[bflag:$0x3] =	sbarrier.arrive $0xFFFF  }
0x25c: {  	_ =	shalt  }

</sc_bundles>
